<compile_context>
chip_gen: v7x
topology: tpu7x:2x2x1
jax: 0.10.2.dev20260603
libtpu: 0.0.44.dev20260713+nightly
codegen_flags: <defaults>
</compile_context>

<pallas_src>
import functools

import jax
import jax.numpy as jnp
from jax import lax
from jax.experimental import pallas as pl
from jax.experimental.pallas import tpu as pltpu
from jax.experimental.pallas import tpu_sc as plsc

NC = 2
NS = 16
NW = NC * NS

NB = 16


def _build(B0, S, V, D):
    rows_per_w = B0 // NW
    n_iter = rows_per_w // NB
    n_pairs = n_iter // 2
    assert rows_per_w * NW == B0
    assert n_pairs * 2 * NB == rows_per_w

    mesh = plsc.VectorSubcoreMesh(core_axis_name="c", subcore_axis_name="s")

    @functools.partial(
        pl.kernel,
        mesh=mesh,
        out_type=jax.ShapeDtypeStruct((S, D // 8, B0 // 128, 8, 128),
                                      jnp.float32),
        scratch_types=[
            pltpu.VMEM((rows_per_w, S), jnp.int32),
            pltpu.VMEM((2, NB, S, D), jnp.float32),
            pltpu.VMEM((S, D // 8, 8, NB + 1), jnp.float32),
            pltpu.SemaphoreType.DMA,
            pltpu.SemaphoreType.DMA,
            pltpu.SemaphoreType.DMA,
        ],
        compiler_params=pltpu.CompilerParams(
            use_tc_tiling_on_sc=False, needs_layout_passes=False),
    )
    def k(idx_hbm, table_hbm, out_hbm, idx_all, rows, tbuf, gsem0, gsem1,
          ssem):
        wid = lax.axis_index("s") * NC + lax.axis_index("c")
        base = wid * rows_per_w

        pltpu.sync_copy(idx_hbm.at[pl.ds(base, rows_per_w)], idx_all)

        def fire_gathers(it, buf, gsem):
            for j in range(NB):
                pltpu.async_copy(
                    table_hbm.at[idx_all.at[it * NB + j]],
                    rows.at[buf, j],
                    gsem)

        def wait_gathers(buf, gsem):
            for j in range(NB):
                pltpu.make_async_copy(
                    table_hbm.at[idx_all.at[0]],
                    rows.at[buf, j],
                    gsem).wait()

        def fire_store(it):
            b0 = base + it * NB
            bt = b0 // 128
            bl = b0 % 128
            pltpu.async_copy(
                tbuf.at[:, :, :, pl.ds(0, NB)],
                out_hbm.at[:, :, bt, :, pl.ds(bl, NB)],
                ssem)

        def wait_store():
            pltpu.make_async_copy(
                tbuf.at[:, :, :, pl.ds(0, NB)],
                out_hbm.at[:, :, 0, :, pl.ds(0, NB)],
                ssem).wait()

        iot = lax.iota(jnp.int32, 16)
        ct_lo = iot // 8
        cs_lo = lax.rem(iot, 8)
        ct_hi = ct_lo + 2

        def transpose_rows(buf):
            def srow(s, carry):
                for j in range(NB):
                    jv = jnp.full((16,), j, jnp.int32)
                    sv = jnp.full((16,), s, jnp.int32)
                    v0 = rows[buf, j, s, pl.ds(0, 16)]
                    plsc.store_scatter(tbuf, [sv, ct_lo, cs_lo, jv], v0)
                    v1 = rows[buf, j, s, pl.ds(16, 16)]
                    plsc.store_scatter(tbuf, [sv, ct_hi, cs_lo, jv], v1)
                return carry
            lax.fori_loop(0, S, srow, 0)

        fire_gathers(0, 0, gsem0)

        def body(p, carry):
            it0 = 2 * p
            it1 = it0 + 1
            fire_gathers(it1, 1, gsem1)
            wait_gathers(0, gsem0)
            @pl.when(p > 0)
            def _():
                wait_store()
            transpose_rows(0)
            fire_store(it0)
            @pl.when(p < n_pairs - 1)
            def _():
                fire_gathers(it0 + 2, 0, gsem0)
            wait_gathers(1, gsem1)
            wait_store()
            transpose_rows(1)
            fire_store(it1)
            return carry

        lax.fori_loop(0, n_pairs, body, 0)
        wait_store()

    return k


def kernel(token_ids, weights):
    B0, S = token_ids.shape
    V, D = weights.shape
    out5 = _build(B0, S, V, D)(token_ids, weights)
    return out5.transpose(2, 4, 0, 1, 3).reshape(B0, S, D)

# --- scband reference (transcript-rebuilt; emitter-appended) ---
"""Pipeline reference for scband-embedding-34136400068935 (READ-ONLY COPY).

The authoritative reference and input builder live on the scoring server;
editing this copy changes nothing except your own understanding.
"""

import jax, jax.numpy as jnp
import numpy as np

NUM_EMBEDDINGS = 1000000
EMBEDDING_DIM = 32

def setup_inputs(seed: int = 0) -> dict:
    key = jax.random.key(seed)
    k_idx, k_w = jax.random.split(key)
    token_ids = jax.random.randint(k_idx, (16384, 50), 0, NUM_EMBEDDINGS, dtype=jnp.int64 if jax.config.jax_enable_x64 else jnp.int32)
    # trunc_normal_(mean=0, std=1, a=-3, b=3)
    weights = jax.random.truncated_normal(k_w, -3.0, 3.0, (NUM_EMBEDDINGS, EMBEDDING_DIM), dtype=jnp.float32)
    return {"token_ids": token_ids, "weights": weights}

def reference(token_ids, weights):
    return weights[token_ids]

if __name__ == "__main__":
    import jax
    _d = setup_inputs()
    print(jax.jit(kernel)(*tuple(_d.values())))

</pallas_src>

<mosaic_0001>
#map = affine_map<(d0, d1) -> (0, 0)>
#map1 = affine_map<(d0, d1) -> (0, 0, 0, 0, 0)>
module attributes {stable_mosaic.version = 14 : i64} {
  func.func @k(%arg0: i32, %arg1: i32, %arg2: memref<16384x50xi32, #tpu.memory_space<hbm>>, %arg3: memref<1000000x32xf32, #tpu.memory_space<hbm>>, %arg4: memref<50x4x128x8x128xf32, #tpu.memory_space<hbm>>, %arg5: memref<512x50xi32, #tpu.memory_space<vmem>>, %arg6: memref<2x16x50x32xf32, #tpu.memory_space<vmem>>, %arg7: memref<50x4x8x17xf32, #tpu.memory_space<vmem>>, %arg8: memref<!tpu.dma_semaphore, #tpu.memory_space<semaphore_mem>>, %arg9: memref<!tpu.dma_semaphore, #tpu.memory_space<semaphore_mem>>, %arg10: memref<!tpu.dma_semaphore, #tpu.memory_space<semaphore_mem>>) attributes {dimension_semantics = [#tpu.dimension_semantics<core_parallel>, #tpu.dimension_semantics<subcore_parallel>], iteration_bounds = array<i64: 2, 16>, scalar_prefetch = 0 : i64, scratch_operands = 6 : i64, tpu.core_type = #tpu.core_type<sc_vector_subcore>, window_params = [{transform_indices = #map}, {transform_indices = #map}, {transform_indices = #map1}]} {
    %mul3A = arith.constant 2 : i32
    %mul3A_0 = arith.muli %arg1, %mul3A : i32
    %add3A = arith.addi %mul3A_0, %arg0 : i32
    %mul3A_1 = arith.constant 512 : i32
    %mul3A_2 = arith.muli %add3A, %mul3A_1 : i32
    "tpu.region"() ({
      %run_scoped3A = tpu.sem_alloc : memref<!tpu.dma_semaphore, #tpu.memory_space<semaphore_mem>>
      %dma_start3A_266 = arith.constant 0 : i32
      %dma_start3A_267 = tpu.memref_slice %arg2[%mul3A_2, %dma_start3A_266] : memref<16384x50xi32, #tpu.memory_space<hbm>> -> memref<512x50xi32, #tpu.memory_space<hbm>>
      %dma_start3A_268 = arith.constant 0 : i32
      %dma_start3A_269 = tpu.memref_slice %arg2[%mul3A_2, %dma_start3A_268] : memref<16384x50xi32, #tpu.memory_space<hbm>> -> memref<512x50xi32, #tpu.memory_space<hbm>>
      tpu.enqueue_dma source(%dma_start3A_269 : memref<512x50xi32, #tpu.memory_space<hbm>>) target(%arg5 : memref<512x50xi32, #tpu.memory_space<vmem>>) target_semaphore(%run_scoped3A : memref<!tpu.dma_semaphore, #tpu.memory_space<semaphore_mem>>)
      %dma_wait3A_270 = arith.constant 0 : i32
      %dma_wait3A_271 = tpu.memref_slice %arg2[%mul3A_2, %dma_wait3A_270] : memref<16384x50xi32, #tpu.memory_space<hbm>> -> memref<512x50xi32, #tpu.memory_space<hbm>>
      %dma_wait3A_272 = arith.constant 0 : i32
      %dma_wait3A_273 = tpu.memref_slice %arg2[%mul3A_2, %dma_wait3A_272] : memref<16384x50xi32, #tpu.memory_space<hbm>> -> memref<512x50xi32, #tpu.memory_space<hbm>>
      tpu.wait_dma2 semaphore(%run_scoped3A : memref<!tpu.dma_semaphore, #tpu.memory_space<semaphore_mem>>) src(%dma_wait3A_273 : memref<512x50xi32, #tpu.memory_space<hbm>>) dst(%arg5 : memref<512x50xi32, #tpu.memory_space<vmem>>)
      tpu.yield
    }) : () -> ()
    %iota3A = tpu.iota {dimensions = array<i32: 0>} : vector<16xi32>
    %jit3A = arith.constant 8 : i32
    %div3A = vector.broadcast %jit3A : i32 to vector<16xi32>
    %div3A_3 = arith.divsi %iota3A, %div3A : vector<16xi32>
    %sign3A = arith.constant 0 : i32
    %sign3A_4 = vector.broadcast %sign3A : i32 to vector<16xi32>
    %sign3A_5 = arith.cmpi sgt, %iota3A, %sign3A_4 : vector<16xi32>
    %sign3A_6 = arith.extui %sign3A_5 : vector<16xi1> to vector<16xi32>
    %sign3A_7 = arith.constant 0 : i32
    %sign3A_8 = vector.broadcast %sign3A_7 : i32 to vector<16xi32>
    %sign3A_9 = arith.cmpi slt, %iota3A, %sign3A_8 : vector<16xi32>
    %sign3A_10 = arith.extui %sign3A_9 : vector<16xi1> to vector<16xi32>
    %sign3A_11 = arith.subi %sign3A_6, %sign3A_10 : vector<16xi32>
    %sign3A_12 = arith.constant 0 : i32
    %sign3A_13 = arith.cmpi sgt, %jit3A, %sign3A_12 : i32
    %sign3A_14 = arith.extui %sign3A_13 : i1 to i32
    %sign3A_15 = arith.constant 0 : i32
    %sign3A_16 = arith.cmpi slt, %jit3A, %sign3A_15 : i32
    %sign3A_17 = arith.extui %sign3A_16 : i1 to i32
    %sign3A_18 = arith.subi %sign3A_14, %sign3A_17 : i32
    %ne3A = vector.broadcast %sign3A_18 : i32 to vector<16xi32>
    %ne3A_19 = arith.cmpi ne, %sign3A_11, %ne3A : vector<16xi32>
    %rem3A = vector.broadcast %jit3A : i32 to vector<16xi32>
    %rem3A_20 = arith.remsi %iota3A, %rem3A : vector<16xi32>
    %ne3A_21 = arith.constant 0 : i32
    %ne3A_22 = vector.broadcast %ne3A_21 : i32 to vector<16xi32>
    %ne3A_23 = arith.cmpi ne, %rem3A_20, %ne3A_22 : vector<16xi32>
    %and3A = arith.andi %ne3A_19, %ne3A_23 : vector<16xi1>
    %sub3A = arith.constant 1 : i32
    %sub3A_24 = vector.broadcast %sub3A : i32 to vector<16xi32>
    %sub3A_25 = arith.subi %div3A_3, %sub3A_24 : vector<16xi32>
    %select_n3A = arith.select %and3A, %sub3A_25, %div3A_3 : vector<16xi1>, vector<16xi32>
    %rem3A_26 = arith.constant 8 : i32
    %rem3A_27 = vector.broadcast %rem3A_26 : i32 to vector<16xi32>
    %rem3A_28 = arith.remsi %iota3A, %rem3A_27 : vector<16xi32>
    %add3A_29 = arith.constant 2 : i32
    %add3A_30 = vector.broadcast %add3A_29 : i32 to vector<16xi32>
    %add3A_31 = arith.addi %select_n3A, %add3A_30 : vector<16xi32>
    %dma_start3A = arith.constant 0 : i32
    %dma_start3A_32 = arith.constant 0 : i32
    %dma_start3A_33 = arith.constant 0 : i32
    %dma_start3A_34 = arith.constant 0 : i32
    %dma_start3A_35 = arith.constant 0 : i32
    %dma_start3A_36 = tpu.memref_slice %arg6[%dma_start3A_32, %dma_start3A_33, %dma_start3A_34, %dma_start3A_35] : memref<2x16x50x32xf32, #tpu.memory_space<vmem>> -> memref<1x1x50x32xf32, #tpu.memory_space<vmem>>
    %dma_start3A_37 = tpu.memref_squeeze %dma_start3A_36 : memref<1x1x50x32xf32, #tpu.memory_space<vmem>> -> memref<50x32xf32, #tpu.memory_space<vmem>>
    %dma_start3A_38 = arith.constant 0 : i32
    %dma_start3A_39 = tpu.memref_slice %arg5[%dma_start3A, %dma_start3A_38] : memref<512x50xi32, #tpu.memory_space<vmem>> -> memref<1x50xi32, #tpu.memory_space<vmem>>
    %dma_start3A_40 = tpu.memref_squeeze %dma_start3A_39 : memref<1x50xi32, #tpu.memory_space<vmem>> -> memref<50xi32, #tpu.memory_space<vmem>>
    %dma_start3A_41 = arith.constant 0 : i32
    %dma_start3A_42 = arith.constant 0 : i32
    %dma_start3A_43 = tpu.memref_slice %arg3[%dma_start3A_41, %dma_start3A_42] : memref<1000000x32xf32, #tpu.memory_space<hbm>> -> memref<1000000x32xf32, #tpu.memory_space<hbm>>
    tpu.enqueue_indirect_dma source(%dma_start3A_43 : memref<1000000x32xf32, #tpu.memory_space<hbm>>) target(%dma_start3A_37 : memref<50x32xf32, #tpu.memory_space<vmem>>) offsets(%dma_start3A_40 : memref<50xi32, #tpu.memory_space<vmem>>) semaphore(%arg8 : memref<!tpu.dma_semaphore, #tpu.memory_space<semaphore_mem>>)
    %dma_start3A_44 = arith.constant 1 : i32
    %dma_start3A_45 = arith.constant 0 : i32
    %dma_start3A_46 = arith.constant 1 : i32
    %dma_start3A_47 = arith.constant 0 : i32
    %dma_start3A_48 = arith.constant 0 : i32
    %dma_start3A_49 = tpu.memref_slice %arg6[%dma_start3A_45, %dma_start3A_46, %dma_start3A_47, %dma_start3A_48] : memref<2x16x50x32xf32, #tpu.memory_space<vmem>> -> memref<1x1x50x32xf32, #tpu.memory_space<vmem>>
    %dma_start3A_50 = tpu.memref_squeeze %dma_start3A_49 : memref<1x1x50x32xf32, #tpu.memory_space<vmem>> -> memref<50x32xf32, #tpu.memory_space<vmem>>
    %dma_start3A_51 = arith.constant 0 : i32
    %dma_start3A_52 = tpu.memref_slice %arg5[%dma_start3A_44, %dma_start3A_51] : memref<512x50xi32, #tpu.memory_space<vmem>> -> memref<1x50xi32, #tpu.memory_space<vmem>>
    %dma_start3A_53 = tpu.memref_squeeze %dma_start3A_52 : memref<1x50xi32, #tpu.memory_space<vmem>> -> memref<50xi32, #tpu.memory_space<vmem>>
    %dma_start3A_54 = arith.constant 0 : i32
    %dma_start3A_55 = arith.constant 0 : i32
    %dma_start3A_56 = tpu.memref_slice %arg3[%dma_start3A_54, %dma_start3A_55] : memref<1000000x32xf32, #tpu.memory_space<hbm>> -> memref<1000000x32xf32, #tpu.memory_space<hbm>>
    tpu.enqueue_indirect_dma source(%dma_start3A_56 : memref<1000000x32xf32, #tpu.memory_space<hbm>>) target(%dma_start3A_50 : memref<50x32xf32, #tpu.memory_space<vmem>>) offsets(%dma_start3A_53 : memref<50xi32, #tpu.memory_space<vmem>>) semaphore(%arg8 : memref<!tpu.dma_semaphore, #tpu.memory_space<semaphore_mem>>)
    %dma_start3A_57 = arith.constant 2 : i32
    %dma_start3A_58 = arith.constant 0 : i32
    %dma_start3A_59 = arith.constant 2 : i32
    %dma_start3A_60 = arith.constant 0 : i32
    %dma_start3A_61 = arith.constant 0 : i32
    %dma_start3A_62 = tpu.memref_slice %arg6[%dma_start3A_58, %dma_start3A_59, %dma_start3A_60, %dma_start3A_61] : memref<2x16x50x32xf32, #tpu.memory_space<vmem>> -> memref<1x1x50x32xf32, #tpu.memory_space<vmem>>
    %dma_start3A_63 = tpu.memref_squeeze %dma_start3A_62 : memref<1x1x50x32xf32, #tpu.memory_space<vmem>> -> memref<50x32xf32, #tpu.memory_space<vmem>>
    %dma_start3A_64 = arith.constant 0 : i32
    %dma_start3A_65 = tpu.memref_slice %arg5[%dma_start3A_57, %dma_start3A_64] : memref<512x50xi32, #tpu.memory_space<vmem>> -> memref<1x50xi32, #tpu.memory_space<vmem>>
    %dma_start3A_66 = tpu.memref_squeeze %dma_start3A_65 : memref<1x50xi32, #tpu.memory_space<vmem>> -> memref<50xi32, #tpu.memory_space<vmem>>
    %dma_start3A_67 = arith.constant 0 : i32
    %dma_start3A_68 = arith.constant 0 : i32
    %dma_start3A_69 = tpu.memref_slice %arg3[%dma_start3A_67, %dma_start3A_68] : memref<1000000x32xf32, #tpu.memory_space<hbm>> -> memref<1000000x32xf32, #tpu.memory_space<hbm>>
    tpu.enqueue_indirect_dma source(%dma_start3A_69 : memref<1000000x32xf32, #tpu.memory_space<hbm>>) target(%dma_start3A_63 : memref<50x32xf32, #tpu.memory_space<vmem>>) offsets(%dma_start3A_66 : memref<50xi32, #tpu.memory_space<vmem>>) semaphore(%arg8 : memref<!tpu.dma_semaphore, #tpu.memory_space<semaphore_mem>>)
    %dma_start3A_70 = arith.constant 3 : i32
    %dma_start3A_71 = arith.constant 0 : i32
    %dma_start3A_72 = arith.constant 3 : i32
    %dma_start3A_73 = arith.constant 0 : i32
    %dma_start3A_74 = arith.constant 0 : i32
    %dma_start3A_75 = tpu.memref_slice %arg6[%dma_start3A_71, %dma_start3A_72, %dma_start3A_73, %dma_start3A_74] : memref<2x16x50x32xf32, #tpu.memory_space<vmem>> -> memref<1x1x50x32xf32, #tpu.memory_space<vmem>>
    %dma_start3A_76 = tpu.memref_squeeze %dma_start3A_75 : memref<1x1x50x32xf32, #tpu.memory_space<vmem>> -> memref<50x32xf32, #tpu.memory_space<vmem>>
    %dma_start3A_77 = arith.constant 0 : i32
    %dma_start3A_78 = tpu.memref_slice %arg5[%dma_start3A_70, %dma_start3A_77] : memref<512x50xi32, #tpu.memory_space<vmem>> -> memref<1x50xi32, #tpu.memory_space<vmem>>
    %dma_start3A_79 = tpu.memref_squeeze %dma_start3A_78 : memref<1x50xi32, #tpu.memory_space<vmem>> -> memref<50xi32, #tpu.memory_space<vmem>>
    %dma_start3A_80 = arith.constant 0 : i32
    %dma_start3A_81 = arith.constant 0 : i32
    %dma_start3A_82 = tpu.memref_slice %arg3[%dma_start3A_80, %dma_start3A_81] : memref<1000000x32xf32, #tpu.memory_space<hbm>> -> memref<1000000x32xf32, #tpu.memory_space<hbm>>
    tpu.enqueue_indirect_dma source(%dma_start3A_82 : memref<1000000x32xf32, #tpu.memory_space<hbm>>) target(%dma_start3A_76 : memref<50x32xf32, #tpu.memory_space<vmem>>) offsets(%dma_start3A_79 : memref<50xi32, #tpu.memory_space<vmem>>) semaphore(%arg8 : memref<!tpu.dma_semaphore, #tpu.memory_space<semaphore_mem>>)
    %dma_start3A_83 = arith.constant 4 : i32
    %dma_start3A_84 = arith.constant 0 : i32
    %dma_start3A_85 = arith.constant 4 : i32
    %dma_start3A_86 = arith.constant 0 : i32
    %dma_start3A_87 = arith.constant 0 : i32
    %dma_start3A_88 = tpu.memref_slice %arg6[%dma_start3A_84, %dma_start3A_85, %dma_start3A_86, %dma_start3A_87] : memref<2x16x50x32xf32, #tpu.memory_space<vmem>> -> memref<1x1x50x32xf32, #tpu.memory_space<vmem>>
    %dma_start3A_89 = tpu.memref_squeeze %dma_start3A_88 : memref<1x1x50x32xf32, #tpu.memory_space<vmem>> -> memref<50x32xf32, #tpu.memory_space<vmem>>
    %dma_start3A_90 = arith.constant 0 : i32
    %dma_start3A_91 = tpu.memref_slice %arg5[%dma_start3A_83, %dma_start3A_90] : memref<512x50xi32, #tpu.memory_space<vmem>> -> memref<1x50xi32, #tpu.memory_space<vmem>>
    %dma_start3A_92 = tpu.memref_squeeze %dma_start3A_91 : memref<1x50xi32, #tpu.memory_space<vmem>> -> memref<50xi32, #tpu.memory_space<vmem>>
    %dma_start3A_93 = arith.constant 0 : i32
    %dma_start3A_94 = arith.constant 0 : i32
    %dma_start3A_95 = tpu.memref_slice %arg3[%dma_start3A_93, %dma_start3A_94] : memref<1000000x32xf32, #tpu.memory_space<hbm>> -> memref<1000000x32xf32, #tpu.memory_space<hbm>>
    tpu.enqueue_indirect_dma source(%dma_start3A_95 : memref<1000000x32xf32, #tpu.memory_space<hbm>>) target(%dma_start3A_89 : memref<50x32xf32, #tpu.memory_space<vmem>>) offsets(%dma_start3A_92 : memref<50xi32, #tpu.memory_space<vmem>>) semaphore(%arg8 : memref<!tpu.dma_semaphore, #tpu.memory_space<semaphore_mem>>)
    %dma_start3A_96 = arith.constant 5 : i32
    %dma_start3A_97 = arith.constant 0 : i32
    %dma_start3A_98 = arith.constant 5 : i32
    %dma_start3A_99 = arith.constant 0 : i32
    %dma_start3A_100 = arith.constant 0 : i32
    %dma_start3A_101 = tpu.memref_slice %arg6[%dma_start3A_97, %dma_start3A_98, %dma_start3A_99, %dma_start3A_100] : memref<2x16x50x32xf32, #tpu.memory_space<vmem>> -> memref<1x1x50x32xf32, #tpu.memory_space<vmem>>
    %dma_start3A_102 = tpu.memref_squeeze %dma_start3A_101 : memref<1x1x50x32xf32, #tpu.memory_space<vmem>> -> memref<50x32xf32, #tpu.memory_space<vmem>>
    %dma_start3A_103 = arith.constant 0 : i32
    %dma_start3A_104 = tpu.memref_slice %arg5[%dma_start3A_96, %dma_start3A_103] : memref<512x50xi32, #tpu.memory_space<vmem>> -> memref<1x50xi32, #tpu.memory_space<vmem>>
    %dma_start3A_105 = tpu.memref_squeeze %dma_start3A_104 : memref<1x50xi32, #tpu.memory_space<vmem>> -> memref<50xi32, #tpu.memory_space<vmem>>
    %dma_start3A_106 = arith.constant 0 : i32
    %dma_start3A_107 = arith.constant 0 : i32
    %dma_start3A_108 = tpu.memref_slice %arg3[%dma_start3A_106, %dma_start3A_107] : memref<1000000x32xf32, #tpu.memory_space<hbm>> -> memref<1000000x32xf32, #tpu.memory_space<hbm>>
    tpu.enqueue_indirect_dma source(%dma_start3A_108 : memref<1000000x32xf32, #tpu.memory_space<hbm>>) target(%dma_start3A_102 : memref<50x32xf32, #tpu.memory_space<vmem>>) offsets(%dma_start3A_105 : memref<50xi32, #tpu.memory_space<vmem>>) semaphore(%arg8 : memref<!tpu.dma_semaphore, #tpu.memory_space<semaphore_mem>>)
    %dma_start3A_109 = arith.constant 6 : i32
    %dma_start3A_110 = arith.constant 0 : i32
    %dma_start3A_111 = arith.constant 6 : i32
    %dma_start3A_112 = arith.constant 0 : i32
    %dma_start3A_113 = arith.constant 0 : i32
    %dma_start3A_114 = tpu.memref_slice %arg6[%dma_start3A_110, %dma_start3A_111, %dma_start3A_112, %dma_start3A_113] : memref<2x16x50x32xf32, #tpu.memory_space<vmem>> -> memref<1x1x50x32xf32, #tpu.memory_space<vmem>>
    %dma_start3A_115 = tpu.memref_squeeze %dma_start3A_114 : memref<1x1x50x32xf32, #tpu.memory_space<vmem>> -> memref<50x32xf32, #tpu.memory_space<vmem>>
    %dma_start3A_116 = arith.constant 0 : i32
    %dma_start3A_117 = tpu.memref_slice %arg5[%dma_start3A_109, %dma_start3A_116] : memref<512x50xi32, #tpu.memory_space<vmem>> -> memref<1x50xi32, #tpu.memory_space<vmem>>
    %dma_start3A_118 = tpu.memref_squeeze %dma_start3A_117 : memref<1x50xi32, #tpu.memory_space<vmem>> -> memref<50xi32, #tpu.memory_space<vmem>>
    %dma_start3A_119 = arith.constant 0 : i32
    %dma_start3A_120 = arith.constant 0 : i32
    %dma_start3A_121 = tpu.memref_slice %arg3[%dma_start3A_119, %dma_start3A_120] : memref<1000000x32xf32, #tpu.memory_space<hbm>> -> memref<1000000x32xf32, #tpu.memory_space<hbm>>
    tpu.enqueue_indirect_dma source(%dma_start3A_121 : memref<1000000x32xf32, #tpu.memory_space<hbm>>) target(%dma_start3A_115 : memref<50x32xf32, #tpu.memory_space<vmem>>) offsets(%dma_start3A_118 : memref<50xi32, #tpu.memory_space<vmem>>) semaphore(%arg8 : memref<!tpu.dma_semaphore, #tpu.memory_space<semaphore_mem>>)
    %dma_start3A_122 = arith.constant 7 : i32
    %dma_start3A_123 = arith.constant 0 : i32
    %dma_start3A_124 = arith.constant 7 : i32
    %dma_start3A_125 = arith.constant 0 : i32
    %dma_start3A_126 = arith.constant 0 : i32
    %dma_start3A_127 = tpu.memref_slice %arg6[%dma_start3A_123, %dma_start3A_124, %dma_start3A_125, %dma_start3A_126] : memref<2x16x50x32xf32, #tpu.memory_space<vmem>> -> memref<1x1x50x32xf32, #tpu.memory_space<vmem>>
    %dma_start3A_128 = tpu.memref_squeeze %dma_start3A_127 : memref<1x1x50x32xf32, #tpu.memory_space<vmem>> -> memref<50x32xf32, #tpu.memory_space<vmem>>
    %dma_start3A_129 = arith.constant 0 : i32
    %dma_start3A_130 = tpu.memref_slice %arg5[%dma_start3A_122, %dma_start3A_129] : memref<512x50xi32, #tpu.memory_space<vmem>> -> memref<1x50xi32, #tpu.memory_space<vmem>>
    %dma_start3A_131 = tpu.memref_squeeze %dma_start3A_130 : memref<1x50xi32, #tpu.memory_space<vmem>> -> memref<50xi32, #tpu.memory_space<vmem>>
    %dma_start3A_132 = arith.constant 0 : i32
    %dma_start3A_133 = arith.constant 0 : i32
    %dma_start3A_134 = tpu.memref_slice %arg3[%dma_start3A_132, %dma_start3A_133] : memref<1000000x32xf32, #tpu.memory_space<hbm>> -> memref<1000000x32xf32, #tpu.memory_space<hbm>>
    tpu.enqueue_indirect_dma source(%dma_start3A_134 : memref<1000000x32xf32, #tpu.memory_space<hbm>>) target(%dma_start3A_128 : memref<50x32xf32, #tpu.memory_space<vmem>>) offsets(%dma_start3A_131 : memref<50xi32, #tpu.memory_space<vmem>>) semaphore(%arg8 : memref<!tpu.dma_semaphore, #tpu.memory_space<semaphore_mem>>)
    %dma_start3A_135 = arith.constant 8 : i32
    %dma_start3A_136 = arith.constant 0 : i32
    %dma_start3A_137 = arith.constant 8 : i32
    %dma_start3A_138 = arith.constant 0 : i32
    %dma_start3A_139 = arith.constant 0 : i32
    %dma_start3A_140 = tpu.memref_slice %arg6[%dma_start3A_136, %dma_start3A_137, %dma_start3A_138, %dma_start3A_139] : memref<2x16x50x32xf32, #tpu.memory_space<vmem>> -> memref<1x1x50x32xf32, #tpu.memory_space<vmem>>
    %dma_start3A_141 = tpu.memref_squeeze %dma_start3A_140 : memref<1x1x50x32xf32, #tpu.memory_space<vmem>> -> memref<50x32xf32, #tpu.memory_space<vmem>>
    %dma_start3A_142 = arith.constant 0 : i32
    %dma_start3A_143 = tpu.memref_slice %arg5[%dma_start3A_135, %dma_start3A_142] : memref<512x50xi32, #tpu.memory_space<vmem>> -> memref<1x50xi32, #tpu.memory_space<vmem>>
    %dma_start3A_144 = tpu.memref_squeeze %dma_start3A_143 : memref<1x50xi32, #tpu.memory_space<vmem>> -> memref<50xi32, #tpu.memory_space<vmem>>
    %dma_start3A_145 = arith.constant 0 : i32
    %dma_start3A_146 = arith.constant 0 : i32
    %dma_start3A_147 = tpu.memref_slice %arg3[%dma_start3A_145, %dma_start3A_146] : memref<1000000x32xf32, #tpu.memory_space<hbm>> -> memref<1000000x32xf32, #tpu.memory_space<hbm>>
    tpu.enqueue_indirect_dma source(%dma_start3A_147 : memref<1000000x32xf32, #tpu.memory_space<hbm>>) target(%dma_start3A_141 : memref<50x32xf32, #tpu.memory_space<vmem>>) offsets(%dma_start3A_144 : memref<50xi32, #tpu.memory_space<vmem>>) semaphore(%arg8 : memref<!tpu.dma_semaphore, #tpu.memory_space<semaphore_mem>>)
    %dma_start3A_148 = arith.constant 9 : i32
    %dma_start3A_149 = arith.constant 0 : i32
    %dma_start3A_150 = arith.constant 9 : i32
    %dma_start3A_151 = arith.constant 0 : i32
    %dma_start3A_152 = arith.constant 0 : i32
    %dma_start3A_153 = tpu.memref_slice %arg6[%dma_start3A_149, %dma_start3A_150, %dma_start3A_151, %dma_start3A_152] : memref<2x16x50x32xf32, #tpu.memory_space<vmem>> -> memref<1x1x50x32xf32, #tpu.memory_space<vmem>>
    %dma_start3A_154 = tpu.memref_squeeze %dma_start3A_153 : memref<1x1x50x32xf32, #tpu.memory_space<vmem>> -> memref<50x32xf32, #tpu.memory_space<vmem>>
    %dma_start3A_155 = arith.constant 0 : i32
    %dma_start3A_156 = tpu.memref_slice %arg5[%dma_start3A_148, %dma_start3A_155] : memref<512x50xi32, #tpu.memory_space<vmem>> -> memref<1x50xi32, #tpu.memory_space<vmem>>
    %dma_start3A_157 = tpu.memref_squeeze %dma_start3A_156 : memref<1x50xi32, #tpu.memory_space<vmem>> -> memref<50xi32, #tpu.memory_space<vmem>>
    %dma_start3A_158 = arith.constant 0 : i32
    %dma_start3A_159 = arith.constant 0 : i32
    %dma_start3A_160 = tpu.memref_slice %arg3[%dma_start3A_158, %dma_start3A_159] : memref<1000000x32xf32, #tpu.memory_space<hbm>> -> memref<1000000x32xf32, #tpu.memory_space<hbm>>
    tpu.enqueue_indirect_dma source(%dma_start3A_160 : memref<1000000x32xf32, #tpu.memory_space<hbm>>) target(%dma_start3A_154 : memref<50x32xf32, #tpu.memory_space<vmem>>) offsets(%dma_start3A_157 : memref<50xi32, #tpu.memory_space<vmem>>) semaphore(%arg8 : memref<!tpu.dma_semaphore, #tpu.memory_space<semaphore_mem>>)
    %dma_start3A_161 = arith.constant 10 : i32
    %dma_start3A_162 = arith.constant 0 : i32
    %dma_start3A_163 = arith.constant 10 : i32
    %dma_start3A_164 = arith.constant 0 : i32
    %dma_start3A_165 = arith.constant 0 : i32
    %dma_start3A_166 = tpu.memref_slice %arg6[%dma_start3A_162, %dma_start3A_163, %dma_start3A_164, %dma_start3A_165] : memref<2x16x50x32xf32, #tpu.memory_space<vmem>> -> memref<1x1x50x32xf32, #tpu.memory_space<vmem>>
    %dma_start3A_167 = tpu.memref_squeeze %dma_start3A_166 : memref<1x1x50x32xf32, #tpu.memory_space<vmem>> -> memref<50x32xf32, #tpu.memory_space<vmem>>
    %dma_start3A_168 = arith.constant 0 : i32
    %dma_start3A_169 = tpu.memref_slice %arg5[%dma_start3A_161, %dma_start3A_168] : memref<512x50xi32, #tpu.memory_space<vmem>> -> memref<1x50xi32, #tpu.memory_space<vmem>>
    %dma_start3A_170 = tpu.memref_squeeze %dma_start3A_169 : memref<1x50xi32, #tpu.memory_space<vmem>> -> memref<50xi32, #tpu.memory_space<vmem>>
    %dma_start3A_171 = arith.constant 0 : i32
    %dma_start3A_172 = arith.constant 0 : i32
    %dma_start3A_173 = tpu.memref_slice %arg3[%dma_start3A_171, %dma_start3A_172] : memref<1000000x32xf32, #tpu.memory_space<hbm>> -> memref<1000000x32xf32, #tpu.memory_space<hbm>>
    tpu.enqueue_indirect_dma source(%dma_start3A_173 : memref<1000000x32xf32, #tpu.memory_space<hbm>>) target(%dma_start3A_167 : memref<50x32xf32, #tpu.memory_space<vmem>>) offsets(%dma_start3A_170 : memref<50xi32, #tpu.memory_space<vmem>>) semaphore(%arg8 : memref<!tpu.dma_semaphore, #tpu.memory_space<semaphore_mem>>)
    %dma_start3A_174 = arith.constant 11 : i32
    %dma_start3A_175 = arith.constant 0 : i32
    %dma_start3A_176 = arith.constant 11 : i32
    %dma_start3A_177 = arith.constant 0 : i32
    %dma_start3A_178 = arith.constant 0 : i32
    %dma_start3A_179 = tpu.memref_slice %arg6[%dma_start3A_175, %dma_start3A_176, %dma_start3A_177, %dma_start3A_178] : memref<2x16x50x32xf32, #tpu.memory_space<vmem>> -> memref<1x1x50x32xf32, #tpu.memory_space<vmem>>
    %dma_start3A_180 = tpu.memref_squeeze %dma_start3A_179 : memref<1x1x50x32xf32, #tpu.memory_space<vmem>> -> memref<50x32xf32, #tpu.memory_space<vmem>>
    %dma_start3A_181 = arith.constant 0 : i32
    %dma_start3A_182 = tpu.memref_slice %arg5[%dma_start3A_174, %dma_start3A_181] : memref<512x50xi32, #tpu.memory_space<vmem>> -> memref<1x50xi32, #tpu.memory_space<vmem>>
    %dma_start3A_183 = tpu.memref_squeeze %dma_start3A_182 : memref<1x50xi32, #tpu.memory_space<vmem>> -> memref<50xi32, #tpu.memory_space<vmem>>
    %dma_start3A_184 = arith.constant 0 : i32
    %dma_start3A_185 = arith.constant 0 : i32
    %dma_start3A_186 = tpu.memref_slice %arg3[%dma_start3A_184, %dma_start3A_185] : memref<1000000x32xf32, #tpu.memory_space<hbm>> -> memref<1000000x32xf32, #tpu.memory_space<hbm>>
    tpu.enqueue_indirect_dma source(%dma_start3A_186 : memref<1000000x32xf32, #tpu.memory_space<hbm>>) target(%dma_start3A_180 : memref<50x32xf32, #tpu.memory_space<vmem>>) offsets(%dma_start3A_183 : memref<50xi32, #tpu.memory_space<vmem>>) semaphore(%arg8 : memref<!tpu.dma_semaphore, #tpu.memory_space<semaphore_mem>>)
    %dma_start3A_187 = arith.constant 12 : i32
    %dma_start3A_188 = arith.constant 0 : i32
    %dma_start3A_189 = arith.constant 12 : i32
    %dma_start3A_190 = arith.constant 0 : i32
    %dma_start3A_191 = arith.constant 0 : i32
    %dma_start3A_192 = tpu.memref_slice %arg6[%dma_start3A_188, %dma_start3A_189, %dma_start3A_190, %dma_start3A_191] : memref<2x16x50x32xf32, #tpu.memory_space<vmem>> -> memref<1x1x50x32xf32, #tpu.memory_space<vmem>>
    %dma_start3A_193 = tpu.memref_squeeze %dma_start3A_192 : memref<1x1x50x32xf32, #tpu.memory_space<vmem>> -> memref<50x32xf32, #tpu.memory_space<vmem>>
    %dma_start3A_194 = arith.constant 0 : i32
    %dma_start3A_195 = tpu.memref_slice %arg5[%dma_start3A_187, %dma_start3A_194] : memref<512x50xi32, #tpu.memory_space<vmem>> -> memref<1x50xi32, #tpu.memory_space<vmem>>
    %dma_start3A_196 = tpu.memref_squeeze %dma_start3A_195 : memref<1x50xi32, #tpu.memory_space<vmem>> -> memref<50xi32, #tpu.memory_space<vmem>>
    %dma_start3A_197 = arith.constant 0 : i32
    %dma_start3A_198 = arith.constant 0 : i32
    %dma_start3A_199 = tpu.memref_slice %arg3[%dma_start3A_197, %dma_start3A_198] : memref<1000000x32xf32, #tpu.memory_space<hbm>> -> memref<1000000x32xf32, #tpu.memory_space<hbm>>
    tpu.enqueue_indirect_dma source(%dma_start3A_199 : memref<1000000x32xf32, #tpu.memory_space<hbm>>) target(%dma_start3A_193 : memref<50x32xf32, #tpu.memory_space<vmem>>) offsets(%dma_start3A_196 : memref<50xi32, #tpu.memory_space<vmem>>) semaphore(%arg8 : memref<!tpu.dma_semaphore, #tpu.memory_space<semaphore_mem>>)
    %dma_start3A_200 = arith.constant 13 : i32
    %dma_start3A_201 = arith.constant 0 : i32
    %dma_start3A_202 = arith.constant 13 : i32
    %dma_start3A_203 = arith.constant 0 : i32
    %dma_start3A_204 = arith.constant 0 : i32
    %dma_start3A_205 = tpu.memref_slice %arg6[%dma_start3A_201, %dma_start3A_202, %dma_start3A_203, %dma_start3A_204] : memref<2x16x50x32xf32, #tpu.memory_space<vmem>> -> memref<1x1x50x32xf32, #tpu.memory_space<vmem>>
    %dma_start3A_206 = tpu.memref_squeeze %dma_start3A_205 : memref<1x1x50x32xf32, #tpu.memory_space<vmem>> -> memref<50x32xf32, #tpu.memory_space<vmem>>
    %dma_start3A_207 = arith.constant 0 : i32
    %dma_start3A_208 = tpu.memref_slice %arg5[%dma_start3A_200, %dma_start3A_207] : memref<512x50xi32, #tpu.memory_space<vmem>> -> memref<1x50xi32, #tpu.memory_space<vmem>>
    %dma_start3A_209 = tpu.memref_squeeze %dma_start3A_208 : memref<1x50xi32, #tpu.memory_space<vmem>> -> memref<50xi32, #tpu.memory_space<vmem>>
    %dma_start3A_210 = arith.constant 0 : i32
    %dma_start3A_211 = arith.constant 0 : i32
    %dma_start3A_212 = tpu.memref_slice %arg3[%dma_start3A_210, %dma_start3A_211] : memref<1000000x32xf32, #tpu.memory_space<hbm>> -> memref<1000000x32xf32, #tpu.memory_space<hbm>>
    tpu.enqueue_indirect_dma source(%dma_start3A_212 : memref<1000000x32xf32, #tpu.memory_space<hbm>>) target(%dma_start3A_206 : memref<50x32xf32, #tpu.memory_space<vmem>>) offsets(%dma_start3A_209 : memref<50xi32, #tpu.memory_space<vmem>>) semaphore(%arg8 : memref<!tpu.dma_semaphore, #tpu.memory_space<semaphore_mem>>)
    %dma_start3A_213 = arith.constant 14 : i32
    %dma_start3A_214 = arith.constant 0 : i32
    %dma_start3A_215 = arith.constant 14 : i32
    %dma_start3A_216 = arith.constant 0 : i32
    %dma_start3A_217 = arith.constant 0 : i32
    %dma_start3A_218 = tpu.memref_slice %arg6[%dma_start3A_214, %dma_start3A_215, %dma_start3A_216, %dma_start3A_217] : memref<2x16x50x32xf32, #tpu.memory_space<vmem>> -> memref<1x1x50x32xf32, #tpu.memory_space<vmem>>
    %dma_start3A_219 = tpu.memref_squeeze %dma_start3A_218 : memref<1x1x50x32xf32, #tpu.memory_space<vmem>> -> memref<50x32xf32, #tpu.memory_space<vmem>>
    %dma_start3A_220 = arith.constant 0 : i32
    %dma_start3A_221 = tpu.memref_slice %arg5[%dma_start3A_213, %dma_start3A_220] : memref<512x50xi32, #tpu.memory_space<vmem>> -> memref<1x50xi32, #tpu.memory_space<vmem>>
    %dma_start3A_222 = tpu.memref_squeeze %dma_start3A_221 : memref<1x50xi32, #tpu.memory_space<vmem>> -> memref<50xi32, #tpu.memory_space<vmem>>
    %dma_start3A_223 = arith.constant 0 : i32
    %dma_start3A_224 = arith.constant 0 : i32
    %dma_start3A_225 = tpu.memref_slice %arg3[%dma_start3A_223, %dma_start3A_224] : memref<1000000x32xf32, #tpu.memory_space<hbm>> -> memref<1000000x32xf32, #tpu.memory_space<hbm>>
    tpu.enqueue_indirect_dma source(%dma_start3A_225 : memref<1000000x32xf32, #tpu.memory_space<hbm>>) target(%dma_start3A_219 : memref<50x32xf32, #tpu.memory_space<vmem>>) offsets(%dma_start3A_222 : memref<50xi32, #tpu.memory_space<vmem>>) semaphore(%arg8 : memref<!tpu.dma_semaphore, #tpu.memory_space<semaphore_mem>>)
    %dma_start3A_226 = arith.constant 15 : i32
    %dma_start3A_227 = arith.constant 0 : i32
    %dma_start3A_228 = arith.constant 15 : i32
    %dma_start3A_229 = arith.constant 0 : i32
    %dma_start3A_230 = arith.constant 0 : i32
    %dma_start3A_231 = tpu.memref_slice %arg6[%dma_start3A_227, %dma_start3A_228, %dma_start3A_229, %dma_start3A_230] : memref<2x16x50x32xf32, #tpu.memory_space<vmem>> -> memref<1x1x50x32xf32, #tpu.memory_space<vmem>>
    %dma_start3A_232 = tpu.memref_squeeze %dma_start3A_231 : memref<1x1x50x32xf32, #tpu.memory_space<vmem>> -> memref<50x32xf32, #tpu.memory_space<vmem>>
    %dma_start3A_233 = arith.constant 0 : i32
    %dma_start3A_234 = tpu.memref_slice %arg5[%dma_start3A_226, %dma_start3A_233] : memref<512x50xi32, #tpu.memory_space<vmem>> -> memref<1x50xi32, #tpu.memory_space<vmem>>
    %dma_start3A_235 = tpu.memref_squeeze %dma_start3A_234 : memref<1x50xi32, #tpu.memory_space<vmem>> -> memref<50xi32, #tpu.memory_space<vmem>>
    %dma_start3A_236 = arith.constant 0 : i32
    %dma_start3A_237 = arith.constant 0 : i32
    %dma_start3A_238 = tpu.memref_slice %arg3[%dma_start3A_236, %dma_start3A_237] : memref<1000000x32xf32, #tpu.memory_space<hbm>> -> memref<1000000x32xf32, #tpu.memory_space<hbm>>
    tpu.enqueue_indirect_dma source(%dma_start3A_238 : memref<1000000x32xf32, #tpu.memory_space<hbm>>) target(%dma_start3A_232 : memref<50x32xf32, #tpu.memory_space<vmem>>) offsets(%dma_start3A_235 : memref<50xi32, #tpu.memory_space<vmem>>) semaphore(%arg8 : memref<!tpu.dma_semaphore, #tpu.memory_space<semaphore_mem>>)
    %scan3A = arith.constant 0 : i32
    %scan3A_239 = arith.constant 0 : i32
    %scan3A_240 = arith.constant 16 : i32
    %scan3A_241 = arith.addi %scan3A_239, %scan3A_240 : i32
    %scan3A_242 = arith.constant 1 : i32
    scf.for %scan3A_266 = %scan3A_239 to %scan3A_241 step %scan3A_242  : i32 {
      %mul3A_267 = arith.constant 2 : i32
      %mul3A_268 = arith.muli %mul3A_267, %scan3A_266 : i32
      %add3A_269 = arith.constant 1 : i32
      %add3A_270 = arith.addi %mul3A_268, %add3A_269 : i32
      %mul3A_271 = arith.constant 16 : i32
      %mul3A_272 = arith.muli %add3A_270, %mul3A_271 : i32
      %add3A_273 = arith.constant 0 : i32
      %add3A_274 = arith.addi %mul3A_272, %add3A_273 : i32
      %dma_start3A_275 = arith.constant 1 : i32
      %dma_start3A_276 = arith.constant 0 : i32
      %dma_start3A_277 = arith.constant 0 : i32
      %dma_start3A_278 = arith.constant 0 : i32
      %dma_start3A_279 = tpu.memref_slice %arg6[%dma_start3A_275, %dma_start3A_276, %dma_start3A_277, %dma_start3A_278] : memref<2x16x50x32xf32, #tpu.memory_space<vmem>> -> memref<1x1x50x32xf32, #tpu.memory_space<vmem>>
      %dma_start3A_280 = tpu.memref_squeeze %dma_start3A_279 : memref<1x1x50x32xf32, #tpu.memory_space<vmem>> -> memref<50x32xf32, #tpu.memory_space<vmem>>
      %dma_start3A_281 = arith.constant 0 : i32
      %dma_start3A_282 = tpu.memref_slice %arg5[%add3A_274, %dma_start3A_281] : memref<512x50xi32, #tpu.memory_space<vmem>> -> memref<1x50xi32, #tpu.memory_space<vmem>>
      %dma_start3A_283 = tpu.memref_squeeze %dma_start3A_282 : memref<1x50xi32, #tpu.memory_space<vmem>> -> memref<50xi32, #tpu.memory_space<vmem>>
      %dma_start3A_284 = arith.constant 0 : i32
      %dma_start3A_285 = arith.constant 0 : i32
      %dma_start3A_286 = tpu.memref_slice %arg3[%dma_start3A_284, %dma_start3A_285] : memref<1000000x32xf32, #tpu.memory_space<hbm>> -> memref<1000000x32xf32, #tpu.memory_space<hbm>>
      tpu.enqueue_indirect_dma source(%dma_start3A_286 : memref<1000000x32xf32, #tpu.memory_space<hbm>>) target(%dma_start3A_280 : memref<50x32xf32, #tpu.memory_space<vmem>>) offsets(%dma_start3A_283 : memref<50xi32, #tpu.memory_space<vmem>>) semaphore(%arg9 : memref<!tpu.dma_semaphore, #tpu.memory_space<semaphore_mem>>)
      %mul3A_287 = arith.constant 16 : i32
      %mul3A_288 = arith.muli %add3A_270, %mul3A_287 : i32
      %add3A_289 = arith.constant 1 : i32
      %add3A_290 = arith.addi %mul3A_288, %add3A_289 : i32
      %dma_start3A_291 = arith.constant 1 : i32
      %dma_start3A_292 = arith.constant 1 : i32
      %dma_start3A_293 = arith.constant 0 : i32
      %dma_start3A_294 = arith.constant 0 : i32
      %dma_start3A_295 = tpu.memref_slice %arg6[%dma_start3A_291, %dma_start3A_292, %dma_start3A_293, %dma_start3A_294] : memref<2x16x50x32xf32, #tpu.memory_space<vmem>> -> memref<1x1x50x32xf32, #tpu.memory_space<vmem>>
      %dma_start3A_296 = tpu.memref_squeeze %dma_start3A_295 : memref<1x1x50x32xf32, #tpu.memory_space<vmem>> -> memref<50x32xf32, #tpu.memory_space<vmem>>
      %dma_start3A_297 = arith.constant 0 : i32
      %dma_start3A_298 = tpu.memref_slice %arg5[%add3A_290, %dma_start3A_297] : memref<512x50xi32, #tpu.memory_space<vmem>> -> memref<1x50xi32, #tpu.memory_space<vmem>>
      %dma_start3A_299 = tpu.memref_squeeze %dma_start3A_298 : memref<1x50xi32, #tpu.memory_space<vmem>> -> memref<50xi32, #tpu.memory_space<vmem>>
      %dma_start3A_300 = arith.constant 0 : i32
      %dma_start3A_301 = arith.constant 0 : i32
      %dma_start3A_302 = tpu.memref_slice %arg3[%dma_start3A_300, %dma_start3A_301] : memref<1000000x32xf32, #tpu.memory_space<hbm>> -> memref<1000000x32xf32, #tpu.memory_space<hbm>>
      tpu.enqueue_indirect_dma source(%dma_start3A_302 : memref<1000000x32xf32, #tpu.memory_space<hbm>>) target(%dma_start3A_296 : memref<50x32xf32, #tpu.memory_space<vmem>>) offsets(%dma_start3A_299 : memref<50xi32, #tpu.memory_space<vmem>>) semaphore(%arg9 : memref<!tpu.dma_semaphore, #tpu.memory_space<semaphore_mem>>)
      %mul3A_303 = arith.constant 16 : i32
      %mul3A_304 = arith.muli %add3A_270, %mul3A_303 : i32
      %add3A_305 = arith.constant 2 : i32
      %add3A_306 = arith.addi %mul3A_304, %add3A_305 : i32
      %dma_start3A_307 = arith.constant 1 : i32
      %dma_start3A_308 = arith.constant 2 : i32
      %dma_start3A_309 = arith.constant 0 : i32
      %dma_start3A_310 = arith.constant 0 : i32
      %dma_start3A_311 = tpu.memref_slice %arg6[%dma_start3A_307, %dma_start3A_308, %dma_start3A_309, %dma_start3A_310] : memref<2x16x50x32xf32, #tpu.memory_space<vmem>> -> memref<1x1x50x32xf32, #tpu.memory_space<vmem>>
      %dma_start3A_312 = tpu.memref_squeeze %dma_start3A_311 : memref<1x1x50x32xf32, #tpu.memory_space<vmem>> -> memref<50x32xf32, #tpu.memory_space<vmem>>
      %dma_start3A_313 = arith.constant 0 : i32
      %dma_start3A_314 = tpu.memref_slice %arg5[%add3A_306, %dma_start3A_313] : memref<512x50xi32, #tpu.memory_space<vmem>> -> memref<1x50xi32, #tpu.memory_space<vmem>>
      %dma_start3A_315 = tpu.memref_squeeze %dma_start3A_314 : memref<1x50xi32, #tpu.memory_space<vmem>> -> memref<50xi32, #tpu.memory_space<vmem>>
      %dma_start3A_316 = arith.constant 0 : i32
      %dma_start3A_317 = arith.constant 0 : i32
      %dma_start3A_318 = tpu.memref_slice %arg3[%dma_start3A_316, %dma_start3A_317] : memref<1000000x32xf32, #tpu.memory_space<hbm>> -> memref<1000000x32xf32, #tpu.memory_space<hbm>>
      tpu.enqueue_indirect_dma source(%dma_start3A_318 : memref<1000000x32xf32, #tpu.memory_space<hbm>>) target(%dma_start3A_312 : memref<50x32xf32, #tpu.memory_space<vmem>>) offsets(%dma_start3A_315 : memref<50xi32, #tpu.memory_space<vmem>>) semaphore(%arg9 : memref<!tpu.dma_semaphore, #tpu.memory_space<semaphore_mem>>)
      %mul3A_319 = arith.constant 16 : i32
      %mul3A_320 = arith.muli %add3A_270, %mul3A_319 : i32
      %add3A_321 = arith.constant 3 : i32
      %add3A_322 = arith.addi %mul3A_320, %add3A_321 : i32
      %dma_start3A_323 = arith.constant 1 : i32
      %dma_start3A_324 = arith.constant 3 : i32
      %dma_start3A_325 = arith.constant 0 : i32
      %dma_start3A_326 = arith.constant 0 : i32
      %dma_start3A_327 = tpu.memref_slice %arg6[%dma_start3A_323, %dma_start3A_324, %dma_start3A_325, %dma_start3A_326] : memref<2x16x50x32xf32, #tpu.memory_space<vmem>> -> memref<1x1x50x32xf32, #tpu.memory_space<vmem>>
      %dma_start3A_328 = tpu.memref_squeeze %dma_start3A_327 : memref<1x1x50x32xf32, #tpu.memory_space<vmem>> -> memref<50x32xf32, #tpu.memory_space<vmem>>
      %dma_start3A_329 = arith.constant 0 : i32
      %dma_start3A_330 = tpu.memref_slice %arg5[%add3A_322, %dma_start3A_329] : memref<512x50xi32, #tpu.memory_space<vmem>> -> memref<1x50xi32, #tpu.memory_space<vmem>>
      %dma_start3A_331 = tpu.memref_squeeze %dma_start3A_330 : memref<1x50xi32, #tpu.memory_space<vmem>> -> memref<50xi32, #tpu.memory_space<vmem>>
      %dma_start3A_332 = arith.constant 0 : i32
      %dma_start3A_333 = arith.constant 0 : i32
      %dma_start3A_334 = tpu.memref_slice %arg3[%dma_start3A_332, %dma_start3A_333] : memref<1000000x32xf32, #tpu.memory_space<hbm>> -> memref<1000000x32xf32, #tpu.memory_space<hbm>>
      tpu.enqueue_indirect_dma source(%dma_start3A_334 : memref<1000000x32xf32, #tpu.memory_space<hbm>>) target(%dma_start3A_328 : memref<50x32xf32, #tpu.memory_space<vmem>>) offsets(%dma_start3A_331 : memref<50xi32, #tpu.memory_space<vmem>>) semaphore(%arg9 : memref<!tpu.dma_semaphore, #tpu.memory_space<semaphore_mem>>)
      %mul3A_335 = arith.constant 16 : i32
      %mul3A_336 = arith.muli %add3A_270, %mul3A_335 : i32
      %add3A_337 = arith.constant 4 : i32
      %add3A_338 = arith.addi %mul3A_336, %add3A_337 : i32
      %dma_start3A_339 = arith.constant 1 : i32
      %dma_start3A_340 = arith.constant 4 : i32
      %dma_start3A_341 = arith.constant 0 : i32
      %dma_start3A_342 = arith.constant 0 : i32
      %dma_start3A_343 = tpu.memref_slice %arg6[%dma_start3A_339, %dma_start3A_340, %dma_start3A_341, %dma_start3A_342] : memref<2x16x50x32xf32, #tpu.memory_space<vmem>> -> memref<1x1x50x32xf32, #tpu.memory_space<vmem>>
      %dma_start3A_344 = tpu.memref_squeeze %dma_start3A_343 : memref<1x1x50x32xf32, #tpu.memory_space<vmem>> -> memref<50x32xf32, #tpu.memory_space<vmem>>
      %dma_start3A_345 = arith.constant 0 : i32
      %dma_start3A_346 = tpu.memref_slice %arg5[%add3A_338, %dma_start3A_345] : memref<512x50xi32, #tpu.memory_space<vmem>> -> memref<1x50xi32, #tpu.memory_space<vmem>>
      %dma_start3A_347 = tpu.memref_squeeze %dma_start3A_346 : memref<1x50xi32, #tpu.memory_space<vmem>> -> memref<50xi32, #tpu.memory_space<vmem>>
      %dma_start3A_348 = arith.constant 0 : i32
      %dma_start3A_349 = arith.constant 0 : i32
      %dma_start3A_350 = tpu.memref_slice %arg3[%dma_start3A_348, %dma_start3A_349] : memref<1000000x32xf32, #tpu.memory_space<hbm>> -> memref<1000000x32xf32, #tpu.memory_space<hbm>>
      tpu.enqueue_indirect_dma source(%dma_start3A_350 : memref<1000000x32xf32, #tpu.memory_space<hbm>>) target(%dma_start3A_344 : memref<50x32xf32, #tpu.memory_space<vmem>>) offsets(%dma_start3A_347 : memref<50xi32, #tpu.memory_space<vmem>>) semaphore(%arg9 : memref<!tpu.dma_semaphore, #tpu.memory_space<semaphore_mem>>)
      %mul3A_351 = arith.constant 16 : i32
      %mul3A_352 = arith.muli %add3A_270, %mul3A_351 : i32
      %add3A_353 = arith.constant 5 : i32
      %add3A_354 = arith.addi %mul3A_352, %add3A_353 : i32
      %dma_start3A_355 = arith.constant 1 : i32
      %dma_start3A_356 = arith.constant 5 : i32
      %dma_start3A_357 = arith.constant 0 : i32
      %dma_start3A_358 = arith.constant 0 : i32
      %dma_start3A_359 = tpu.memref_slice %arg6[%dma_start3A_355, %dma_start3A_356, %dma_start3A_357, %dma_start3A_358] : memref<2x16x50x32xf32, #tpu.memory_space<vmem>> -> memref<1x1x50x32xf32, #tpu.memory_space<vmem>>
      %dma_start3A_360 = tpu.memref_squeeze %dma_start3A_359 : memref<1x1x50x32xf32, #tpu.memory_space<vmem>> -> memref<50x32xf32, #tpu.memory_space<vmem>>
      %dma_start3A_361 = arith.constant 0 : i32
      %dma_start3A_362 = tpu.memref_slice %arg5[%add3A_354, %dma_start3A_361] : memref<512x50xi32, #tpu.memory_space<vmem>> -> memref<1x50xi32, #tpu.memory_space<vmem>>
      %dma_start3A_363 = tpu.memref_squeeze %dma_start3A_362 : memref<1x50xi32, #tpu.memory_space<vmem>> -> memref<50xi32, #tpu.memory_space<vmem>>
      %dma_start3A_364 = arith.constant 0 : i32
      %dma_start3A_365 = arith.constant 0 : i32
      %dma_start3A_366 = tpu.memref_slice %arg3[%dma_start3A_364, %dma_start3A_365] : memref<1000000x32xf32, #tpu.memory_space<hbm>> -> memref<1000000x32xf32, #tpu.memory_space<hbm>>
      tpu.enqueue_indirect_dma source(%dma_start3A_366 : memref<1000000x32xf32, #tpu.memory_space<hbm>>) target(%dma_start3A_360 : memref<50x32xf32, #tpu.memory_space<vmem>>) offsets(%dma_start3A_363 : memref<50xi32, #tpu.memory_space<vmem>>) semaphore(%arg9 : memref<!tpu.dma_semaphore, #tpu.memory_space<semaphore_mem>>)
      %mul3A_367 = arith.constant 16 : i32
      %mul3A_368 = arith.muli %add3A_270, %mul3A_367 : i32
      %add3A_369 = arith.constant 6 : i32
      %add3A_370 = arith.addi %mul3A_368, %add3A_369 : i32
      %dma_start3A_371 = arith.constant 1 : i32
      %dma_start3A_372 = arith.constant 6 : i32
      %dma_start3A_373 = arith.constant 0 : i32
      %dma_start3A_374 = arith.constant 0 : i32
      %dma_start3A_375 = tpu.memref_slice %arg6[%dma_start3A_371, %dma_start3A_372, %dma_start3A_373, %dma_start3A_374] : memref<2x16x50x32xf32, #tpu.memory_space<vmem>> -> memref<1x1x50x32xf32, #tpu.memory_space<vmem>>
      %dma_start3A_376 = tpu.memref_squeeze %dma_start3A_375 : memref<1x1x50x32xf32, #tpu.memory_space<vmem>> -> memref<50x32xf32, #tpu.memory_space<vmem>>
      %dma_start3A_377 = arith.constant 0 : i32
      %dma_start3A_378 = tpu.memref_slice %arg5[%add3A_370, %dma_start3A_377] : memref<512x50xi32, #tpu.memory_space<vmem>> -> memref<1x50xi32, #tpu.memory_space<vmem>>
      %dma_start3A_379 = tpu.memref_squeeze %dma_start3A_378 : memref<1x50xi32, #tpu.memory_space<vmem>> -> memref<50xi32, #tpu.memory_space<vmem>>
      %dma_start3A_380 = arith.constant 0 : i32
      %dma_start3A_381 = arith.constant 0 : i32
      %dma_start3A_382 = tpu.memref_slice %arg3[%dma_start3A_380, %dma_start3A_381] : memref<1000000x32xf32, #tpu.memory_space<hbm>> -> memref<1000000x32xf32, #tpu.memory_space<hbm>>
      tpu.enqueue_indirect_dma source(%dma_start3A_382 : memref<1000000x32xf32, #tpu.memory_space<hbm>>) target(%dma_start3A_376 : memref<50x32xf32, #tpu.memory_space<vmem>>) offsets(%dma_start3A_379 : memref<50xi32, #tpu.memory_space<vmem>>) semaphore(%arg9 : memref<!tpu.dma_semaphore, #tpu.memory_space<semaphore_mem>>)
      %mul3A_383 = arith.constant 16 : i32
      %mul3A_384 = arith.muli %add3A_270, %mul3A_383 : i32
      %add3A_385 = arith.constant 7 : i32
      %add3A_386 = arith.addi %mul3A_384, %add3A_385 : i32
      %dma_start3A_387 = arith.constant 1 : i32
      %dma_start3A_388 = arith.constant 7 : i32
      %dma_start3A_389 = arith.constant 0 : i32
      %dma_start3A_390 = arith.constant 0 : i32
      %dma_start3A_391 = tpu.memref_slice %arg6[%dma_start3A_387, %dma_start3A_388, %dma_start3A_389, %dma_start3A_390] : memref<2x16x50x32xf32, #tpu.memory_space<vmem>> -> memref<1x1x50x32xf32, #tpu.memory_space<vmem>>
      %dma_start3A_392 = tpu.memref_squeeze %dma_start3A_391 : memref<1x1x50x32xf32, #tpu.memory_space<vmem>> -> memref<50x32xf32, #tpu.memory_space<vmem>>
      %dma_start3A_393 = arith.constant 0 : i32
      %dma_start3A_394 = tpu.memref_slice %arg5[%add3A_386, %dma_start3A_393] : memref<512x50xi32, #tpu.memory_space<vmem>> -> memref<1x50xi32, #tpu.memory_space<vmem>>
      %dma_start3A_395 = tpu.memref_squeeze %dma_start3A_394 : memref<1x50xi32, #tpu.memory_space<vmem>> -> memref<50xi32, #tpu.memory_space<vmem>>
      %dma_start3A_396 = arith.constant 0 : i32
      %dma_start3A_397 = arith.constant 0 : i32
      %dma_start3A_398 = tpu.memref_slice %arg3[%dma_start3A_396, %dma_start3A_397] : memref<1000000x32xf32, #tpu.memory_space<hbm>> -> memref<1000000x32xf32, #tpu.memory_space<hbm>>
      tpu.enqueue_indirect_dma source(%dma_start3A_398 : memref<1000000x32xf32, #tpu.memory_space<hbm>>) target(%dma_start3A_392 : memref<50x32xf32, #tpu.memory_space<vmem>>) offsets(%dma_start3A_395 : memref<50xi32, #tpu.memory_space<vmem>>) semaphore(%arg9 : memref<!tpu.dma_semaphore, #tpu.memory_space<semaphore_mem>>)
      %mul3A_399 = arith.constant 16 : i32
      %mul3A_400 = arith.muli %add3A_270, %mul3A_399 : i32
      %add3A_401 = arith.constant 8 : i32
      %add3A_402 = arith.addi %mul3A_400, %add3A_401 : i32
      %dma_start3A_403 = arith.constant 1 : i32
      %dma_start3A_404 = arith.constant 8 : i32
      %dma_start3A_405 = arith.constant 0 : i32
      %dma_start3A_406 = arith.constant 0 : i32
      %dma_start3A_407 = tpu.memref_slice %arg6[%dma_start3A_403, %dma_start3A_404, %dma_start3A_405, %dma_start3A_406] : memref<2x16x50x32xf32, #tpu.memory_space<vmem>> -> memref<1x1x50x32xf32, #tpu.memory_space<vmem>>
      %dma_start3A_408 = tpu.memref_squeeze %dma_start3A_407 : memref<1x1x50x32xf32, #tpu.memory_space<vmem>> -> memref<50x32xf32, #tpu.memory_space<vmem>>
      %dma_start3A_409 = arith.constant 0 : i32
      %dma_start3A_410 = tpu.memref_slice %arg5[%add3A_402, %dma_start3A_409] : memref<512x50xi32, #tpu.memory_space<vmem>> -> memref<1x50xi32, #tpu.memory_space<vmem>>
      %dma_start3A_411 = tpu.memref_squeeze %dma_start3A_410 : memref<1x50xi32, #tpu.memory_space<vmem>> -> memref<50xi32, #tpu.memory_space<vmem>>
      %dma_start3A_412 = arith.constant 0 : i32
      %dma_start3A_413 = arith.constant 0 : i32
      %dma_start3A_414 = tpu.memref_slice %arg3[%dma_start3A_412, %dma_start3A_413] : memref<1000000x32xf32, #tpu.memory_space<hbm>> -> memref<1000000x32xf32, #tpu.memory_space<hbm>>
      tpu.enqueue_indirect_dma source(%dma_start3A_414 : memref<1000000x32xf32, #tpu.memory_space<hbm>>) target(%dma_start3A_408 : memref<50x32xf32, #tpu.memory_space<vmem>>) offsets(%dma_start3A_411 : memref<50xi32, #tpu.memory_space<vmem>>) semaphore(%arg9 : memref<!tpu.dma_semaphore, #tpu.memory_space<semaphore_mem>>)
      %mul3A_415 = arith.constant 16 : i32
      %mul3A_416 = arith.muli %add3A_270, %mul3A_415 : i32
      %add3A_417 = arith.constant 9 : i32
      %add3A_418 = arith.addi %mul3A_416, %add3A_417 : i32
      %dma_start3A_419 = arith.constant 1 : i32
      %dma_start3A_420 = arith.constant 9 : i32
      %dma_start3A_421 = arith.constant 0 : i32
      %dma_start3A_422 = arith.constant 0 : i32
      %dma_start3A_423 = tpu.memref_slice %arg6[%dma_start3A_419, %dma_start3A_420, %dma_start3A_421, %dma_start3A_422] : memref<2x16x50x32xf32, #tpu.memory_space<vmem>> -> memref<1x1x50x32xf32, #tpu.memory_space<vmem>>
      %dma_start3A_424 = tpu.memref_squeeze %dma_start3A_423 : memref<1x1x50x32xf32, #tpu.memory_space<vmem>> -> memref<50x32xf32, #tpu.memory_space<vmem>>
      %dma_start3A_425 = arith.constant 0 : i32
      %dma_start3A_426 = tpu.memref_slice %arg5[%add3A_418, %dma_start3A_425] : memref<512x50xi32, #tpu.memory_space<vmem>> -> memref<1x50xi32, #tpu.memory_space<vmem>>
      %dma_start3A_427 = tpu.memref_squeeze %dma_start3A_426 : memref<1x50xi32, #tpu.memory_space<vmem>> -> memref<50xi32, #tpu.memory_space<vmem>>
      %dma_start3A_428 = arith.constant 0 : i32
      %dma_start3A_429 = arith.constant 0 : i32
      %dma_start3A_430 = tpu.memref_slice %arg3[%dma_start3A_428, %dma_start3A_429] : memref<1000000x32xf32, #tpu.memory_space<hbm>> -> memref<1000000x32xf32, #tpu.memory_space<hbm>>
      tpu.enqueue_indirect_dma source(%dma_start3A_430 : memref<1000000x32xf32, #tpu.memory_space<hbm>>) target(%dma_start3A_424 : memref<50x32xf32, #tpu.memory_space<vmem>>) offsets(%dma_start3A_427 : memref<50xi32, #tpu.memory_space<vmem>>) semaphore(%arg9 : memref<!tpu.dma_semaphore, #tpu.memory_space<semaphore_mem>>)
      %mul3A_431 = arith.constant 16 : i32
      %mul3A_432 = arith.muli %add3A_270, %mul3A_431 : i32
      %add3A_433 = arith.constant 10 : i32
      %add3A_434 = arith.addi %mul3A_432, %add3A_433 : i32
      %dma_start3A_435 = arith.constant 1 : i32
      %dma_start3A_436 = arith.constant 10 : i32
      %dma_start3A_437 = arith.constant 0 : i32
      %dma_start3A_438 = arith.constant 0 : i32
      %dma_start3A_439 = tpu.memref_slice %arg6[%dma_start3A_435, %dma_start3A_436, %dma_start3A_437, %dma_start3A_438] : memref<2x16x50x32xf32, #tpu.memory_space<vmem>> -> memref<1x1x50x32xf32, #tpu.memory_space<vmem>>
      %dma_start3A_440 = tpu.memref_squeeze %dma_start3A_439 : memref<1x1x50x32xf32, #tpu.memory_space<vmem>> -> memref<50x32xf32, #tpu.memory_space<vmem>>
      %dma_start3A_441 = arith.constant 0 : i32
      %dma_start3A_442 = tpu.memref_slice %arg5[%add3A_434, %dma_start3A_441] : memref<512x50xi32, #tpu.memory_space<vmem>> -> memref<1x50xi32, #tpu.memory_space<vmem>>
      %dma_start3A_443 = tpu.memref_squeeze %dma_start3A_442 : memref<1x50xi32, #tpu.memory_space<vmem>> -> memref<50xi32, #tpu.memory_space<vmem>>
      %dma_start3A_444 = arith.constant 0 : i32
      %dma_start3A_445 = arith.constant 0 : i32
      %dma_start3A_446 = tpu.memref_slice %arg3[%dma_start3A_444, %dma_start3A_445] : memref<1000000x32xf32, #tpu.memory_space<hbm>> -> memref<1000000x32xf32, #tpu.memory_space<hbm>>
      tpu.enqueue_indirect_dma source(%dma_start3A_446 : memref<1000000x32xf32, #tpu.memory_space<hbm>>) target(%dma_start3A_440 : memref<50x32xf32, #tpu.memory_space<vmem>>) offsets(%dma_start3A_443 : memref<50xi32, #tpu.memory_space<vmem>>) semaphore(%arg9 : memref<!tpu.dma_semaphore, #tpu.memory_space<semaphore_mem>>)
      %mul3A_447 = arith.constant 16 : i32
      %mul3A_448 = arith.muli %add3A_270, %mul3A_447 : i32
      %add3A_449 = arith.constant 11 : i32
      %add3A_450 = arith.addi %mul3A_448, %add3A_449 : i32
      %dma_start3A_451 = arith.constant 1 : i32
      %dma_start3A_452 = arith.constant 11 : i32
      %dma_start3A_453 = arith.constant 0 : i32
      %dma_start3A_454 = arith.constant 0 : i32
      %dma_start3A_455 = tpu.memref_slice %arg6[%dma_start3A_451, %dma_start3A_452, %dma_start3A_453, %dma_start3A_454] : memref<2x16x50x32xf32, #tpu.memory_space<vmem>> -> memref<1x1x50x32xf32, #tpu.memory_space<vmem>>
      %dma_start3A_456 = tpu.memref_squeeze %dma_start3A_455 : memref<1x1x50x32xf32, #tpu.memory_space<vmem>> -> memref<50x32xf32, #tpu.memory_space<vmem>>
      %dma_start3A_457 = arith.constant 0 : i32
      %dma_start3A_458 = tpu.memref_slice %arg5[%add3A_450, %dma_start3A_457] : memref<512x50xi32, #tpu.memory_space<vmem>> -> memref<1x50xi32, #tpu.memory_space<vmem>>
      %dma_start3A_459 = tpu.memref_squeeze %dma_start3A_458 : memref<1x50xi32, #tpu.memory_space<vmem>> -> memref<50xi32, #tpu.memory_space<vmem>>
      %dma_start3A_460 = arith.constant 0 : i32
      %dma_start3A_461 = arith.constant 0 : i32
      %dma_start3A_462 = tpu.memref_slice %arg3[%dma_start3A_460, %dma_start3A_461] : memref<1000000x32xf32, #tpu.memory_space<hbm>> -> memref<1000000x32xf32, #tpu.memory_space<hbm>>
      tpu.enqueue_indirect_dma source(%dma_start3A_462 : memref<1000000x32xf32, #tpu.memory_space<hbm>>) target(%dma_start3A_456 : memref<50x32xf32, #tpu.memory_space<vmem>>) offsets(%dma_start3A_459 : memref<50xi32, #tpu.memory_space<vmem>>) semaphore(%arg9 : memref<!tpu.dma_semaphore, #tpu.memory_space<semaphore_mem>>)
      %mul3A_463 = arith.constant 16 : i32
      %mul3A_464 = arith.muli %add3A_270, %mul3A_463 : i32
      %add3A_465 = arith.constant 12 : i32
      %add3A_466 = arith.addi %mul3A_464, %add3A_465 : i32
      %dma_start3A_467 = arith.constant 1 : i32
      %dma_start3A_468 = arith.constant 12 : i32
      %dma_start3A_469 = arith.constant 0 : i32
      %dma_start3A_470 = arith.constant 0 : i32
      %dma_start3A_471 = tpu.memref_slice %arg6[%dma_start3A_467, %dma_start3A_468, %dma_start3A_469, %dma_start3A_470] : memref<2x16x50x32xf32, #tpu.memory_space<vmem>> -> memref<1x1x50x32xf32, #tpu.memory_space<vmem>>
      %dma_start3A_472 = tpu.memref_squeeze %dma_start3A_471 : memref<1x1x50x32xf32, #tpu.memory_space<vmem>> -> memref<50x32xf32, #tpu.memory_space<vmem>>
      %dma_start3A_473 = arith.constant 0 : i32
      %dma_start3A_474 = tpu.memref_slice %arg5[%add3A_466, %dma_start3A_473] : memref<512x50xi32, #tpu.memory_space<vmem>> -> memref<1x50xi32, #tpu.memory_space<vmem>>
      %dma_start3A_475 = tpu.memref_squeeze %dma_start3A_474 : memref<1x50xi32, #tpu.memory_space<vmem>> -> memref<50xi32, #tpu.memory_space<vmem>>
      %dma_start3A_476 = arith.constant 0 : i32
      %dma_start3A_477 = arith.constant 0 : i32
      %dma_start3A_478 = tpu.memref_slice %arg3[%dma_start3A_476, %dma_start3A_477] : memref<1000000x32xf32, #tpu.memory_space<hbm>> -> memref<1000000x32xf32, #tpu.memory_space<hbm>>
      tpu.enqueue_indirect_dma source(%dma_start3A_478 : memref<1000000x32xf32, #tpu.memory_space<hbm>>) target(%dma_start3A_472 : memref<50x32xf32, #tpu.memory_space<vmem>>) offsets(%dma_start3A_475 : memref<50xi32, #tpu.memory_space<vmem>>) semaphore(%arg9 : memref<!tpu.dma_semaphore, #tpu.memory_space<semaphore_mem>>)
      %mul3A_479 = arith.constant 16 : i32
      %mul3A_480 = arith.muli %add3A_270, %mul3A_479 : i32
      %add3A_481 = arith.constant 13 : i32
      %add3A_482 = arith.addi %mul3A_480, %add3A_481 : i32
      %dma_start3A_483 = arith.constant 1 : i32
      %dma_start3A_484 = arith.constant 13 : i32
      %dma_start3A_485 = arith.constant 0 : i32
      %dma_start3A_486 = arith.constant 0 : i32
      %dma_start3A_487 = tpu.memref_slice %arg6[%dma_start3A_483, %dma_start3A_484, %dma_start3A_485, %dma_start3A_486] : memref<2x16x50x32xf32, #tpu.memory_space<vmem>> -> memref<1x1x50x32xf32, #tpu.memory_space<vmem>>
      %dma_start3A_488 = tpu.memref_squeeze %dma_start3A_487 : memref<1x1x50x32xf32, #tpu.memory_space<vmem>> -> memref<50x32xf32, #tpu.memory_space<vmem>>
      %dma_start3A_489 = arith.constant 0 : i32
      %dma_start3A_490 = tpu.memref_slice %arg5[%add3A_482, %dma_start3A_489] : memref<512x50xi32, #tpu.memory_space<vmem>> -> memref<1x50xi32, #tpu.memory_space<vmem>>
      %dma_start3A_491 = tpu.memref_squeeze %dma_start3A_490 : memref<1x50xi32, #tpu.memory_space<vmem>> -> memref<50xi32, #tpu.memory_space<vmem>>
      %dma_start3A_492 = arith.constant 0 : i32
      %dma_start3A_493 = arith.constant 0 : i32
      %dma_start3A_494 = tpu.memref_slice %arg3[%dma_start3A_492, %dma_start3A_493] : memref<1000000x32xf32, #tpu.memory_space<hbm>> -> memref<1000000x32xf32, #tpu.memory_space<hbm>>
      tpu.enqueue_indirect_dma source(%dma_start3A_494 : memref<1000000x32xf32, #tpu.memory_space<hbm>>) target(%dma_start3A_488 : memref<50x32xf32, #tpu.memory_space<vmem>>) offsets(%dma_start3A_491 : memref<50xi32, #tpu.memory_space<vmem>>) semaphore(%arg9 : memref<!tpu.dma_semaphore, #tpu.memory_space<semaphore_mem>>)
      %mul3A_495 = arith.constant 16 : i32
      %mul3A_496 = arith.muli %add3A_270, %mul3A_495 : i32
      %add3A_497 = arith.constant 14 : i32
      %add3A_498 = arith.addi %mul3A_496, %add3A_497 : i32
      %dma_start3A_499 = arith.constant 1 : i32
      %dma_start3A_500 = arith.constant 14 : i32
      %dma_start3A_501 = arith.constant 0 : i32
      %dma_start3A_502 = arith.constant 0 : i32
      %dma_start3A_503 = tpu.memref_slice %arg6[%dma_start3A_499, %dma_start3A_500, %dma_start3A_501, %dma_start3A_502] : memref<2x16x50x32xf32, #tpu.memory_space<vmem>> -> memref<1x1x50x32xf32, #tpu.memory_space<vmem>>
      %dma_start3A_504 = tpu.memref_squeeze %dma_start3A_503 : memref<1x1x50x32xf32, #tpu.memory_space<vmem>> -> memref<50x32xf32, #tpu.memory_space<vmem>>
      %dma_start3A_505 = arith.constant 0 : i32
      %dma_start3A_506 = tpu.memref_slice %arg5[%add3A_498, %dma_start3A_505] : memref<512x50xi32, #tpu.memory_space<vmem>> -> memref<1x50xi32, #tpu.memory_space<vmem>>
      %dma_start3A_507 = tpu.memref_squeeze %dma_start3A_506 : memref<1x50xi32, #tpu.memory_space<vmem>> -> memref<50xi32, #tpu.memory_space<vmem>>
      %dma_start3A_508 = arith.constant 0 : i32
      %dma_start3A_509 = arith.constant 0 : i32
      %dma_start3A_510 = tpu.memref_slice %arg3[%dma_start3A_508, %dma_start3A_509] : memref<1000000x32xf32, #tpu.memory_space<hbm>> -> memref<1000000x32xf32, #tpu.memory_space<hbm>>
      tpu.enqueue_indirect_dma source(%dma_start3A_510 : memref<1000000x32xf32, #tpu.memory_space<hbm>>) target(%dma_start3A_504 : memref<50x32xf32, #tpu.memory_space<vmem>>) offsets(%dma_start3A_507 : memref<50xi32, #tpu.memory_space<vmem>>) semaphore(%arg9 : memref<!tpu.dma_semaphore, #tpu.memory_space<semaphore_mem>>)
      %mul3A_511 = arith.constant 16 : i32
      %mul3A_512 = arith.muli %add3A_270, %mul3A_511 : i32
      %add3A_513 = arith.constant 15 : i32
      %add3A_514 = arith.addi %mul3A_512, %add3A_513 : i32
      %dma_start3A_515 = arith.constant 1 : i32
      %dma_start3A_516 = arith.constant 15 : i32
      %dma_start3A_517 = arith.constant 0 : i32
      %dma_start3A_518 = arith.constant 0 : i32
      %dma_start3A_519 = tpu.memref_slice %arg6[%dma_start3A_515, %dma_start3A_516, %dma_start3A_517, %dma_start3A_518] : memref<2x16x50x32xf32, #tpu.memory_space<vmem>> -> memref<1x1x50x32xf32, #tpu.memory_space<vmem>>
      %dma_start3A_520 = tpu.memref_squeeze %dma_start3A_519 : memref<1x1x50x32xf32, #tpu.memory_space<vmem>> -> memref<50x32xf32, #tpu.memory_space<vmem>>
      %dma_start3A_521 = arith.constant 0 : i32
      %dma_start3A_522 = tpu.memref_slice %arg5[%add3A_514, %dma_start3A_521] : memref<512x50xi32, #tpu.memory_space<vmem>> -> memref<1x50xi32, #tpu.memory_space<vmem>>
      %dma_start3A_523 = tpu.memref_squeeze %dma_start3A_522 : memref<1x50xi32, #tpu.memory_space<vmem>> -> memref<50xi32, #tpu.memory_space<vmem>>
      %dma_start3A_524 = arith.constant 0 : i32
      %dma_start3A_525 = arith.constant 0 : i32
      %dma_start3A_526 = tpu.memref_slice %arg3[%dma_start3A_524, %dma_start3A_525] : memref<1000000x32xf32, #tpu.memory_space<hbm>> -> memref<1000000x32xf32, #tpu.memory_space<hbm>>
      tpu.enqueue_indirect_dma source(%dma_start3A_526 : memref<1000000x32xf32, #tpu.memory_space<hbm>>) target(%dma_start3A_520 : memref<50x32xf32, #tpu.memory_space<vmem>>) offsets(%dma_start3A_523 : memref<50xi32, #tpu.memory_space<vmem>>) semaphore(%arg9 : memref<!tpu.dma_semaphore, #tpu.memory_space<semaphore_mem>>)
      %dma_wait3A_527 = arith.constant 0 : i32
      %dma_wait3A_528 = arith.constant 0 : i32
      %dma_wait3A_529 = arith.constant 0 : i32
      %dma_wait3A_530 = arith.constant 0 : i32
      %dma_wait3A_531 = arith.constant 0 : i32
      %dma_wait3A_532 = tpu.memref_slice %arg6[%dma_wait3A_528, %dma_wait3A_529, %dma_wait3A_530, %dma_wait3A_531] : memref<2x16x50x32xf32, #tpu.memory_space<vmem>> -> memref<1x1x50x32xf32, #tpu.memory_space<vmem>>
      %dma_wait3A_533 = tpu.memref_squeeze %dma_wait3A_532 : memref<1x1x50x32xf32, #tpu.memory_space<vmem>> -> memref<50x32xf32, #tpu.memory_space<vmem>>
      %dma_wait3A_534 = arith.constant 0 : i32
      %dma_wait3A_535 = tpu.memref_slice %arg5[%dma_wait3A_527, %dma_wait3A_534] : memref<512x50xi32, #tpu.memory_space<vmem>> -> memref<1x50xi32, #tpu.memory_space<vmem>>
      %dma_wait3A_536 = tpu.memref_squeeze %dma_wait3A_535 : memref<1x50xi32, #tpu.memory_space<vmem>> -> memref<50xi32, #tpu.memory_space<vmem>>
      %dma_wait3A_537 = arith.constant 0 : i32
      %dma_wait3A_538 = arith.constant 0 : i32
      %dma_wait3A_539 = tpu.memref_slice %arg3[%dma_wait3A_537, %dma_wait3A_538] : memref<1000000x32xf32, #tpu.memory_space<hbm>> -> memref<1000000x32xf32, #tpu.memory_space<hbm>>
      tpu.wait_indirect_dma semaphore(%arg8 : memref<!tpu.dma_semaphore, #tpu.memory_space<semaphore_mem>>) src(%dma_wait3A_539 : memref<1000000x32xf32, #tpu.memory_space<hbm>>) dst(%dma_wait3A_533 : memref<50x32xf32, #tpu.memory_space<vmem>>)
      %dma_wait3A_540 = arith.constant 0 : i32
      %dma_wait3A_541 = arith.constant 0 : i32
      %dma_wait3A_542 = arith.constant 1 : i32
      %dma_wait3A_543 = arith.constant 0 : i32
      %dma_wait3A_544 = arith.constant 0 : i32
      %dma_wait3A_545 = tpu.memref_slice %arg6[%dma_wait3A_541, %dma_wait3A_542, %dma_wait3A_543, %dma_wait3A_544] : memref<2x16x50x32xf32, #tpu.memory_space<vmem>> -> memref<1x1x50x32xf32, #tpu.memory_space<vmem>>
      %dma_wait3A_546 = tpu.memref_squeeze %dma_wait3A_545 : memref<1x1x50x32xf32, #tpu.memory_space<vmem>> -> memref<50x32xf32, #tpu.memory_space<vmem>>
      %dma_wait3A_547 = arith.constant 0 : i32
      %dma_wait3A_548 = tpu.memref_slice %arg5[%dma_wait3A_540, %dma_wait3A_547] : memref<512x50xi32, #tpu.memory_space<vmem>> -> memref<1x50xi32, #tpu.memory_space<vmem>>
      %dma_wait3A_549 = tpu.memref_squeeze %dma_wait3A_548 : memref<1x50xi32, #tpu.memory_space<vmem>> -> memref<50xi32, #tpu.memory_space<vmem>>
      %dma_wait3A_550 = arith.constant 0 : i32
      %dma_wait3A_551 = arith.constant 0 : i32
      %dma_wait3A_552 = tpu.memref_slice %arg3[%dma_wait3A_550, %dma_wait3A_551] : memref<1000000x32xf32, #tpu.memory_space<hbm>> -> memref<1000000x32xf32, #tpu.memory_space<hbm>>
      tpu.wait_indirect_dma semaphore(%arg8 : memref<!tpu.dma_semaphore, #tpu.memory_space<semaphore_mem>>) src(%dma_wait3A_552 : memref<1000000x32xf32, #tpu.memory_space<hbm>>) dst(%dma_wait3A_546 : memref<50x32xf32, #tpu.memory_space<vmem>>)
      %dma_wait3A_553 = arith.constant 0 : i32
      %dma_wait3A_554 = arith.constant 0 : i32
      %dma_wait3A_555 = arith.constant 2 : i32
      %dma_wait3A_556 = arith.constant 0 : i32
      %dma_wait3A_557 = arith.constant 0 : i32
      %dma_wait3A_558 = tpu.memref_slice %arg6[%dma_wait3A_554, %dma_wait3A_555, %dma_wait3A_556, %dma_wait3A_557] : memref<2x16x50x32xf32, #tpu.memory_space<vmem>> -> memref<1x1x50x32xf32, #tpu.memory_space<vmem>>
      %dma_wait3A_559 = tpu.memref_squeeze %dma_wait3A_558 : memref<1x1x50x32xf32, #tpu.memory_space<vmem>> -> memref<50x32xf32, #tpu.memory_space<vmem>>
      %dma_wait3A_560 = arith.constant 0 : i32
      %dma_wait3A_561 = tpu.memref_slice %arg5[%dma_wait3A_553, %dma_wait3A_560] : memref<512x50xi32, #tpu.memory_space<vmem>> -> memref<1x50xi32, #tpu.memory_space<vmem>>
      %dma_wait3A_562 = tpu.memref_squeeze %dma_wait3A_561 : memref<1x50xi32, #tpu.memory_space<vmem>> -> memref<50xi32, #tpu.memory_space<vmem>>
      %dma_wait3A_563 = arith.constant 0 : i32
      %dma_wait3A_564 = arith.constant 0 : i32
      %dma_wait3A_565 = tpu.memref_slice %arg3[%dma_wait3A_563, %dma_wait3A_564] : memref<1000000x32xf32, #tpu.memory_space<hbm>> -> memref<1000000x32xf32, #tpu.memory_space<hbm>>
      tpu.wait_indirect_dma semaphore(%arg8 : memref<!tpu.dma_semaphore, #tpu.memory_space<semaphore_mem>>) src(%dma_wait3A_565 : memref<1000000x32xf32, #tpu.memory_space<hbm>>) dst(%dma_wait3A_559 : memref<50x32xf32, #tpu.memory_space<vmem>>)
      %dma_wait3A_566 = arith.constant 0 : i32
      %dma_wait3A_567 = arith.constant 0 : i32
      %dma_wait3A_568 = arith.constant 3 : i32
      %dma_wait3A_569 = arith.constant 0 : i32
      %dma_wait3A_570 = arith.constant 0 : i32
      %dma_wait3A_571 = tpu.memref_slice %arg6[%dma_wait3A_567, %dma_wait3A_568, %dma_wait3A_569, %dma_wait3A_570] : memref<2x16x50x32xf32, #tpu.memory_space<vmem>> -> memref<1x1x50x32xf32, #tpu.memory_space<vmem>>
      %dma_wait3A_572 = tpu.memref_squeeze %dma_wait3A_571 : memref<1x1x50x32xf32, #tpu.memory_space<vmem>> -> memref<50x32xf32, #tpu.memory_space<vmem>>
      %dma_wait3A_573 = arith.constant 0 : i32
      %dma_wait3A_574 = tpu.memref_slice %arg5[%dma_wait3A_566, %dma_wait3A_573] : memref<512x50xi32, #tpu.memory_space<vmem>> -> memref<1x50xi32, #tpu.memory_space<vmem>>
      %dma_wait3A_575 = tpu.memref_squeeze %dma_wait3A_574 : memref<1x50xi32, #tpu.memory_space<vmem>> -> memref<50xi32, #tpu.memory_space<vmem>>
      %dma_wait3A_576 = arith.constant 0 : i32
      %dma_wait3A_577 = arith.constant 0 : i32
      %dma_wait3A_578 = tpu.memref_slice %arg3[%dma_wait3A_576, %dma_wait3A_577] : memref<1000000x32xf32, #tpu.memory_space<hbm>> -> memref<1000000x32xf32, #tpu.memory_space<hbm>>
      tpu.wait_indirect_dma semaphore(%arg8 : memref<!tpu.dma_semaphore, #tpu.memory_space<semaphore_mem>>) src(%dma_wait3A_578 : memref<1000000x32xf32, #tpu.memory_space<hbm>>) dst(%dma_wait3A_572 : memref<50x32xf32, #tpu.memory_space<vmem>>)
      %dma_wait3A_579 = arith.constant 0 : i32
      %dma_wait3A_580 = arith.constant 0 : i32
      %dma_wait3A_581 = arith.constant 4 : i32
      %dma_wait3A_582 = arith.constant 0 : i32
      %dma_wait3A_583 = arith.constant 0 : i32
      %dma_wait3A_584 = tpu.memref_slice %arg6[%dma_wait3A_580, %dma_wait3A_581, %dma_wait3A_582, %dma_wait3A_583] : memref<2x16x50x32xf32, #tpu.memory_space<vmem>> -> memref<1x1x50x32xf32, #tpu.memory_space<vmem>>
      %dma_wait3A_585 = tpu.memref_squeeze %dma_wait3A_584 : memref<1x1x50x32xf32, #tpu.memory_space<vmem>> -> memref<50x32xf32, #tpu.memory_space<vmem>>
      %dma_wait3A_586 = arith.constant 0 : i32
      %dma_wait3A_587 = tpu.memref_slice %arg5[%dma_wait3A_579, %dma_wait3A_586] : memref<512x50xi32, #tpu.memory_space<vmem>> -> memref<1x50xi32, #tpu.memory_space<vmem>>
      %dma_wait3A_588 = tpu.memref_squeeze %dma_wait3A_587 : memref<1x50xi32, #tpu.memory_space<vmem>> -> memref<50xi32, #tpu.memory_space<vmem>>
      %dma_wait3A_589 = arith.constant 0 : i32
      %dma_wait3A_590 = arith.constant 0 : i32
      %dma_wait3A_591 = tpu.memref_slice %arg3[%dma_wait3A_589, %dma_wait3A_590] : memref<1000000x32xf32, #tpu.memory_space<hbm>> -> memref<1000000x32xf32, #tpu.memory_space<hbm>>
      tpu.wait_indirect_dma semaphore(%arg8 : memref<!tpu.dma_semaphore, #tpu.memory_space<semaphore_mem>>) src(%dma_wait3A_591 : memref<1000000x32xf32, #tpu.memory_space<hbm>>) dst(%dma_wait3A_585 : memref<50x32xf32, #tpu.memory_space<vmem>>)
      %dma_wait3A_592 = arith.constant 0 : i32
      %dma_wait3A_593 = arith.constant 0 : i32
      %dma_wait3A_594 = arith.constant 5 : i32
      %dma_wait3A_595 = arith.constant 0 : i32
      %dma_wait3A_596 = arith.constant 0 : i32
      %dma_wait3A_597 = tpu.memref_slice %arg6[%dma_wait3A_593, %dma_wait3A_594, %dma_wait3A_595, %dma_wait3A_596] : memref<2x16x50x32xf32, #tpu.memory_space<vmem>> -> memref<1x1x50x32xf32, #tpu.memory_space<vmem>>
      %dma_wait3A_598 = tpu.memref_squeeze %dma_wait3A_597 : memref<1x1x50x32xf32, #tpu.memory_space<vmem>> -> memref<50x32xf32, #tpu.memory_space<vmem>>
      %dma_wait3A_599 = arith.constant 0 : i32
      %dma_wait3A_600 = tpu.memref_slice %arg5[%dma_wait3A_592, %dma_wait3A_599] : memref<512x50xi32, #tpu.memory_space<vmem>> -> memref<1x50xi32, #tpu.memory_space<vmem>>
      %dma_wait3A_601 = tpu.memref_squeeze %dma_wait3A_600 : memref<1x50xi32, #tpu.memory_space<vmem>> -> memref<50xi32, #tpu.memory_space<vmem>>
      %dma_wait3A_602 = arith.constant 0 : i32
      %dma_wait3A_603 = arith.constant 0 : i32
      %dma_wait3A_604 = tpu.memref_slice %arg3[%dma_wait3A_602, %dma_wait3A_603] : memref<1000000x32xf32, #tpu.memory_space<hbm>> -> memref<1000000x32xf32, #tpu.memory_space<hbm>>
      tpu.wait_indirect_dma semaphore(%arg8 : memref<!tpu.dma_semaphore, #tpu.memory_space<semaphore_mem>>) src(%dma_wait3A_604 : memref<1000000x32xf32, #tpu.memory_space<hbm>>) dst(%dma_wait3A_598 : memref<50x32xf32, #tpu.memory_space<vmem>>)
      %dma_wait3A_605 = arith.constant 0 : i32
      %dma_wait3A_606 = arith.constant 0 : i32
      %dma_wait3A_607 = arith.constant 6 : i32
      %dma_wait3A_608 = arith.constant 0 : i32
      %dma_wait3A_609 = arith.constant 0 : i32
      %dma_wait3A_610 = tpu.memref_slice %arg6[%dma_wait3A_606, %dma_wait3A_607, %dma_wait3A_608, %dma_wait3A_609] : memref<2x16x50x32xf32, #tpu.memory_space<vmem>> -> memref<1x1x50x32xf32, #tpu.memory_space<vmem>>
      %dma_wait3A_611 = tpu.memref_squeeze %dma_wait3A_610 : memref<1x1x50x32xf32, #tpu.memory_space<vmem>> -> memref<50x32xf32, #tpu.memory_space<vmem>>
      %dma_wait3A_612 = arith.constant 0 : i32
      %dma_wait3A_613 = tpu.memref_slice %arg5[%dma_wait3A_605, %dma_wait3A_612] : memref<512x50xi32, #tpu.memory_space<vmem>> -> memref<1x50xi32, #tpu.memory_space<vmem>>
      %dma_wait3A_614 = tpu.memref_squeeze %dma_wait3A_613 : memref<1x50xi32, #tpu.memory_space<vmem>> -> memref<50xi32, #tpu.memory_space<vmem>>
      %dma_wait3A_615 = arith.constant 0 : i32
      %dma_wait3A_616 = arith.constant 0 : i32
      %dma_wait3A_617 = tpu.memref_slice %arg3[%dma_wait3A_615, %dma_wait3A_616] : memref<1000000x32xf32, #tpu.memory_space<hbm>> -> memref<1000000x32xf32, #tpu.memory_space<hbm>>
      tpu.wait_indirect_dma semaphore(%arg8 : memref<!tpu.dma_semaphore, #tpu.memory_space<semaphore_mem>>) src(%dma_wait3A_617 : memref<1000000x32xf32, #tpu.memory_space<hbm>>) dst(%dma_wait3A_611 : memref<50x32xf32, #tpu.memory_space<vmem>>)
      %dma_wait3A_618 = arith.constant 0 : i32
      %dma_wait3A_619 = arith.constant 0 : i32
      %dma_wait3A_620 = arith.constant 7 : i32
      %dma_wait3A_621 = arith.constant 0 : i32
      %dma_wait3A_622 = arith.constant 0 : i32
      %dma_wait3A_623 = tpu.memref_slice %arg6[%dma_wait3A_619, %dma_wait3A_620, %dma_wait3A_621, %dma_wait3A_622] : memref<2x16x50x32xf32, #tpu.memory_space<vmem>> -> memref<1x1x50x32xf32, #tpu.memory_space<vmem>>
      %dma_wait3A_624 = tpu.memref_squeeze %dma_wait3A_623 : memref<1x1x50x32xf32, #tpu.memory_space<vmem>> -> memref<50x32xf32, #tpu.memory_space<vmem>>
      %dma_wait3A_625 = arith.constant 0 : i32
      %dma_wait3A_626 = tpu.memref_slice %arg5[%dma_wait3A_618, %dma_wait3A_625] : memref<512x50xi32, #tpu.memory_space<vmem>> -> memref<1x50xi32, #tpu.memory_space<vmem>>
      %dma_wait3A_627 = tpu.memref_squeeze %dma_wait3A_626 : memref<1x50xi32, #tpu.memory_space<vmem>> -> memref<50xi32, #tpu.memory_space<vmem>>
      %dma_wait3A_628 = arith.constant 0 : i32
      %dma_wait3A_629 = arith.constant 0 : i32
      %dma_wait3A_630 = tpu.memref_slice %arg3[%dma_wait3A_628, %dma_wait3A_629] : memref<1000000x32xf32, #tpu.memory_space<hbm>> -> memref<1000000x32xf32, #tpu.memory_space<hbm>>
      tpu.wait_indirect_dma semaphore(%arg8 : memref<!tpu.dma_semaphore, #tpu.memory_space<semaphore_mem>>) src(%dma_wait3A_630 : memref<1000000x32xf32, #tpu.memory_space<hbm>>) dst(%dma_wait3A_624 : memref<50x32xf32, #tpu.memory_space<vmem>>)
      %dma_wait3A_631 = arith.constant 0 : i32
      %dma_wait3A_632 = arith.constant 0 : i32
      %dma_wait3A_633 = arith.constant 8 : i32
      %dma_wait3A_634 = arith.constant 0 : i32
      %dma_wait3A_635 = arith.constant 0 : i32
      %dma_wait3A_636 = tpu.memref_slice %arg6[%dma_wait3A_632, %dma_wait3A_633, %dma_wait3A_634, %dma_wait3A_635] : memref<2x16x50x32xf32, #tpu.memory_space<vmem>> -> memref<1x1x50x32xf32, #tpu.memory_space<vmem>>
      %dma_wait3A_637 = tpu.memref_squeeze %dma_wait3A_636 : memref<1x1x50x32xf32, #tpu.memory_space<vmem>> -> memref<50x32xf32, #tpu.memory_space<vmem>>
      %dma_wait3A_638 = arith.constant 0 : i32
      %dma_wait3A_639 = tpu.memref_slice %arg5[%dma_wait3A_631, %dma_wait3A_638] : memref<512x50xi32, #tpu.memory_space<vmem>> -> memref<1x50xi32, #tpu.memory_space<vmem>>
      %dma_wait3A_640 = tpu.memref_squeeze %dma_wait3A_639 : memref<1x50xi32, #tpu.memory_space<vmem>> -> memref<50xi32, #tpu.memory_space<vmem>>
      %dma_wait3A_641 = arith.constant 0 : i32
      %dma_wait3A_642 = arith.constant 0 : i32
      %dma_wait3A_643 = tpu.memref_slice %arg3[%dma_wait3A_641, %dma_wait3A_642] : memref<1000000x32xf32, #tpu.memory_space<hbm>> -> memref<1000000x32xf32, #tpu.memory_space<hbm>>
      tpu.wait_indirect_dma semaphore(%arg8 : memref<!tpu.dma_semaphore, #tpu.memory_space<semaphore_mem>>) src(%dma_wait3A_643 : memref<1000000x32xf32, #tpu.memory_space<hbm>>) dst(%dma_wait3A_637 : memref<50x32xf32, #tpu.memory_space<vmem>>)
      %dma_wait3A_644 = arith.constant 0 : i32
      %dma_wait3A_645 = arith.constant 0 : i32
      %dma_wait3A_646 = arith.constant 9 : i32
      %dma_wait3A_647 = arith.constant 0 : i32
      %dma_wait3A_648 = arith.constant 0 : i32
      %dma_wait3A_649 = tpu.memref_slice %arg6[%dma_wait3A_645, %dma_wait3A_646, %dma_wait3A_647, %dma_wait3A_648] : memref<2x16x50x32xf32, #tpu.memory_space<vmem>> -> memref<1x1x50x32xf32, #tpu.memory_space<vmem>>
      %dma_wait3A_650 = tpu.memref_squeeze %dma_wait3A_649 : memref<1x1x50x32xf32, #tpu.memory_space<vmem>> -> memref<50x32xf32, #tpu.memory_space<vmem>>
      %dma_wait3A_651 = arith.constant 0 : i32
      %dma_wait3A_652 = tpu.memref_slice %arg5[%dma_wait3A_644, %dma_wait3A_651] : memref<512x50xi32, #tpu.memory_space<vmem>> -> memref<1x50xi32, #tpu.memory_space<vmem>>
      %dma_wait3A_653 = tpu.memref_squeeze %dma_wait3A_652 : memref<1x50xi32, #tpu.memory_space<vmem>> -> memref<50xi32, #tpu.memory_space<vmem>>
      %dma_wait3A_654 = arith.constant 0 : i32
      %dma_wait3A_655 = arith.constant 0 : i32
      %dma_wait3A_656 = tpu.memref_slice %arg3[%dma_wait3A_654, %dma_wait3A_655] : memref<1000000x32xf32, #tpu.memory_space<hbm>> -> memref<1000000x32xf32, #tpu.memory_space<hbm>>
      tpu.wait_indirect_dma semaphore(%arg8 : memref<!tpu.dma_semaphore, #tpu.memory_space<semaphore_mem>>) src(%dma_wait3A_656 : memref<1000000x32xf32, #tpu.memory_space<hbm>>) dst(%dma_wait3A_650 : memref<50x32xf32, #tpu.memory_space<vmem>>)
      %dma_wait3A_657 = arith.constant 0 : i32
      %dma_wait3A_658 = arith.constant 0 : i32
      %dma_wait3A_659 = arith.constant 10 : i32
      %dma_wait3A_660 = arith.constant 0 : i32
      %dma_wait3A_661 = arith.constant 0 : i32
      %dma_wait3A_662 = tpu.memref_slice %arg6[%dma_wait3A_658, %dma_wait3A_659, %dma_wait3A_660, %dma_wait3A_661] : memref<2x16x50x32xf32, #tpu.memory_space<vmem>> -> memref<1x1x50x32xf32, #tpu.memory_space<vmem>>
      %dma_wait3A_663 = tpu.memref_squeeze %dma_wait3A_662 : memref<1x1x50x32xf32, #tpu.memory_space<vmem>> -> memref<50x32xf32, #tpu.memory_space<vmem>>
      %dma_wait3A_664 = arith.constant 0 : i32
      %dma_wait3A_665 = tpu.memref_slice %arg5[%dma_wait3A_657, %dma_wait3A_664] : memref<512x50xi32, #tpu.memory_space<vmem>> -> memref<1x50xi32, #tpu.memory_space<vmem>>
      %dma_wait3A_666 = tpu.memref_squeeze %dma_wait3A_665 : memref<1x50xi32, #tpu.memory_space<vmem>> -> memref<50xi32, #tpu.memory_space<vmem>>
      %dma_wait3A_667 = arith.constant 0 : i32
      %dma_wait3A_668 = arith.constant 0 : i32
      %dma_wait3A_669 = tpu.memref_slice %arg3[%dma_wait3A_667, %dma_wait3A_668] : memref<1000000x32xf32, #tpu.memory_space<hbm>> -> memref<1000000x32xf32, #tpu.memory_space<hbm>>
      tpu.wait_indirect_dma semaphore(%arg8 : memref<!tpu.dma_semaphore, #tpu.memory_space<semaphore_mem>>) src(%dma_wait3A_669 : memref<1000000x32xf32, #tpu.memory_space<hbm>>) dst(%dma_wait3A_663 : memref<50x32xf32, #tpu.memory_space<vmem>>)
      %dma_wait3A_670 = arith.constant 0 : i32
      %dma_wait3A_671 = arith.constant 0 : i32
      %dma_wait3A_672 = arith.constant 11 : i32
      %dma_wait3A_673 = arith.constant 0 : i32
      %dma_wait3A_674 = arith.constant 0 : i32
      %dma_wait3A_675 = tpu.memref_slice %arg6[%dma_wait3A_671, %dma_wait3A_672, %dma_wait3A_673, %dma_wait3A_674] : memref<2x16x50x32xf32, #tpu.memory_space<vmem>> -> memref<1x1x50x32xf32, #tpu.memory_space<vmem>>
      %dma_wait3A_676 = tpu.memref_squeeze %dma_wait3A_675 : memref<1x1x50x32xf32, #tpu.memory_space<vmem>> -> memref<50x32xf32, #tpu.memory_space<vmem>>
      %dma_wait3A_677 = arith.constant 0 : i32
      %dma_wait3A_678 = tpu.memref_slice %arg5[%dma_wait3A_670, %dma_wait3A_677] : memref<512x50xi32, #tpu.memory_space<vmem>> -> memref<1x50xi32, #tpu.memory_space<vmem>>
      %dma_wait3A_679 = tpu.memref_squeeze %dma_wait3A_678 : memref<1x50xi32, #tpu.memory_space<vmem>> -> memref<50xi32, #tpu.memory_space<vmem>>
      %dma_wait3A_680 = arith.constant 0 : i32
      %dma_wait3A_681 = arith.constant 0 : i32
      %dma_wait3A_682 = tpu.memref_slice %arg3[%dma_wait3A_680, %dma_wait3A_681] : memref<1000000x32xf32, #tpu.memory_space<hbm>> -> memref<1000000x32xf32, #tpu.memory_space<hbm>>
      tpu.wait_indirect_dma semaphore(%arg8 : memref<!tpu.dma_semaphore, #tpu.memory_space<semaphore_mem>>) src(%dma_wait3A_682 : memref<1000000x32xf32, #tpu.memory_space<hbm>>) dst(%dma_wait3A_676 : memref<50x32xf32, #tpu.memory_space<vmem>>)
      %dma_wait3A_683 = arith.constant 0 : i32
      %dma_wait3A_684 = arith.constant 0 : i32
      %dma_wait3A_685 = arith.constant 12 : i32
      %dma_wait3A_686 = arith.constant 0 : i32
      %dma_wait3A_687 = arith.constant 0 : i32
      %dma_wait3A_688 = tpu.memref_slice %arg6[%dma_wait3A_684, %dma_wait3A_685, %dma_wait3A_686, %dma_wait3A_687] : memref<2x16x50x32xf32, #tpu.memory_space<vmem>> -> memref<1x1x50x32xf32, #tpu.memory_space<vmem>>
      %dma_wait3A_689 = tpu.memref_squeeze %dma_wait3A_688 : memref<1x1x50x32xf32, #tpu.memory_space<vmem>> -> memref<50x32xf32, #tpu.memory_space<vmem>>
      %dma_wait3A_690 = arith.constant 0 : i32
      %dma_wait3A_691 = tpu.memref_slice %arg5[%dma_wait3A_683, %dma_wait3A_690] : memref<512x50xi32, #tpu.memory_space<vmem>> -> memref<1x50xi32, #tpu.memory_space<vmem>>
      %dma_wait3A_692 = tpu.memref_squeeze %dma_wait3A_691 : memref<1x50xi32, #tpu.memory_space<vmem>> -> memref<50xi32, #tpu.memory_space<vmem>>
      %dma_wait3A_693 = arith.constant 0 : i32
      %dma_wait3A_694 = arith.constant 0 : i32
      %dma_wait3A_695 = tpu.memref_slice %arg3[%dma_wait3A_693, %dma_wait3A_694] : memref<1000000x32xf32, #tpu.memory_space<hbm>> -> memref<1000000x32xf32, #tpu.memory_space<hbm>>
      tpu.wait_indirect_dma semaphore(%arg8 : memref<!tpu.dma_semaphore, #tpu.memory_space<semaphore_mem>>) src(%dma_wait3A_695 : memref<1000000x32xf32, #tpu.memory_space<hbm>>) dst(%dma_wait3A_689 : memref<50x32xf32, #tpu.memory_space<vmem>>)
      %dma_wait3A_696 = arith.constant 0 : i32
      %dma_wait3A_697 = arith.constant 0 : i32
      %dma_wait3A_698 = arith.constant 13 : i32
      %dma_wait3A_699 = arith.constant 0 : i32
      %dma_wait3A_700 = arith.constant 0 : i32
      %dma_wait3A_701 = tpu.memref_slice %arg6[%dma_wait3A_697, %dma_wait3A_698, %dma_wait3A_699, %dma_wait3A_700] : memref<2x16x50x32xf32, #tpu.memory_space<vmem>> -> memref<1x1x50x32xf32, #tpu.memory_space<vmem>>
      %dma_wait3A_702 = tpu.memref_squeeze %dma_wait3A_701 : memref<1x1x50x32xf32, #tpu.memory_space<vmem>> -> memref<50x32xf32, #tpu.memory_space<vmem>>
      %dma_wait3A_703 = arith.constant 0 : i32
      %dma_wait3A_704 = tpu.memref_slice %arg5[%dma_wait3A_696, %dma_wait3A_703] : memref<512x50xi32, #tpu.memory_space<vmem>> -> memref<1x50xi32, #tpu.memory_space<vmem>>
      %dma_wait3A_705 = tpu.memref_squeeze %dma_wait3A_704 : memref<1x50xi32, #tpu.memory_space<vmem>> -> memref<50xi32, #tpu.memory_space<vmem>>
      %dma_wait3A_706 = arith.constant 0 : i32
      %dma_wait3A_707 = arith.constant 0 : i32
      %dma_wait3A_708 = tpu.memref_slice %arg3[%dma_wait3A_706, %dma_wait3A_707] : memref<1000000x32xf32, #tpu.memory_space<hbm>> -> memref<1000000x32xf32, #tpu.memory_space<hbm>>
      tpu.wait_indirect_dma semaphore(%arg8 : memref<!tpu.dma_semaphore, #tpu.memory_space<semaphore_mem>>) src(%dma_wait3A_708 : memref<1000000x32xf32, #tpu.memory_space<hbm>>) dst(%dma_wait3A_702 : memref<50x32xf32, #tpu.memory_space<vmem>>)
      %dma_wait3A_709 = arith.constant 0 : i32
      %dma_wait3A_710 = arith.constant 0 : i32
      %dma_wait3A_711 = arith.constant 14 : i32
      %dma_wait3A_712 = arith.constant 0 : i32
      %dma_wait3A_713 = arith.constant 0 : i32
      %dma_wait3A_714 = tpu.memref_slice %arg6[%dma_wait3A_710, %dma_wait3A_711, %dma_wait3A_712, %dma_wait3A_713] : memref<2x16x50x32xf32, #tpu.memory_space<vmem>> -> memref<1x1x50x32xf32, #tpu.memory_space<vmem>>
      %dma_wait3A_715 = tpu.memref_squeeze %dma_wait3A_714 : memref<1x1x50x32xf32, #tpu.memory_space<vmem>> -> memref<50x32xf32, #tpu.memory_space<vmem>>
      %dma_wait3A_716 = arith.constant 0 : i32
      %dma_wait3A_717 = tpu.memref_slice %arg5[%dma_wait3A_709, %dma_wait3A_716] : memref<512x50xi32, #tpu.memory_space<vmem>> -> memref<1x50xi32, #tpu.memory_space<vmem>>
      %dma_wait3A_718 = tpu.memref_squeeze %dma_wait3A_717 : memref<1x50xi32, #tpu.memory_space<vmem>> -> memref<50xi32, #tpu.memory_space<vmem>>
      %dma_wait3A_719 = arith.constant 0 : i32
      %dma_wait3A_720 = arith.constant 0 : i32
      %dma_wait3A_721 = tpu.memref_slice %arg3[%dma_wait3A_719, %dma_wait3A_720] : memref<1000000x32xf32, #tpu.memory_space<hbm>> -> memref<1000000x32xf32, #tpu.memory_space<hbm>>
      tpu.wait_indirect_dma semaphore(%arg8 : memref<!tpu.dma_semaphore, #tpu.memory_space<semaphore_mem>>) src(%dma_wait3A_721 : memref<1000000x32xf32, #tpu.memory_space<hbm>>) dst(%dma_wait3A_715 : memref<50x32xf32, #tpu.memory_space<vmem>>)
      %dma_wait3A_722 = arith.constant 0 : i32
      %dma_wait3A_723 = arith.constant 0 : i32
      %dma_wait3A_724 = arith.constant 15 : i32
      %dma_wait3A_725 = arith.constant 0 : i32
      %dma_wait3A_726 = arith.constant 0 : i32
      %dma_wait3A_727 = tpu.memref_slice %arg6[%dma_wait3A_723, %dma_wait3A_724, %dma_wait3A_725, %dma_wait3A_726] : memref<2x16x50x32xf32, #tpu.memory_space<vmem>> -> memref<1x1x50x32xf32, #tpu.memory_space<vmem>>
      %dma_wait3A_728 = tpu.memref_squeeze %dma_wait3A_727 : memref<1x1x50x32xf32, #tpu.memory_space<vmem>> -> memref<50x32xf32, #tpu.memory_space<vmem>>
      %dma_wait3A_729 = arith.constant 0 : i32
      %dma_wait3A_730 = tpu.memref_slice %arg5[%dma_wait3A_722, %dma_wait3A_729] : memref<512x50xi32, #tpu.memory_space<vmem>> -> memref<1x50xi32, #tpu.memory_space<vmem>>
      %dma_wait3A_731 = tpu.memref_squeeze %dma_wait3A_730 : memref<1x50xi32, #tpu.memory_space<vmem>> -> memref<50xi32, #tpu.memory_space<vmem>>
      %dma_wait3A_732 = arith.constant 0 : i32
      %dma_wait3A_733 = arith.constant 0 : i32
      %dma_wait3A_734 = tpu.memref_slice %arg3[%dma_wait3A_732, %dma_wait3A_733] : memref<1000000x32xf32, #tpu.memory_space<hbm>> -> memref<1000000x32xf32, #tpu.memory_space<hbm>>
      tpu.wait_indirect_dma semaphore(%arg8 : memref<!tpu.dma_semaphore, #tpu.memory_space<semaphore_mem>>) src(%dma_wait3A_734 : memref<1000000x32xf32, #tpu.memory_space<hbm>>) dst(%dma_wait3A_728 : memref<50x32xf32, #tpu.memory_space<vmem>>)
      %gt3A = arith.constant 0 : i32
      %gt3A_735 = arith.cmpi sgt, %scan3A_266, %gt3A : i32
      %convert_element_type3A = arith.extui %gt3A_735 : i1 to i32
      %cond3A = arith.constant 0 : i32
      %cond3A_736 = arith.cmpi ne, %convert_element_type3A, %cond3A : i32
      scf.if %cond3A_736 {
        %dma_wait3A_1109 = arith.constant 0 : i32
        %dma_wait3A_1110 = arith.constant 0 : i32
        %dma_wait3A_1111 = arith.constant 0 : i32
        %dma_wait3A_1112 = arith.constant 0 : i32
        %dma_wait3A_1113 = arith.constant 0 : i32
        %dma_wait3A_1114 = tpu.memref_slice %arg7[%dma_wait3A_1110, %dma_wait3A_1111, %dma_wait3A_1112, %dma_wait3A_1113] : memref<50x4x8x17xf32, #tpu.memory_space<vmem>> -> memref<50x4x8x16xf32, #tpu.memory_space<vmem>>
        %dma_wait3A_1115 = arith.constant 0 : i32
        %dma_wait3A_1116 = arith.constant 0 : i32
        %dma_wait3A_1117 = arith.constant 0 : i32
        %dma_wait3A_1118 = arith.constant 0 : i32
        %dma_wait3A_1119 = tpu.memref_slice %arg4[%dma_wait3A_1115, %dma_wait3A_1116, %dma_wait3A_1109, %dma_wait3A_1117, %dma_wait3A_1118] : memref<50x4x128x8x128xf32, #tpu.memory_space<hbm>> -> memref<50x4x1x8x16xf32, #tpu.memory_space<hbm>>
        %dma_wait3A_1120 = tpu.memref_squeeze %dma_wait3A_1119 : memref<50x4x1x8x16xf32, #tpu.memory_space<hbm>> -> memref<50x4x8x16xf32, #tpu.memory_space<hbm>>
        %dma_wait3A_1121 = arith.constant 0 : i32
        %dma_wait3A_1122 = arith.constant 0 : i32
        %dma_wait3A_1123 = arith.constant 0 : i32
        %dma_wait3A_1124 = arith.constant 0 : i32
        %dma_wait3A_1125 = tpu.memref_slice %arg4[%dma_wait3A_1121, %dma_wait3A_1122, %dma_wait3A_1109, %dma_wait3A_1123, %dma_wait3A_1124] : memref<50x4x128x8x128xf32, #tpu.memory_space<hbm>> -> memref<50x4x1x8x16xf32, #tpu.memory_space<hbm>>
        %dma_wait3A_1126 = tpu.memref_squeeze %dma_wait3A_1125 : memref<50x4x1x8x16xf32, #tpu.memory_space<hbm>> -> memref<50x4x8x16xf32, #tpu.memory_space<hbm>>
        %dma_wait3A_1127 = arith.constant 0 : i32
        %dma_wait3A_1128 = arith.constant 0 : i32
        %dma_wait3A_1129 = arith.constant 0 : i32
        %dma_wait3A_1130 = arith.constant 0 : i32
        %dma_wait3A_1131 = tpu.memref_slice %arg7[%dma_wait3A_1127, %dma_wait3A_1128, %dma_wait3A_1129, %dma_wait3A_1130] : memref<50x4x8x17xf32, #tpu.memory_space<vmem>> -> memref<50x4x8x16xf32, #tpu.memory_space<vmem>>
        tpu.wait_dma2 semaphore(%arg10 : memref<!tpu.dma_semaphore, #tpu.memory_space<semaphore_mem>>) src(%dma_wait3A_1131 : memref<50x4x8x16xf32, #tpu.memory_space<vmem>>) dst(%dma_wait3A_1126 : memref<50x4x8x16xf32, #tpu.memory_space<hbm>>)
      } else {
      }
      %scan3A_737 = arith.constant 0 : i32
      %scan3A_738 = arith.constant 0 : i32
      %scan3A_739 = arith.constant 50 : i32
      %scan3A_740 = arith.addi %scan3A_738, %scan3A_739 : i32
      %scan3A_741 = arith.constant 1 : i32
      scf.for %scan3A_1109 = %scan3A_738 to %scan3A_740 step %scan3A_741  : i32 {
        %broadcast_in_dim3A = arith.constant 0 : i32
        %broadcast_in_dim3A_1110 = vector.broadcast %broadcast_in_dim3A : i32 to vector<16xi32>
        %broadcast_in_dim3A_1111 = vector.broadcast %scan3A_1109 : i32 to vector<16xi32>
        %get3A = arith.constant 0 : i32
        %get3A_1112 = arith.constant 0 : i32
        %get3A_1113 = arith.index_cast %get3A : i32 to index
        %get3A_1114 = arith.index_cast %get3A_1112 : i32 to index
        %get3A_1115 = arith.index_cast %scan3A_1109 : i32 to index
        %get3A_1116 = arith.constant 0 : index
        %get3A_1117 = tpu.vector_load %arg6[%get3A_1113, %get3A_1114, %get3A_1115, %get3A_1116] {strides = array<i32>} : memref<2x16x50x32xf32, #tpu.memory_space<vmem>>, vector<16xf32>,
        tpu.vector_store_idx %arg7[%broadcast_in_dim3A_1111, %select_n3A, %rem3A_28, %broadcast_in_dim3A_1110], %get3A_1117 : memref<50x4x8x17xf32, #tpu.memory_space<vmem>>[vector<16xi32>, vector<16xi32>, vector<16xi32>, vector<16xi32>], vector<16xf32>,
        %get3A_1118 = arith.constant 0 : i32
        %get3A_1119 = arith.constant 0 : i32
        %get3A_1120 = arith.index_cast %get3A_1118 : i32 to index
        %get3A_1121 = arith.index_cast %get3A_1119 : i32 to index
        %get3A_1122 = arith.index_cast %scan3A_1109 : i32 to index
        %get3A_1123 = arith.constant 16 : index
        %get3A_1124 = tpu.vector_load %arg6[%get3A_1120, %get3A_1121, %get3A_1122, %get3A_1123] {strides = array<i32>} : memref<2x16x50x32xf32, #tpu.memory_space<vmem>>, vector<16xf32>,
        tpu.vector_store_idx %arg7[%broadcast_in_dim3A_1111, %add3A_31, %rem3A_28, %broadcast_in_dim3A_1110], %get3A_1124 : memref<50x4x8x17xf32, #tpu.memory_space<vmem>>[vector<16xi32>, vector<16xi32>, vector<16xi32>, vector<16xi32>], vector<16xf32>,
        %broadcast_in_dim3A_1125 = arith.constant 1 : i32
        %broadcast_in_dim3A_1126 = vector.broadcast %broadcast_in_dim3A_1125 : i32 to vector<16xi32>
        %broadcast_in_dim3A_1127 = vector.broadcast %scan3A_1109 : i32 to vector<16xi32>
        %get3A_1128 = arith.constant 0 : i32
        %get3A_1129 = arith.constant 1 : i32
        %get3A_1130 = arith.index_cast %get3A_1128 : i32 to index
        %get3A_1131 = arith.index_cast %get3A_1129 : i32 to index
        %get3A_1132 = arith.index_cast %scan3A_1109 : i32 to index
        %get3A_1133 = arith.constant 0 : index
        %get3A_1134 = tpu.vector_load %arg6[%get3A_1130, %get3A_1131, %get3A_1132, %get3A_1133] {strides = array<i32>} : memref<2x16x50x32xf32, #tpu.memory_space<vmem>>, vector<16xf32>,
        tpu.vector_store_idx %arg7[%broadcast_in_dim3A_1127, %select_n3A, %rem3A_28, %broadcast_in_dim3A_1126], %get3A_1134 : memref<50x4x8x17xf32, #tpu.memory_space<vmem>>[vector<16xi32>, vector<16xi32>, vector<16xi32>, vector<16xi32>], vector<16xf32>,
        %get3A_1135 = arith.constant 0 : i32
        %get3A_1136 = arith.constant 1 : i32
        %get3A_1137 = arith.index_cast %get3A_1135 : i32 to index
        %get3A_1138 = arith.index_cast %get3A_1136 : i32 to index
        %get3A_1139 = arith.index_cast %scan3A_1109 : i32 to index
        %get3A_1140 = arith.constant 16 : index
        %get3A_1141 = tpu.vector_load %arg6[%get3A_1137, %get3A_1138, %get3A_1139, %get3A_1140] {strides = array<i32>} : memref<2x16x50x32xf32, #tpu.memory_space<vmem>>, vector<16xf32>,
        tpu.vector_store_idx %arg7[%broadcast_in_dim3A_1127, %add3A_31, %rem3A_28, %broadcast_in_dim3A_1126], %get3A_1141 : memref<50x4x8x17xf32, #tpu.memory_space<vmem>>[vector<16xi32>, vector<16xi32>, vector<16xi32>, vector<16xi32>], vector<16xf32>,
        %broadcast_in_dim3A_1142 = arith.constant 2 : i32
        %broadcast_in_dim3A_1143 = vector.broadcast %broadcast_in_dim3A_1142 : i32 to vector<16xi32>
        %broadcast_in_dim3A_1144 = vector.broadcast %scan3A_1109 : i32 to vector<16xi32>
        %get3A_1145 = arith.constant 0 : i32
        %get3A_1146 = arith.constant 2 : i32
        %get3A_1147 = arith.index_cast %get3A_1145 : i32 to index
        %get3A_1148 = arith.index_cast %get3A_1146 : i32 to index
        %get3A_1149 = arith.index_cast %scan3A_1109 : i32 to index
        %get3A_1150 = arith.constant 0 : index
        %get3A_1151 = tpu.vector_load %arg6[%get3A_1147, %get3A_1148, %get3A_1149, %get3A_1150] {strides = array<i32>} : memref<2x16x50x32xf32, #tpu.memory_space<vmem>>, vector<16xf32>,
        tpu.vector_store_idx %arg7[%broadcast_in_dim3A_1144, %select_n3A, %rem3A_28, %broadcast_in_dim3A_1143], %get3A_1151 : memref<50x4x8x17xf32, #tpu.memory_space<vmem>>[vector<16xi32>, vector<16xi32>, vector<16xi32>, vector<16xi32>], vector<16xf32>,
        %get3A_1152 = arith.constant 0 : i32
        %get3A_1153 = arith.constant 2 : i32
        %get3A_1154 = arith.index_cast %get3A_1152 : i32 to index
        %get3A_1155 = arith.index_cast %get3A_1153 : i32 to index
        %get3A_1156 = arith.index_cast %scan3A_1109 : i32 to index
        %get3A_1157 = arith.constant 16 : index
        %get3A_1158 = tpu.vector_load %arg6[%get3A_1154, %get3A_1155, %get3A_1156, %get3A_1157] {strides = array<i32>} : memref<2x16x50x32xf32, #tpu.memory_space<vmem>>, vector<16xf32>,
        tpu.vector_store_idx %arg7[%broadcast_in_dim3A_1144, %add3A_31, %rem3A_28, %broadcast_in_dim3A_1143], %get3A_1158 : memref<50x4x8x17xf32, #tpu.memory_space<vmem>>[vector<16xi32>, vector<16xi32>, vector<16xi32>, vector<16xi32>], vector<16xf32>,
        %broadcast_in_dim3A_1159 = arith.constant 3 : i32
        %broadcast_in_dim3A_1160 = vector.broadcast %broadcast_in_dim3A_1159 : i32 to vector<16xi32>
        %broadcast_in_dim3A_1161 = vector.broadcast %scan3A_1109 : i32 to vector<16xi32>
        %get3A_1162 = arith.constant 0 : i32
        %get3A_1163 = arith.constant 3 : i32
        %get3A_1164 = arith.index_cast %get3A_1162 : i32 to index
        %get3A_1165 = arith.index_cast %get3A_1163 : i32 to index
        %get3A_1166 = arith.index_cast %scan3A_1109 : i32 to index
        %get3A_1167 = arith.constant 0 : index
        %get3A_1168 = tpu.vector_load %arg6[%get3A_1164, %get3A_1165, %get3A_1166, %get3A_1167] {strides = array<i32>} : memref<2x16x50x32xf32, #tpu.memory_space<vmem>>, vector<16xf32>,
        tpu.vector_store_idx %arg7[%broadcast_in_dim3A_1161, %select_n3A, %rem3A_28, %broadcast_in_dim3A_1160], %get3A_1168 : memref<50x4x8x17xf32, #tpu.memory_space<vmem>>[vector<16xi32>, vector<16xi32>, vector<16xi32>, vector<16xi32>], vector<16xf32>,
        %get3A_1169 = arith.constant 0 : i32
        %get3A_1170 = arith.constant 3 : i32
        %get3A_1171 = arith.index_cast %get3A_1169 : i32 to index
        %get3A_1172 = arith.index_cast %get3A_1170 : i32 to index
        %get3A_1173 = arith.index_cast %scan3A_1109 : i32 to index
        %get3A_1174 = arith.constant 16 : index
        %get3A_1175 = tpu.vector_load %arg6[%get3A_1171, %get3A_1172, %get3A_1173, %get3A_1174] {strides = array<i32>} : memref<2x16x50x32xf32, #tpu.memory_space<vmem>>, vector<16xf32>,
        tpu.vector_store_idx %arg7[%broadcast_in_dim3A_1161, %add3A_31, %rem3A_28, %broadcast_in_dim3A_1160], %get3A_1175 : memref<50x4x8x17xf32, #tpu.memory_space<vmem>>[vector<16xi32>, vector<16xi32>, vector<16xi32>, vector<16xi32>], vector<16xf32>,
        %broadcast_in_dim3A_1176 = arith.constant 4 : i32
        %broadcast_in_dim3A_1177 = vector.broadcast %broadcast_in_dim3A_1176 : i32 to vector<16xi32>
        %broadcast_in_dim3A_1178 = vector.broadcast %scan3A_1109 : i32 to vector<16xi32>
        %get3A_1179 = arith.constant 0 : i32
        %get3A_1180 = arith.constant 4 : i32
        %get3A_1181 = arith.index_cast %get3A_1179 : i32 to index
        %get3A_1182 = arith.index_cast %get3A_1180 : i32 to index
        %get3A_1183 = arith.index_cast %scan3A_1109 : i32 to index
        %get3A_1184 = arith.constant 0 : index
        %get3A_1185 = tpu.vector_load %arg6[%get3A_1181, %get3A_1182, %get3A_1183, %get3A_1184] {strides = array<i32>} : memref<2x16x50x32xf32, #tpu.memory_space<vmem>>, vector<16xf32>,
        tpu.vector_store_idx %arg7[%broadcast_in_dim3A_1178, %select_n3A, %rem3A_28, %broadcast_in_dim3A_1177], %get3A_1185 : memref<50x4x8x17xf32, #tpu.memory_space<vmem>>[vector<16xi32>, vector<16xi32>, vector<16xi32>, vector<16xi32>], vector<16xf32>,
        %get3A_1186 = arith.constant 0 : i32
        %get3A_1187 = arith.constant 4 : i32
        %get3A_1188 = arith.index_cast %get3A_1186 : i32 to index
        %get3A_1189 = arith.index_cast %get3A_1187 : i32 to index
        %get3A_1190 = arith.index_cast %scan3A_1109 : i32 to index
        %get3A_1191 = arith.constant 16 : index
        %get3A_1192 = tpu.vector_load %arg6[%get3A_1188, %get3A_1189, %get3A_1190, %get3A_1191] {strides = array<i32>} : memref<2x16x50x32xf32, #tpu.memory_space<vmem>>, vector<16xf32>,
        tpu.vector_store_idx %arg7[%broadcast_in_dim3A_1178, %add3A_31, %rem3A_28, %broadcast_in_dim3A_1177], %get3A_1192 : memref<50x4x8x17xf32, #tpu.memory_space<vmem>>[vector<16xi32>, vector<16xi32>, vector<16xi32>, vector<16xi32>], vector<16xf32>,
        %broadcast_in_dim3A_1193 = arith.constant 5 : i32
        %broadcast_in_dim3A_1194 = vector.broadcast %broadcast_in_dim3A_1193 : i32 to vector<16xi32>
        %broadcast_in_dim3A_1195 = vector.broadcast %scan3A_1109 : i32 to vector<16xi32>
        %get3A_1196 = arith.constant 0 : i32
        %get3A_1197 = arith.constant 5 : i32
        %get3A_1198 = arith.index_cast %get3A_1196 : i32 to index
        %get3A_1199 = arith.index_cast %get3A_1197 : i32 to index
        %get3A_1200 = arith.index_cast %scan3A_1109 : i32 to index
        %get3A_1201 = arith.constant 0 : index
        %get3A_1202 = tpu.vector_load %arg6[%get3A_1198, %get3A_1199, %get3A_1200, %get3A_1201] {strides = array<i32>} : memref<2x16x50x32xf32, #tpu.memory_space<vmem>>, vector<16xf32>,
        tpu.vector_store_idx %arg7[%broadcast_in_dim3A_1195, %select_n3A, %rem3A_28, %broadcast_in_dim3A_1194], %get3A_1202 : memref<50x4x8x17xf32, #tpu.memory_space<vmem>>[vector<16xi32>, vector<16xi32>, vector<16xi32>, vector<16xi32>], vector<16xf32>,
        %get3A_1203 = arith.constant 0 : i32
        %get3A_1204 = arith.constant 5 : i32
        %get3A_1205 = arith.index_cast %get3A_1203 : i32 to index
        %get3A_1206 = arith.index_cast %get3A_1204 : i32 to index
        %get3A_1207 = arith.index_cast %scan3A_1109 : i32 to index
        %get3A_1208 = arith.constant 16 : index
        %get3A_1209 = tpu.vector_load %arg6[%get3A_1205, %get3A_1206, %get3A_1207, %get3A_1208] {strides = array<i32>} : memref<2x16x50x32xf32, #tpu.memory_space<vmem>>, vector<16xf32>,
        tpu.vector_store_idx %arg7[%broadcast_in_dim3A_1195, %add3A_31, %rem3A_28, %broadcast_in_dim3A_1194], %get3A_1209 : memref<50x4x8x17xf32, #tpu.memory_space<vmem>>[vector<16xi32>, vector<16xi32>, vector<16xi32>, vector<16xi32>], vector<16xf32>,
        %broadcast_in_dim3A_1210 = arith.constant 6 : i32
        %broadcast_in_dim3A_1211 = vector.broadcast %broadcast_in_dim3A_1210 : i32 to vector<16xi32>
        %broadcast_in_dim3A_1212 = vector.broadcast %scan3A_1109 : i32 to vector<16xi32>
        %get3A_1213 = arith.constant 0 : i32
        %get3A_1214 = arith.constant 6 : i32
        %get3A_1215 = arith.index_cast %get3A_1213 : i32 to index
        %get3A_1216 = arith.index_cast %get3A_1214 : i32 to index
        %get3A_1217 = arith.index_cast %scan3A_1109 : i32 to index
        %get3A_1218 = arith.constant 0 : index
        %get3A_1219 = tpu.vector_load %arg6[%get3A_1215, %get3A_1216, %get3A_1217, %get3A_1218] {strides = array<i32>} : memref<2x16x50x32xf32, #tpu.memory_space<vmem>>, vector<16xf32>,
        tpu.vector_store_idx %arg7[%broadcast_in_dim3A_1212, %select_n3A, %rem3A_28, %broadcast_in_dim3A_1211], %get3A_1219 : memref<50x4x8x17xf32, #tpu.memory_space<vmem>>[vector<16xi32>, vector<16xi32>, vector<16xi32>, vector<16xi32>], vector<16xf32>,
        %get3A_1220 = arith.constant 0 : i32
        %get3A_1221 = arith.constant 6 : i32
        %get3A_1222 = arith.index_cast %get3A_1220 : i32 to index
        %get3A_1223 = arith.index_cast %get3A_1221 : i32 to index
        %get3A_1224 = arith.index_cast %scan3A_1109 : i32 to index
        %get3A_1225 = arith.constant 16 : index
        %get3A_1226 = tpu.vector_load %arg6[%get3A_1222, %get3A_1223, %get3A_1224, %get3A_1225] {strides = array<i32>} : memref<2x16x50x32xf32, #tpu.memory_space<vmem>>, vector<16xf32>,
        tpu.vector_store_idx %arg7[%broadcast_in_dim3A_1212, %add3A_31, %rem3A_28, %broadcast_in_dim3A_1211], %get3A_1226 : memref<50x4x8x17xf32, #tpu.memory_space<vmem>>[vector<16xi32>, vector<16xi32>, vector<16xi32>, vector<16xi32>], vector<16xf32>,
        %broadcast_in_dim3A_1227 = arith.constant 7 : i32
        %broadcast_in_dim3A_1228 = vector.broadcast %broadcast_in_dim3A_1227 : i32 to vector<16xi32>
        %broadcast_in_dim3A_1229 = vector.broadcast %scan3A_1109 : i32 to vector<16xi32>
        %get3A_1230 = arith.constant 0 : i32
        %get3A_1231 = arith.constant 7 : i32
        %get3A_1232 = arith.index_cast %get3A_1230 : i32 to index
        %get3A_1233 = arith.index_cast %get3A_1231 : i32 to index
        %get3A_1234 = arith.index_cast %scan3A_1109 : i32 to index
        %get3A_1235 = arith.constant 0 : index
        %get3A_1236 = tpu.vector_load %arg6[%get3A_1232, %get3A_1233, %get3A_1234, %get3A_1235] {strides = array<i32>} : memref<2x16x50x32xf32, #tpu.memory_space<vmem>>, vector<16xf32>,
        tpu.vector_store_idx %arg7[%broadcast_in_dim3A_1229, %select_n3A, %rem3A_28, %broadcast_in_dim3A_1228], %get3A_1236 : memref<50x4x8x17xf32, #tpu.memory_space<vmem>>[vector<16xi32>, vector<16xi32>, vector<16xi32>, vector<16xi32>], vector<16xf32>,
        %get3A_1237 = arith.constant 0 : i32
        %get3A_1238 = arith.constant 7 : i32
        %get3A_1239 = arith.index_cast %get3A_1237 : i32 to index
        %get3A_1240 = arith.index_cast %get3A_1238 : i32 to index
        %get3A_1241 = arith.index_cast %scan3A_1109 : i32 to index
        %get3A_1242 = arith.constant 16 : index
        %get3A_1243 = tpu.vector_load %arg6[%get3A_1239, %get3A_1240, %get3A_1241, %get3A_1242] {strides = array<i32>} : memref<2x16x50x32xf32, #tpu.memory_space<vmem>>, vector<16xf32>,
        tpu.vector_store_idx %arg7[%broadcast_in_dim3A_1229, %add3A_31, %rem3A_28, %broadcast_in_dim3A_1228], %get3A_1243 : memref<50x4x8x17xf32, #tpu.memory_space<vmem>>[vector<16xi32>, vector<16xi32>, vector<16xi32>, vector<16xi32>], vector<16xf32>,
        %broadcast_in_dim3A_1244 = arith.constant 8 : i32
        %broadcast_in_dim3A_1245 = vector.broadcast %broadcast_in_dim3A_1244 : i32 to vector<16xi32>
        %broadcast_in_dim3A_1246 = vector.broadcast %scan3A_1109 : i32 to vector<16xi32>
        %get3A_1247 = arith.constant 0 : i32
        %get3A_1248 = arith.constant 8 : i32
        %get3A_1249 = arith.index_cast %get3A_1247 : i32 to index
        %get3A_1250 = arith.index_cast %get3A_1248 : i32 to index
        %get3A_1251 = arith.index_cast %scan3A_1109 : i32 to index
        %get3A_1252 = arith.constant 0 : index
        %get3A_1253 = tpu.vector_load %arg6[%get3A_1249, %get3A_1250, %get3A_1251, %get3A_1252] {strides = array<i32>} : memref<2x16x50x32xf32, #tpu.memory_space<vmem>>, vector<16xf32>,
        tpu.vector_store_idx %arg7[%broadcast_in_dim3A_1246, %select_n3A, %rem3A_28, %broadcast_in_dim3A_1245], %get3A_1253 : memref<50x4x8x17xf32, #tpu.memory_space<vmem>>[vector<16xi32>, vector<16xi32>, vector<16xi32>, vector<16xi32>], vector<16xf32>,
        %get3A_1254 = arith.constant 0 : i32
        %get3A_1255 = arith.constant 8 : i32
        %get3A_1256 = arith.index_cast %get3A_1254 : i32 to index
        %get3A_1257 = arith.index_cast %get3A_1255 : i32 to index
        %get3A_1258 = arith.index_cast %scan3A_1109 : i32 to index
        %get3A_1259 = arith.constant 16 : index
        %get3A_1260 = tpu.vector_load %arg6[%get3A_1256, %get3A_1257, %get3A_1258, %get3A_1259] {strides = array<i32>} : memref<2x16x50x32xf32, #tpu.memory_space<vmem>>, vector<16xf32>,
        tpu.vector_store_idx %arg7[%broadcast_in_dim3A_1246, %add3A_31, %rem3A_28, %broadcast_in_dim3A_1245], %get3A_1260 : memref<50x4x8x17xf32, #tpu.memory_space<vmem>>[vector<16xi32>, vector<16xi32>, vector<16xi32>, vector<16xi32>], vector<16xf32>,
        %broadcast_in_dim3A_1261 = arith.constant 9 : i32
        %broadcast_in_dim3A_1262 = vector.broadcast %broadcast_in_dim3A_1261 : i32 to vector<16xi32>
        %broadcast_in_dim3A_1263 = vector.broadcast %scan3A_1109 : i32 to vector<16xi32>
        %get3A_1264 = arith.constant 0 : i32
        %get3A_1265 = arith.constant 9 : i32
        %get3A_1266 = arith.index_cast %get3A_1264 : i32 to index
        %get3A_1267 = arith.index_cast %get3A_1265 : i32 to index
        %get3A_1268 = arith.index_cast %scan3A_1109 : i32 to index
        %get3A_1269 = arith.constant 0 : index
        %get3A_1270 = tpu.vector_load %arg6[%get3A_1266, %get3A_1267, %get3A_1268, %get3A_1269] {strides = array<i32>} : memref<2x16x50x32xf32, #tpu.memory_space<vmem>>, vector<16xf32>,
        tpu.vector_store_idx %arg7[%broadcast_in_dim3A_1263, %select_n3A, %rem3A_28, %broadcast_in_dim3A_1262], %get3A_1270 : memref<50x4x8x17xf32, #tpu.memory_space<vmem>>[vector<16xi32>, vector<16xi32>, vector<16xi32>, vector<16xi32>], vector<16xf32>,
        %get3A_1271 = arith.constant 0 : i32
        %get3A_1272 = arith.constant 9 : i32
        %get3A_1273 = arith.index_cast %get3A_1271 : i32 to index
        %get3A_1274 = arith.index_cast %get3A_1272 : i32 to index
        %get3A_1275 = arith.index_cast %scan3A_1109 : i32 to index
        %get3A_1276 = arith.constant 16 : index
        %get3A_1277 = tpu.vector_load %arg6[%get3A_1273, %get3A_1274, %get3A_1275, %get3A_1276] {strides = array<i32>} : memref<2x16x50x32xf32, #tpu.memory_space<vmem>>, vector<16xf32>,
        tpu.vector_store_idx %arg7[%broadcast_in_dim3A_1263, %add3A_31, %rem3A_28, %broadcast_in_dim3A_1262], %get3A_1277 : memref<50x4x8x17xf32, #tpu.memory_space<vmem>>[vector<16xi32>, vector<16xi32>, vector<16xi32>, vector<16xi32>], vector<16xf32>,
        %broadcast_in_dim3A_1278 = arith.constant 10 : i32
        %broadcast_in_dim3A_1279 = vector.broadcast %broadcast_in_dim3A_1278 : i32 to vector<16xi32>
        %broadcast_in_dim3A_1280 = vector.broadcast %scan3A_1109 : i32 to vector<16xi32>
        %get3A_1281 = arith.constant 0 : i32
        %get3A_1282 = arith.constant 10 : i32
        %get3A_1283 = arith.index_cast %get3A_1281 : i32 to index
        %get3A_1284 = arith.index_cast %get3A_1282 : i32 to index
        %get3A_1285 = arith.index_cast %scan3A_1109 : i32 to index
        %get3A_1286 = arith.constant 0 : index
        %get3A_1287 = tpu.vector_load %arg6[%get3A_1283, %get3A_1284, %get3A_1285, %get3A_1286] {strides = array<i32>} : memref<2x16x50x32xf32, #tpu.memory_space<vmem>>, vector<16xf32>,
        tpu.vector_store_idx %arg7[%broadcast_in_dim3A_1280, %select_n3A, %rem3A_28, %broadcast_in_dim3A_1279], %get3A_1287 : memref<50x4x8x17xf32, #tpu.memory_space<vmem>>[vector<16xi32>, vector<16xi32>, vector<16xi32>, vector<16xi32>], vector<16xf32>,
        %get3A_1288 = arith.constant 0 : i32
        %get3A_1289 = arith.constant 10 : i32
        %get3A_1290 = arith.index_cast %get3A_1288 : i32 to index
        %get3A_1291 = arith.index_cast %get3A_1289 : i32 to index
        %get3A_1292 = arith.index_cast %scan3A_1109 : i32 to index
        %get3A_1293 = arith.constant 16 : index
        %get3A_1294 = tpu.vector_load %arg6[%get3A_1290, %get3A_1291, %get3A_1292, %get3A_1293] {strides = array<i32>} : memref<2x16x50x32xf32, #tpu.memory_space<vmem>>, vector<16xf32>,
        tpu.vector_store_idx %arg7[%broadcast_in_dim3A_1280, %add3A_31, %rem3A_28, %broadcast_in_dim3A_1279], %get3A_1294 : memref<50x4x8x17xf32, #tpu.memory_space<vmem>>[vector<16xi32>, vector<16xi32>, vector<16xi32>, vector<16xi32>], vector<16xf32>,
        %broadcast_in_dim3A_1295 = arith.constant 11 : i32
        %broadcast_in_dim3A_1296 = vector.broadcast %broadcast_in_dim3A_1295 : i32 to vector<16xi32>
        %broadcast_in_dim3A_1297 = vector.broadcast %scan3A_1109 : i32 to vector<16xi32>
        %get3A_1298 = arith.constant 0 : i32
        %get3A_1299 = arith.constant 11 : i32
        %get3A_1300 = arith.index_cast %get3A_1298 : i32 to index
        %get3A_1301 = arith.index_cast %get3A_1299 : i32 to index
        %get3A_1302 = arith.index_cast %scan3A_1109 : i32 to index
        %get3A_1303 = arith.constant 0 : index
        %get3A_1304 = tpu.vector_load %arg6[%get3A_1300, %get3A_1301, %get3A_1302, %get3A_1303] {strides = array<i32>} : memref<2x16x50x32xf32, #tpu.memory_space<vmem>>, vector<16xf32>,
        tpu.vector_store_idx %arg7[%broadcast_in_dim3A_1297, %select_n3A, %rem3A_28, %broadcast_in_dim3A_1296], %get3A_1304 : memref<50x4x8x17xf32, #tpu.memory_space<vmem>>[vector<16xi32>, vector<16xi32>, vector<16xi32>, vector<16xi32>], vector<16xf32>,
        %get3A_1305 = arith.constant 0 : i32
        %get3A_1306 = arith.constant 11 : i32
        %get3A_1307 = arith.index_cast %get3A_1305 : i32 to index
        %get3A_1308 = arith.index_cast %get3A_1306 : i32 to index
        %get3A_1309 = arith.index_cast %scan3A_1109 : i32 to index
        %get3A_1310 = arith.constant 16 : index
        %get3A_1311 = tpu.vector_load %arg6[%get3A_1307, %get3A_1308, %get3A_1309, %get3A_1310] {strides = array<i32>} : memref<2x16x50x32xf32, #tpu.memory_space<vmem>>, vector<16xf32>,
        tpu.vector_store_idx %arg7[%broadcast_in_dim3A_1297, %add3A_31, %rem3A_28, %broadcast_in_dim3A_1296], %get3A_1311 : memref<50x4x8x17xf32, #tpu.memory_space<vmem>>[vector<16xi32>, vector<16xi32>, vector<16xi32>, vector<16xi32>], vector<16xf32>,
        %broadcast_in_dim3A_1312 = arith.constant 12 : i32
        %broadcast_in_dim3A_1313 = vector.broadcast %broadcast_in_dim3A_1312 : i32 to vector<16xi32>
        %broadcast_in_dim3A_1314 = vector.broadcast %scan3A_1109 : i32 to vector<16xi32>
        %get3A_1315 = arith.constant 0 : i32
        %get3A_1316 = arith.constant 12 : i32
        %get3A_1317 = arith.index_cast %get3A_1315 : i32 to index
        %get3A_1318 = arith.index_cast %get3A_1316 : i32 to index
        %get3A_1319 = arith.index_cast %scan3A_1109 : i32 to index
        %get3A_1320 = arith.constant 0 : index
        %get3A_1321 = tpu.vector_load %arg6[%get3A_1317, %get3A_1318, %get3A_1319, %get3A_1320] {strides = array<i32>} : memref<2x16x50x32xf32, #tpu.memory_space<vmem>>, vector<16xf32>,
        tpu.vector_store_idx %arg7[%broadcast_in_dim3A_1314, %select_n3A, %rem3A_28, %broadcast_in_dim3A_1313], %get3A_1321 : memref<50x4x8x17xf32, #tpu.memory_space<vmem>>[vector<16xi32>, vector<16xi32>, vector<16xi32>, vector<16xi32>], vector<16xf32>,
        %get3A_1322 = arith.constant 0 : i32
        %get3A_1323 = arith.constant 12 : i32
        %get3A_1324 = arith.index_cast %get3A_1322 : i32 to index
        %get3A_1325 = arith.index_cast %get3A_1323 : i32 to index
        %get3A_1326 = arith.index_cast %scan3A_1109 : i32 to index
        %get3A_1327 = arith.constant 16 : index
        %get3A_1328 = tpu.vector_load %arg6[%get3A_1324, %get3A_1325, %get3A_1326, %get3A_1327] {strides = array<i32>} : memref<2x16x50x32xf32, #tpu.memory_space<vmem>>, vector<16xf32>,
        tpu.vector_store_idx %arg7[%broadcast_in_dim3A_1314, %add3A_31, %rem3A_28, %broadcast_in_dim3A_1313], %get3A_1328 : memref<50x4x8x17xf32, #tpu.memory_space<vmem>>[vector<16xi32>, vector<16xi32>, vector<16xi32>, vector<16xi32>], vector<16xf32>,
        %broadcast_in_dim3A_1329 = arith.constant 13 : i32
        %broadcast_in_dim3A_1330 = vector.broadcast %broadcast_in_dim3A_1329 : i32 to vector<16xi32>
        %broadcast_in_dim3A_1331 = vector.broadcast %scan3A_1109 : i32 to vector<16xi32>
        %get3A_1332 = arith.constant 0 : i32
        %get3A_1333 = arith.constant 13 : i32
        %get3A_1334 = arith.index_cast %get3A_1332 : i32 to index
        %get3A_1335 = arith.index_cast %get3A_1333 : i32 to index
        %get3A_1336 = arith.index_cast %scan3A_1109 : i32 to index
        %get3A_1337 = arith.constant 0 : index
        %get3A_1338 = tpu.vector_load %arg6[%get3A_1334, %get3A_1335, %get3A_1336, %get3A_1337] {strides = array<i32>} : memref<2x16x50x32xf32, #tpu.memory_space<vmem>>, vector<16xf32>,
        tpu.vector_store_idx %arg7[%broadcast_in_dim3A_1331, %select_n3A, %rem3A_28, %broadcast_in_dim3A_1330], %get3A_1338 : memref<50x4x8x17xf32, #tpu.memory_space<vmem>>[vector<16xi32>, vector<16xi32>, vector<16xi32>, vector<16xi32>], vector<16xf32>,
        %get3A_1339 = arith.constant 0 : i32
        %get3A_1340 = arith.constant 13 : i32
        %get3A_1341 = arith.index_cast %get3A_1339 : i32 to index
        %get3A_1342 = arith.index_cast %get3A_1340 : i32 to index
        %get3A_1343 = arith.index_cast %scan3A_1109 : i32 to index
        %get3A_1344 = arith.constant 16 : index
        %get3A_1345 = tpu.vector_load %arg6[%get3A_1341, %get3A_1342, %get3A_1343, %get3A_1344] {strides = array<i32>} : memref<2x16x50x32xf32, #tpu.memory_space<vmem>>, vector<16xf32>,
        tpu.vector_store_idx %arg7[%broadcast_in_dim3A_1331, %add3A_31, %rem3A_28, %broadcast_in_dim3A_1330], %get3A_1345 : memref<50x4x8x17xf32, #tpu.memory_space<vmem>>[vector<16xi32>, vector<16xi32>, vector<16xi32>, vector<16xi32>], vector<16xf32>,
        %broadcast_in_dim3A_1346 = arith.constant 14 : i32
        %broadcast_in_dim3A_1347 = vector.broadcast %broadcast_in_dim3A_1346 : i32 to vector<16xi32>
        %broadcast_in_dim3A_1348 = vector.broadcast %scan3A_1109 : i32 to vector<16xi32>
        %get3A_1349 = arith.constant 0 : i32
        %get3A_1350 = arith.constant 14 : i32
        %get3A_1351 = arith.index_cast %get3A_1349 : i32 to index
        %get3A_1352 = arith.index_cast %get3A_1350 : i32 to index
        %get3A_1353 = arith.index_cast %scan3A_1109 : i32 to index
        %get3A_1354 = arith.constant 0 : index
        %get3A_1355 = tpu.vector_load %arg6[%get3A_1351, %get3A_1352, %get3A_1353, %get3A_1354] {strides = array<i32>} : memref<2x16x50x32xf32, #tpu.memory_space<vmem>>, vector<16xf32>,
        tpu.vector_store_idx %arg7[%broadcast_in_dim3A_1348, %select_n3A, %rem3A_28, %broadcast_in_dim3A_1347], %get3A_1355 : memref<50x4x8x17xf32, #tpu.memory_space<vmem>>[vector<16xi32>, vector<16xi32>, vector<16xi32>, vector<16xi32>], vector<16xf32>,
        %get3A_1356 = arith.constant 0 : i32
        %get3A_1357 = arith.constant 14 : i32
        %get3A_1358 = arith.index_cast %get3A_1356 : i32 to index
        %get3A_1359 = arith.index_cast %get3A_1357 : i32 to index
        %get3A_1360 = arith.index_cast %scan3A_1109 : i32 to index
        %get3A_1361 = arith.constant 16 : index
        %get3A_1362 = tpu.vector_load %arg6[%get3A_1358, %get3A_1359, %get3A_1360, %get3A_1361] {strides = array<i32>} : memref<2x16x50x32xf32, #tpu.memory_space<vmem>>, vector<16xf32>,
        tpu.vector_store_idx %arg7[%broadcast_in_dim3A_1348, %add3A_31, %rem3A_28, %broadcast_in_dim3A_1347], %get3A_1362 : memref<50x4x8x17xf32, #tpu.memory_space<vmem>>[vector<16xi32>, vector<16xi32>, vector<16xi32>, vector<16xi32>], vector<16xf32>,
        %broadcast_in_dim3A_1363 = arith.constant 15 : i32
        %broadcast_in_dim3A_1364 = vector.broadcast %broadcast_in_dim3A_1363 : i32 to vector<16xi32>
        %broadcast_in_dim3A_1365 = vector.broadcast %scan3A_1109 : i32 to vector<16xi32>
        %get3A_1366 = arith.constant 0 : i32
        %get3A_1367 = arith.constant 15 : i32
        %get3A_1368 = arith.index_cast %get3A_1366 : i32 to index
        %get3A_1369 = arith.index_cast %get3A_1367 : i32 to index
        %get3A_1370 = arith.index_cast %scan3A_1109 : i32 to index
        %get3A_1371 = arith.constant 0 : index
        %get3A_1372 = tpu.vector_load %arg6[%get3A_1368, %get3A_1369, %get3A_1370, %get3A_1371] {strides = array<i32>} : memref<2x16x50x32xf32, #tpu.memory_space<vmem>>, vector<16xf32>,
        tpu.vector_store_idx %arg7[%broadcast_in_dim3A_1365, %select_n3A, %rem3A_28, %broadcast_in_dim3A_1364], %get3A_1372 : memref<50x4x8x17xf32, #tpu.memory_space<vmem>>[vector<16xi32>, vector<16xi32>, vector<16xi32>, vector<16xi32>], vector<16xf32>,
        %get3A_1373 = arith.constant 0 : i32
        %get3A_1374 = arith.constant 15 : i32
        %get3A_1375 = arith.index_cast %get3A_1373 : i32 to index
        %get3A_1376 = arith.index_cast %get3A_1374 : i32 to index
        %get3A_1377 = arith.index_cast %scan3A_1109 : i32 to index
        %get3A_1378 = arith.constant 16 : index
        %get3A_1379 = tpu.vector_load %arg6[%get3A_1375, %get3A_1376, %get3A_1377, %get3A_1378] {strides = array<i32>} : memref<2x16x50x32xf32, #tpu.memory_space<vmem>>, vector<16xf32>,
        tpu.vector_store_idx %arg7[%broadcast_in_dim3A_1365, %add3A_31, %rem3A_28, %broadcast_in_dim3A_1364], %get3A_1379 : memref<50x4x8x17xf32, #tpu.memory_space<vmem>>[vector<16xi32>, vector<16xi32>, vector<16xi32>, vector<16xi32>], vector<16xf32>,
      }
      %scan3A_742 = arith.constant 50 : i32
      %mul3A_743 = arith.constant 16 : i32
      %mul3A_744 = arith.muli %mul3A_268, %mul3A_743 : i32
      %add3A_745 = arith.addi %mul3A_2, %mul3A_744 : i32
      %jit3A_746 = arith.constant 128 : i32
      %div3A_747 = arith.divsi %add3A_745, %jit3A_746 : i32
      %sign3A_748 = arith.constant 0 : i32
      %sign3A_749 = arith.cmpi sgt, %add3A_745, %sign3A_748 : i32
      %sign3A_750 = arith.extui %sign3A_749 : i1 to i32
      %sign3A_751 = arith.constant 0 : i32
      %sign3A_752 = arith.cmpi slt, %add3A_745, %sign3A_751 : i32
      %sign3A_753 = arith.extui %sign3A_752 : i1 to i32
      %sign3A_754 = arith.subi %sign3A_750, %sign3A_753 : i32
      %sign3A_755 = arith.constant 0 : i32
      %sign3A_756 = arith.cmpi sgt, %jit3A_746, %sign3A_755 : i32
      %sign3A_757 = arith.extui %sign3A_756 : i1 to i32
      %sign3A_758 = arith.constant 0 : i32
      %sign3A_759 = arith.cmpi slt, %jit3A_746, %sign3A_758 : i32
      %sign3A_760 = arith.extui %sign3A_759 : i1 to i32
      %sign3A_761 = arith.subi %sign3A_757, %sign3A_760 : i32
      %ne3A_762 = arith.cmpi ne, %sign3A_754, %sign3A_761 : i32
      %rem3A_763 = arith.remsi %add3A_745, %jit3A_746 : i32
      %ne3A_764 = arith.constant 0 : i32
      %ne3A_765 = arith.cmpi ne, %rem3A_763, %ne3A_764 : i32
      %and3A_766 = arith.andi %ne3A_762, %ne3A_765 : i1
      %sub3A_767 = arith.constant 1 : i32
      %sub3A_768 = arith.subi %div3A_747, %sub3A_767 : i32
      %select_n3A_769 = arith.select %and3A_766, %sub3A_768, %div3A_747 : i32
      %jit3A_770 = arith.constant 128 : i32
      %eq3A = arith.constant 0 : i32
      %eq3A_771 = arith.cmpi eq, %jit3A_770, %eq3A : i32
      %jit3A_772 = arith.constant 1 : i32
      %select_n3A_773 = arith.select %eq3A_771, %jit3A_772, %jit3A_770 : i32
      %rem3A_774 = arith.remsi %add3A_745, %select_n3A_773 : i32
      %ne3A_775 = arith.constant 0 : i32
      %ne3A_776 = arith.cmpi ne, %rem3A_774, %ne3A_775 : i32
      %lt3A = arith.constant 0 : i32
      %lt3A_777 = arith.cmpi slt, %rem3A_774, %lt3A : i32
      %lt3A_778 = arith.constant 0 : i32
      %lt3A_779 = arith.cmpi slt, %select_n3A_773, %lt3A_778 : i32
      %ne3A_780 = arith.xori %lt3A_777, %lt3A_779 : i1
      %and3A_781 = arith.andi %ne3A_780, %ne3A_776 : i1
      %add3A_782 = arith.addi %rem3A_774, %select_n3A_773 : i32
      %select_n3A_783 = arith.select %and3A_781, %add3A_782, %rem3A_774 : i32
      %dma_start3A_784 = arith.constant 0 : i32
      %dma_start3A_785 = arith.constant 0 : i32
      %dma_start3A_786 = arith.constant 0 : i32
      %dma_start3A_787 = arith.constant 0 : i32
      %dma_start3A_788 = tpu.memref_slice %arg7[%dma_start3A_784, %dma_start3A_785, %dma_start3A_786, %dma_start3A_787] : memref<50x4x8x17xf32, #tpu.memory_space<vmem>> -> memref<50x4x8x16xf32, #tpu.memory_space<vmem>>
      %dma_start3A_789 = arith.constant 0 : i32
      %dma_start3A_790 = arith.constant 0 : i32
      %dma_start3A_791 = arith.constant 0 : i32
      %dma_start3A_792 = tpu.memref_slice %arg4[%dma_start3A_789, %dma_start3A_790, %select_n3A_769, %dma_start3A_791, %select_n3A_783] : memref<50x4x128x8x128xf32, #tpu.memory_space<hbm>> -> memref<50x4x1x8x16xf32, #tpu.memory_space<hbm>>
      %dma_start3A_793 = tpu.memref_squeeze %dma_start3A_792 : memref<50x4x1x8x16xf32, #tpu.memory_space<hbm>> -> memref<50x4x8x16xf32, #tpu.memory_space<hbm>>
      %dma_start3A_794 = arith.constant 0 : i32
      %dma_start3A_795 = arith.constant 0 : i32
      %dma_start3A_796 = arith.constant 0 : i32
      %dma_start3A_797 = tpu.memref_slice %arg4[%dma_start3A_794, %dma_start3A_795, %select_n3A_769, %dma_start3A_796, %select_n3A_783] : memref<50x4x128x8x128xf32, #tpu.memory_space<hbm>> -> memref<50x4x1x8x16xf32, #tpu.memory_space<hbm>>
      %dma_start3A_798 = tpu.memref_squeeze %dma_start3A_797 : memref<50x4x1x8x16xf32, #tpu.memory_space<hbm>> -> memref<50x4x8x16xf32, #tpu.memory_space<hbm>>
      %dma_start3A_799 = arith.constant 0 : i32
      %dma_start3A_800 = arith.constant 0 : i32
      %dma_start3A_801 = arith.constant 0 : i32
      %dma_start3A_802 = arith.constant 0 : i32
      %dma_start3A_803 = tpu.memref_slice %arg7[%dma_start3A_799, %dma_start3A_800, %dma_start3A_801, %dma_start3A_802] : memref<50x4x8x17xf32, #tpu.memory_space<vmem>> -> memref<50x4x8x16xf32, #tpu.memory_space<vmem>>
      tpu.enqueue_dma source(%dma_start3A_803 : memref<50x4x8x16xf32, #tpu.memory_space<vmem>>) target(%dma_start3A_798 : memref<50x4x8x16xf32, #tpu.memory_space<hbm>>) target_semaphore(%arg10 : memref<!tpu.dma_semaphore, #tpu.memory_space<semaphore_mem>>)
      %lt3A_804 = arith.constant 15 : i32
      %lt3A_805 = arith.cmpi slt, %scan3A_266, %lt3A_804 : i32
      %convert_element_type3A_806 = arith.extui %lt3A_805 : i1 to i32
      %cond3A_807 = arith.constant 0 : i32
      %cond3A_808 = arith.cmpi ne, %convert_element_type3A_806, %cond3A_807 : i32
      scf.if %cond3A_808 {
        %add3A_1109 = arith.constant 2 : i32
        %add3A_1110 = arith.addi %mul3A_268, %add3A_1109 : i32
        %mul3A_1111 = arith.constant 16 : i32
        %mul3A_1112 = arith.muli %add3A_1110, %mul3A_1111 : i32
        %add3A_1113 = arith.constant 0 : i32
        %add3A_1114 = arith.addi %mul3A_1112, %add3A_1113 : i32
        %dma_start3A_1115 = arith.constant 0 : i32
        %dma_start3A_1116 = arith.constant 0 : i32
        %dma_start3A_1117 = arith.constant 0 : i32
        %dma_start3A_1118 = arith.constant 0 : i32
        %dma_start3A_1119 = tpu.memref_slice %arg6[%dma_start3A_1115, %dma_start3A_1116, %dma_start3A_1117, %dma_start3A_1118] : memref<2x16x50x32xf32, #tpu.memory_space<vmem>> -> memref<1x1x50x32xf32, #tpu.memory_space<vmem>>
        %dma_start3A_1120 = tpu.memref_squeeze %dma_start3A_1119 : memref<1x1x50x32xf32, #tpu.memory_space<vmem>> -> memref<50x32xf32, #tpu.memory_space<vmem>>
        %dma_start3A_1121 = arith.constant 0 : i32
        %dma_start3A_1122 = tpu.memref_slice %arg5[%add3A_1114, %dma_start3A_1121] : memref<512x50xi32, #tpu.memory_space<vmem>> -> memref<1x50xi32, #tpu.memory_space<vmem>>
        %dma_start3A_1123 = tpu.memref_squeeze %dma_start3A_1122 : memref<1x50xi32, #tpu.memory_space<vmem>> -> memref<50xi32, #tpu.memory_space<vmem>>
        %dma_start3A_1124 = arith.constant 0 : i32
        %dma_start3A_1125 = arith.constant 0 : i32
        %dma_start3A_1126 = tpu.memref_slice %arg3[%dma_start3A_1124, %dma_start3A_1125] : memref<1000000x32xf32, #tpu.memory_space<hbm>> -> memref<1000000x32xf32, #tpu.memory_space<hbm>>
        tpu.enqueue_indirect_dma source(%dma_start3A_1126 : memref<1000000x32xf32, #tpu.memory_space<hbm>>) target(%dma_start3A_1120 : memref<50x32xf32, #tpu.memory_space<vmem>>) offsets(%dma_start3A_1123 : memref<50xi32, #tpu.memory_space<vmem>>) semaphore(%arg8 : memref<!tpu.dma_semaphore, #tpu.memory_space<semaphore_mem>>)
        %mul3A_1127 = arith.constant 16 : i32
        %mul3A_1128 = arith.muli %add3A_1110, %mul3A_1127 : i32
        %add3A_1129 = arith.constant 1 : i32
        %add3A_1130 = arith.addi %mul3A_1128, %add3A_1129 : i32
        %dma_start3A_1131 = arith.constant 0 : i32
        %dma_start3A_1132 = arith.constant 1 : i32
        %dma_start3A_1133 = arith.constant 0 : i32
        %dma_start3A_1134 = arith.constant 0 : i32
        %dma_start3A_1135 = tpu.memref_slice %arg6[%dma_start3A_1131, %dma_start3A_1132, %dma_start3A_1133, %dma_start3A_1134] : memref<2x16x50x32xf32, #tpu.memory_space<vmem>> -> memref<1x1x50x32xf32, #tpu.memory_space<vmem>>
        %dma_start3A_1136 = tpu.memref_squeeze %dma_start3A_1135 : memref<1x1x50x32xf32, #tpu.memory_space<vmem>> -> memref<50x32xf32, #tpu.memory_space<vmem>>
        %dma_start3A_1137 = arith.constant 0 : i32
        %dma_start3A_1138 = tpu.memref_slice %arg5[%add3A_1130, %dma_start3A_1137] : memref<512x50xi32, #tpu.memory_space<vmem>> -> memref<1x50xi32, #tpu.memory_space<vmem>>
        %dma_start3A_1139 = tpu.memref_squeeze %dma_start3A_1138 : memref<1x50xi32, #tpu.memory_space<vmem>> -> memref<50xi32, #tpu.memory_space<vmem>>
        %dma_start3A_1140 = arith.constant 0 : i32
        %dma_start3A_1141 = arith.constant 0 : i32
        %dma_start3A_1142 = tpu.memref_slice %arg3[%dma_start3A_1140, %dma_start3A_1141] : memref<1000000x32xf32, #tpu.memory_space<hbm>> -> memref<1000000x32xf32, #tpu.memory_space<hbm>>
        tpu.enqueue_indirect_dma source(%dma_start3A_1142 : memref<1000000x32xf32, #tpu.memory_space<hbm>>) target(%dma_start3A_1136 : memref<50x32xf32, #tpu.memory_space<vmem>>) offsets(%dma_start3A_1139 : memref<50xi32, #tpu.memory_space<vmem>>) semaphore(%arg8 : memref<!tpu.dma_semaphore, #tpu.memory_space<semaphore_mem>>)
        %mul3A_1143 = arith.constant 16 : i32
        %mul3A_1144 = arith.muli %add3A_1110, %mul3A_1143 : i32
        %add3A_1145 = arith.constant 2 : i32
        %add3A_1146 = arith.addi %mul3A_1144, %add3A_1145 : i32
        %dma_start3A_1147 = arith.constant 0 : i32
        %dma_start3A_1148 = arith.constant 2 : i32
        %dma_start3A_1149 = arith.constant 0 : i32
        %dma_start3A_1150 = arith.constant 0 : i32
        %dma_start3A_1151 = tpu.memref_slice %arg6[%dma_start3A_1147, %dma_start3A_1148, %dma_start3A_1149, %dma_start3A_1150] : memref<2x16x50x32xf32, #tpu.memory_space<vmem>> -> memref<1x1x50x32xf32, #tpu.memory_space<vmem>>
        %dma_start3A_1152 = tpu.memref_squeeze %dma_start3A_1151 : memref<1x1x50x32xf32, #tpu.memory_space<vmem>> -> memref<50x32xf32, #tpu.memory_space<vmem>>
        %dma_start3A_1153 = arith.constant 0 : i32
        %dma_start3A_1154 = tpu.memref_slice %arg5[%add3A_1146, %dma_start3A_1153] : memref<512x50xi32, #tpu.memory_space<vmem>> -> memref<1x50xi32, #tpu.memory_space<vmem>>
        %dma_start3A_1155 = tpu.memref_squeeze %dma_start3A_1154 : memref<1x50xi32, #tpu.memory_space<vmem>> -> memref<50xi32, #tpu.memory_space<vmem>>
        %dma_start3A_1156 = arith.constant 0 : i32
        %dma_start3A_1157 = arith.constant 0 : i32
        %dma_start3A_1158 = tpu.memref_slice %arg3[%dma_start3A_1156, %dma_start3A_1157] : memref<1000000x32xf32, #tpu.memory_space<hbm>> -> memref<1000000x32xf32, #tpu.memory_space<hbm>>
        tpu.enqueue_indirect_dma source(%dma_start3A_1158 : memref<1000000x32xf32, #tpu.memory_space<hbm>>) target(%dma_start3A_1152 : memref<50x32xf32, #tpu.memory_space<vmem>>) offsets(%dma_start3A_1155 : memref<50xi32, #tpu.memory_space<vmem>>) semaphore(%arg8 : memref<!tpu.dma_semaphore, #tpu.memory_space<semaphore_mem>>)
        %mul3A_1159 = arith.constant 16 : i32
        %mul3A_1160 = arith.muli %add3A_1110, %mul3A_1159 : i32
        %add3A_1161 = arith.constant 3 : i32
        %add3A_1162 = arith.addi %mul3A_1160, %add3A_1161 : i32
        %dma_start3A_1163 = arith.constant 0 : i32
        %dma_start3A_1164 = arith.constant 3 : i32
        %dma_start3A_1165 = arith.constant 0 : i32
        %dma_start3A_1166 = arith.constant 0 : i32
        %dma_start3A_1167 = tpu.memref_slice %arg6[%dma_start3A_1163, %dma_start3A_1164, %dma_start3A_1165, %dma_start3A_1166] : memref<2x16x50x32xf32, #tpu.memory_space<vmem>> -> memref<1x1x50x32xf32, #tpu.memory_space<vmem>>
        %dma_start3A_1168 = tpu.memref_squeeze %dma_start3A_1167 : memref<1x1x50x32xf32, #tpu.memory_space<vmem>> -> memref<50x32xf32, #tpu.memory_space<vmem>>
        %dma_start3A_1169 = arith.constant 0 : i32
        %dma_start3A_1170 = tpu.memref_slice %arg5[%add3A_1162, %dma_start3A_1169] : memref<512x50xi32, #tpu.memory_space<vmem>> -> memref<1x50xi32, #tpu.memory_space<vmem>>
        %dma_start3A_1171 = tpu.memref_squeeze %dma_start3A_1170 : memref<1x50xi32, #tpu.memory_space<vmem>> -> memref<50xi32, #tpu.memory_space<vmem>>
        %dma_start3A_1172 = arith.constant 0 : i32
        %dma_start3A_1173 = arith.constant 0 : i32
        %dma_start3A_1174 = tpu.memref_slice %arg3[%dma_start3A_1172, %dma_start3A_1173] : memref<1000000x32xf32, #tpu.memory_space<hbm>> -> memref<1000000x32xf32, #tpu.memory_space<hbm>>
        tpu.enqueue_indirect_dma source(%dma_start3A_1174 : memref<1000000x32xf32, #tpu.memory_space<hbm>>) target(%dma_start3A_1168 : memref<50x32xf32, #tpu.memory_space<vmem>>) offsets(%dma_start3A_1171 : memref<50xi32, #tpu.memory_space<vmem>>) semaphore(%arg8 : memref<!tpu.dma_semaphore, #tpu.memory_space<semaphore_mem>>)
        %mul3A_1175 = arith.constant 16 : i32
        %mul3A_1176 = arith.muli %add3A_1110, %mul3A_1175 : i32
        %add3A_1177 = arith.constant 4 : i32
        %add3A_1178 = arith.addi %mul3A_1176, %add3A_1177 : i32
        %dma_start3A_1179 = arith.constant 0 : i32
        %dma_start3A_1180 = arith.constant 4 : i32
        %dma_start3A_1181 = arith.constant 0 : i32
        %dma_start3A_1182 = arith.constant 0 : i32
        %dma_start3A_1183 = tpu.memref_slice %arg6[%dma_start3A_1179, %dma_start3A_1180, %dma_start3A_1181, %dma_start3A_1182] : memref<2x16x50x32xf32, #tpu.memory_space<vmem>> -> memref<1x1x50x32xf32, #tpu.memory_space<vmem>>
        %dma_start3A_1184 = tpu.memref_squeeze %dma_start3A_1183 : memref<1x1x50x32xf32, #tpu.memory_space<vmem>> -> memref<50x32xf32, #tpu.memory_space<vmem>>
        %dma_start3A_1185 = arith.constant 0 : i32
        %dma_start3A_1186 = tpu.memref_slice %arg5[%add3A_1178, %dma_start3A_1185] : memref<512x50xi32, #tpu.memory_space<vmem>> -> memref<1x50xi32, #tpu.memory_space<vmem>>
        %dma_start3A_1187 = tpu.memref_squeeze %dma_start3A_1186 : memref<1x50xi32, #tpu.memory_space<vmem>> -> memref<50xi32, #tpu.memory_space<vmem>>
        %dma_start3A_1188 = arith.constant 0 : i32
        %dma_start3A_1189 = arith.constant 0 : i32
        %dma_start3A_1190 = tpu.memref_slice %arg3[%dma_start3A_1188, %dma_start3A_1189] : memref<1000000x32xf32, #tpu.memory_space<hbm>> -> memref<1000000x32xf32, #tpu.memory_space<hbm>>
        tpu.enqueue_indirect_dma source(%dma_start3A_1190 : memref<1000000x32xf32, #tpu.memory_space<hbm>>) target(%dma_start3A_1184 : memref<50x32xf32, #tpu.memory_space<vmem>>) offsets(%dma_start3A_1187 : memref<50xi32, #tpu.memory_space<vmem>>) semaphore(%arg8 : memref<!tpu.dma_semaphore, #tpu.memory_space<semaphore_mem>>)
        %mul3A_1191 = arith.constant 16 : i32
        %mul3A_1192 = arith.muli %add3A_1110, %mul3A_1191 : i32
        %add3A_1193 = arith.constant 5 : i32
        %add3A_1194 = arith.addi %mul3A_1192, %add3A_1193 : i32
        %dma_start3A_1195 = arith.constant 0 : i32
        %dma_start3A_1196 = arith.constant 5 : i32
        %dma_start3A_1197 = arith.constant 0 : i32
        %dma_start3A_1198 = arith.constant 0 : i32
        %dma_start3A_1199 = tpu.memref_slice %arg6[%dma_start3A_1195, %dma_start3A_1196, %dma_start3A_1197, %dma_start3A_1198] : memref<2x16x50x32xf32, #tpu.memory_space<vmem>> -> memref<1x1x50x32xf32, #tpu.memory_space<vmem>>
        %dma_start3A_1200 = tpu.memref_squeeze %dma_start3A_1199 : memref<1x1x50x32xf32, #tpu.memory_space<vmem>> -> memref<50x32xf32, #tpu.memory_space<vmem>>
        %dma_start3A_1201 = arith.constant 0 : i32
        %dma_start3A_1202 = tpu.memref_slice %arg5[%add3A_1194, %dma_start3A_1201] : memref<512x50xi32, #tpu.memory_space<vmem>> -> memref<1x50xi32, #tpu.memory_space<vmem>>
        %dma_start3A_1203 = tpu.memref_squeeze %dma_start3A_1202 : memref<1x50xi32, #tpu.memory_space<vmem>> -> memref<50xi32, #tpu.memory_space<vmem>>
        %dma_start3A_1204 = arith.constant 0 : i32
        %dma_start3A_1205 = arith.constant 0 : i32
        %dma_start3A_1206 = tpu.memref_slice %arg3[%dma_start3A_1204, %dma_start3A_1205] : memref<1000000x32xf32, #tpu.memory_space<hbm>> -> memref<1000000x32xf32, #tpu.memory_space<hbm>>
        tpu.enqueue_indirect_dma source(%dma_start3A_1206 : memref<1000000x32xf32, #tpu.memory_space<hbm>>) target(%dma_start3A_1200 : memref<50x32xf32, #tpu.memory_space<vmem>>) offsets(%dma_start3A_1203 : memref<50xi32, #tpu.memory_space<vmem>>) semaphore(%arg8 : memref<!tpu.dma_semaphore, #tpu.memory_space<semaphore_mem>>)
        %mul3A_1207 = arith.constant 16 : i32
        %mul3A_1208 = arith.muli %add3A_1110, %mul3A_1207 : i32
        %add3A_1209 = arith.constant 6 : i32
        %add3A_1210 = arith.addi %mul3A_1208, %add3A_1209 : i32
        %dma_start3A_1211 = arith.constant 0 : i32
        %dma_start3A_1212 = arith.constant 6 : i32
        %dma_start3A_1213 = arith.constant 0 : i32
        %dma_start3A_1214 = arith.constant 0 : i32
        %dma_start3A_1215 = tpu.memref_slice %arg6[%dma_start3A_1211, %dma_start3A_1212, %dma_start3A_1213, %dma_start3A_1214] : memref<2x16x50x32xf32, #tpu.memory_space<vmem>> -> memref<1x1x50x32xf32, #tpu.memory_space<vmem>>
        %dma_start3A_1216 = tpu.memref_squeeze %dma_start3A_1215 : memref<1x1x50x32xf32, #tpu.memory_space<vmem>> -> memref<50x32xf32, #tpu.memory_space<vmem>>
        %dma_start3A_1217 = arith.constant 0 : i32
        %dma_start3A_1218 = tpu.memref_slice %arg5[%add3A_1210, %dma_start3A_1217] : memref<512x50xi32, #tpu.memory_space<vmem>> -> memref<1x50xi32, #tpu.memory_space<vmem>>
        %dma_start3A_1219 = tpu.memref_squeeze %dma_start3A_1218 : memref<1x50xi32, #tpu.memory_space<vmem>> -> memref<50xi32, #tpu.memory_space<vmem>>
        %dma_start3A_1220 = arith.constant 0 : i32
        %dma_start3A_1221 = arith.constant 0 : i32
        %dma_start3A_1222 = tpu.memref_slice %arg3[%dma_start3A_1220, %dma_start3A_1221] : memref<1000000x32xf32, #tpu.memory_space<hbm>> -> memref<1000000x32xf32, #tpu.memory_space<hbm>>
        tpu.enqueue_indirect_dma source(%dma_start3A_1222 : memref<1000000x32xf32, #tpu.memory_space<hbm>>) target(%dma_start3A_1216 : memref<50x32xf32, #tpu.memory_space<vmem>>) offsets(%dma_start3A_1219 : memref<50xi32, #tpu.memory_space<vmem>>) semaphore(%arg8 : memref<!tpu.dma_semaphore, #tpu.memory_space<semaphore_mem>>)
        %mul3A_1223 = arith.constant 16 : i32
        %mul3A_1224 = arith.muli %add3A_1110, %mul3A_1223 : i32
        %add3A_1225 = arith.constant 7 : i32
        %add3A_1226 = arith.addi %mul3A_1224, %add3A_1225 : i32
        %dma_start3A_1227 = arith.constant 0 : i32
        %dma_start3A_1228 = arith.constant 7 : i32
        %dma_start3A_1229 = arith.constant 0 : i32
        %dma_start3A_1230 = arith.constant 0 : i32
        %dma_start3A_1231 = tpu.memref_slice %arg6[%dma_start3A_1227, %dma_start3A_1228, %dma_start3A_1229, %dma_start3A_1230] : memref<2x16x50x32xf32, #tpu.memory_space<vmem>> -> memref<1x1x50x32xf32, #tpu.memory_space<vmem>>
        %dma_start3A_1232 = tpu.memref_squeeze %dma_start3A_1231 : memref<1x1x50x32xf32, #tpu.memory_space<vmem>> -> memref<50x32xf32, #tpu.memory_space<vmem>>
        %dma_start3A_1233 = arith.constant 0 : i32
        %dma_start3A_1234 = tpu.memref_slice %arg5[%add3A_1226, %dma_start3A_1233] : memref<512x50xi32, #tpu.memory_space<vmem>> -> memref<1x50xi32, #tpu.memory_space<vmem>>
        %dma_start3A_1235 = tpu.memref_squeeze %dma_start3A_1234 : memref<1x50xi32, #tpu.memory_space<vmem>> -> memref<50xi32, #tpu.memory_space<vmem>>
        %dma_start3A_1236 = arith.constant 0 : i32
        %dma_start3A_1237 = arith.constant 0 : i32
        %dma_start3A_1238 = tpu.memref_slice %arg3[%dma_start3A_1236, %dma_start3A_1237] : memref<1000000x32xf32, #tpu.memory_space<hbm>> -> memref<1000000x32xf32, #tpu.memory_space<hbm>>
        tpu.enqueue_indirect_dma source(%dma_start3A_1238 : memref<1000000x32xf32, #tpu.memory_space<hbm>>) target(%dma_start3A_1232 : memref<50x32xf32, #tpu.memory_space<vmem>>) offsets(%dma_start3A_1235 : memref<50xi32, #tpu.memory_space<vmem>>) semaphore(%arg8 : memref<!tpu.dma_semaphore, #tpu.memory_space<semaphore_mem>>)
        %mul3A_1239 = arith.constant 16 : i32
        %mul3A_1240 = arith.muli %add3A_1110, %mul3A_1239 : i32
        %add3A_1241 = arith.constant 8 : i32
        %add3A_1242 = arith.addi %mul3A_1240, %add3A_1241 : i32
        %dma_start3A_1243 = arith.constant 0 : i32
        %dma_start3A_1244 = arith.constant 8 : i32
        %dma_start3A_1245 = arith.constant 0 : i32
        %dma_start3A_1246 = arith.constant 0 : i32
        %dma_start3A_1247 = tpu.memref_slice %arg6[%dma_start3A_1243, %dma_start3A_1244, %dma_start3A_1245, %dma_start3A_1246] : memref<2x16x50x32xf32, #tpu.memory_space<vmem>> -> memref<1x1x50x32xf32, #tpu.memory_space<vmem>>
        %dma_start3A_1248 = tpu.memref_squeeze %dma_start3A_1247 : memref<1x1x50x32xf32, #tpu.memory_space<vmem>> -> memref<50x32xf32, #tpu.memory_space<vmem>>
        %dma_start3A_1249 = arith.constant 0 : i32
        %dma_start3A_1250 = tpu.memref_slice %arg5[%add3A_1242, %dma_start3A_1249] : memref<512x50xi32, #tpu.memory_space<vmem>> -> memref<1x50xi32, #tpu.memory_space<vmem>>
        %dma_start3A_1251 = tpu.memref_squeeze %dma_start3A_1250 : memref<1x50xi32, #tpu.memory_space<vmem>> -> memref<50xi32, #tpu.memory_space<vmem>>
        %dma_start3A_1252 = arith.constant 0 : i32
        %dma_start3A_1253 = arith.constant 0 : i32
        %dma_start3A_1254 = tpu.memref_slice %arg3[%dma_start3A_1252, %dma_start3A_1253] : memref<1000000x32xf32, #tpu.memory_space<hbm>> -> memref<1000000x32xf32, #tpu.memory_space<hbm>>
        tpu.enqueue_indirect_dma source(%dma_start3A_1254 : memref<1000000x32xf32, #tpu.memory_space<hbm>>) target(%dma_start3A_1248 : memref<50x32xf32, #tpu.memory_space<vmem>>) offsets(%dma_start3A_1251 : memref<50xi32, #tpu.memory_space<vmem>>) semaphore(%arg8 : memref<!tpu.dma_semaphore, #tpu.memory_space<semaphore_mem>>)
        %mul3A_1255 = arith.constant 16 : i32
        %mul3A_1256 = arith.muli %add3A_1110, %mul3A_1255 : i32
        %add3A_1257 = arith.constant 9 : i32
        %add3A_1258 = arith.addi %mul3A_1256, %add3A_1257 : i32
        %dma_start3A_1259 = arith.constant 0 : i32
        %dma_start3A_1260 = arith.constant 9 : i32
        %dma_start3A_1261 = arith.constant 0 : i32
        %dma_start3A_1262 = arith.constant 0 : i32
        %dma_start3A_1263 = tpu.memref_slice %arg6[%dma_start3A_1259, %dma_start3A_1260, %dma_start3A_1261, %dma_start3A_1262] : memref<2x16x50x32xf32, #tpu.memory_space<vmem>> -> memref<1x1x50x32xf32, #tpu.memory_space<vmem>>
        %dma_start3A_1264 = tpu.memref_squeeze %dma_start3A_1263 : memref<1x1x50x32xf32, #tpu.memory_space<vmem>> -> memref<50x32xf32, #tpu.memory_space<vmem>>
        %dma_start3A_1265 = arith.constant 0 : i32
        %dma_start3A_1266 = tpu.memref_slice %arg5[%add3A_1258, %dma_start3A_1265] : memref<512x50xi32, #tpu.memory_space<vmem>> -> memref<1x50xi32, #tpu.memory_space<vmem>>
        %dma_start3A_1267 = tpu.memref_squeeze %dma_start3A_1266 : memref<1x50xi32, #tpu.memory_space<vmem>> -> memref<50xi32, #tpu.memory_space<vmem>>
        %dma_start3A_1268 = arith.constant 0 : i32
        %dma_start3A_1269 = arith.constant 0 : i32
        %dma_start3A_1270 = tpu.memref_slice %arg3[%dma_start3A_1268, %dma_start3A_1269] : memref<1000000x32xf32, #tpu.memory_space<hbm>> -> memref<1000000x32xf32, #tpu.memory_space<hbm>>
        tpu.enqueue_indirect_dma source(%dma_start3A_1270 : memref<1000000x32xf32, #tpu.memory_space<hbm>>) target(%dma_start3A_1264 : memref<50x32xf32, #tpu.memory_space<vmem>>) offsets(%dma_start3A_1267 : memref<50xi32, #tpu.memory_space<vmem>>) semaphore(%arg8 : memref<!tpu.dma_semaphore, #tpu.memory_space<semaphore_mem>>)
        %mul3A_1271 = arith.constant 16 : i32
        %mul3A_1272 = arith.muli %add3A_1110, %mul3A_1271 : i32
        %add3A_1273 = arith.constant 10 : i32
        %add3A_1274 = arith.addi %mul3A_1272, %add3A_1273 : i32
        %dma_start3A_1275 = arith.constant 0 : i32
        %dma_start3A_1276 = arith.constant 10 : i32
        %dma_start3A_1277 = arith.constant 0 : i32
        %dma_start3A_1278 = arith.constant 0 : i32
        %dma_start3A_1279 = tpu.memref_slice %arg6[%dma_start3A_1275, %dma_start3A_1276, %dma_start3A_1277, %dma_start3A_1278] : memref<2x16x50x32xf32, #tpu.memory_space<vmem>> -> memref<1x1x50x32xf32, #tpu.memory_space<vmem>>
        %dma_start3A_1280 = tpu.memref_squeeze %dma_start3A_1279 : memref<1x1x50x32xf32, #tpu.memory_space<vmem>> -> memref<50x32xf32, #tpu.memory_space<vmem>>
        %dma_start3A_1281 = arith.constant 0 : i32
        %dma_start3A_1282 = tpu.memref_slice %arg5[%add3A_1274, %dma_start3A_1281] : memref<512x50xi32, #tpu.memory_space<vmem>> -> memref<1x50xi32, #tpu.memory_space<vmem>>
        %dma_start3A_1283 = tpu.memref_squeeze %dma_start3A_1282 : memref<1x50xi32, #tpu.memory_space<vmem>> -> memref<50xi32, #tpu.memory_space<vmem>>
        %dma_start3A_1284 = arith.constant 0 : i32
        %dma_start3A_1285 = arith.constant 0 : i32
        %dma_start3A_1286 = tpu.memref_slice %arg3[%dma_start3A_1284, %dma_start3A_1285] : memref<1000000x32xf32, #tpu.memory_space<hbm>> -> memref<1000000x32xf32, #tpu.memory_space<hbm>>
        tpu.enqueue_indirect_dma source(%dma_start3A_1286 : memref<1000000x32xf32, #tpu.memory_space<hbm>>) target(%dma_start3A_1280 : memref<50x32xf32, #tpu.memory_space<vmem>>) offsets(%dma_start3A_1283 : memref<50xi32, #tpu.memory_space<vmem>>) semaphore(%arg8 : memref<!tpu.dma_semaphore, #tpu.memory_space<semaphore_mem>>)
        %mul3A_1287 = arith.constant 16 : i32
        %mul3A_1288 = arith.muli %add3A_1110, %mul3A_1287 : i32
        %add3A_1289 = arith.constant 11 : i32
        %add3A_1290 = arith.addi %mul3A_1288, %add3A_1289 : i32
        %dma_start3A_1291 = arith.constant 0 : i32
        %dma_start3A_1292 = arith.constant 11 : i32
        %dma_start3A_1293 = arith.constant 0 : i32
        %dma_start3A_1294 = arith.constant 0 : i32
        %dma_start3A_1295 = tpu.memref_slice %arg6[%dma_start3A_1291, %dma_start3A_1292, %dma_start3A_1293, %dma_start3A_1294] : memref<2x16x50x32xf32, #tpu.memory_space<vmem>> -> memref<1x1x50x32xf32, #tpu.memory_space<vmem>>
        %dma_start3A_1296 = tpu.memref_squeeze %dma_start3A_1295 : memref<1x1x50x32xf32, #tpu.memory_space<vmem>> -> memref<50x32xf32, #tpu.memory_space<vmem>>
        %dma_start3A_1297 = arith.constant 0 : i32
        %dma_start3A_1298 = tpu.memref_slice %arg5[%add3A_1290, %dma_start3A_1297] : memref<512x50xi32, #tpu.memory_space<vmem>> -> memref<1x50xi32, #tpu.memory_space<vmem>>
        %dma_start3A_1299 = tpu.memref_squeeze %dma_start3A_1298 : memref<1x50xi32, #tpu.memory_space<vmem>> -> memref<50xi32, #tpu.memory_space<vmem>>
        %dma_start3A_1300 = arith.constant 0 : i32
        %dma_start3A_1301 = arith.constant 0 : i32
        %dma_start3A_1302 = tpu.memref_slice %arg3[%dma_start3A_1300, %dma_start3A_1301] : memref<1000000x32xf32, #tpu.memory_space<hbm>> -> memref<1000000x32xf32, #tpu.memory_space<hbm>>
        tpu.enqueue_indirect_dma source(%dma_start3A_1302 : memref<1000000x32xf32, #tpu.memory_space<hbm>>) target(%dma_start3A_1296 : memref<50x32xf32, #tpu.memory_space<vmem>>) offsets(%dma_start3A_1299 : memref<50xi32, #tpu.memory_space<vmem>>) semaphore(%arg8 : memref<!tpu.dma_semaphore, #tpu.memory_space<semaphore_mem>>)
        %mul3A_1303 = arith.constant 16 : i32
        %mul3A_1304 = arith.muli %add3A_1110, %mul3A_1303 : i32
        %add3A_1305 = arith.constant 12 : i32
        %add3A_1306 = arith.addi %mul3A_1304, %add3A_1305 : i32
        %dma_start3A_1307 = arith.constant 0 : i32
        %dma_start3A_1308 = arith.constant 12 : i32
        %dma_start3A_1309 = arith.constant 0 : i32
        %dma_start3A_1310 = arith.constant 0 : i32
        %dma_start3A_1311 = tpu.memref_slice %arg6[%dma_start3A_1307, %dma_start3A_1308, %dma_start3A_1309, %dma_start3A_1310] : memref<2x16x50x32xf32, #tpu.memory_space<vmem>> -> memref<1x1x50x32xf32, #tpu.memory_space<vmem>>
        %dma_start3A_1312 = tpu.memref_squeeze %dma_start3A_1311 : memref<1x1x50x32xf32, #tpu.memory_space<vmem>> -> memref<50x32xf32, #tpu.memory_space<vmem>>
        %dma_start3A_1313 = arith.constant 0 : i32
        %dma_start3A_1314 = tpu.memref_slice %arg5[%add3A_1306, %dma_start3A_1313] : memref<512x50xi32, #tpu.memory_space<vmem>> -> memref<1x50xi32, #tpu.memory_space<vmem>>
        %dma_start3A_1315 = tpu.memref_squeeze %dma_start3A_1314 : memref<1x50xi32, #tpu.memory_space<vmem>> -> memref<50xi32, #tpu.memory_space<vmem>>
        %dma_start3A_1316 = arith.constant 0 : i32
        %dma_start3A_1317 = arith.constant 0 : i32
        %dma_start3A_1318 = tpu.memref_slice %arg3[%dma_start3A_1316, %dma_start3A_1317] : memref<1000000x32xf32, #tpu.memory_space<hbm>> -> memref<1000000x32xf32, #tpu.memory_space<hbm>>
        tpu.enqueue_indirect_dma source(%dma_start3A_1318 : memref<1000000x32xf32, #tpu.memory_space<hbm>>) target(%dma_start3A_1312 : memref<50x32xf32, #tpu.memory_space<vmem>>) offsets(%dma_start3A_1315 : memref<50xi32, #tpu.memory_space<vmem>>) semaphore(%arg8 : memref<!tpu.dma_semaphore, #tpu.memory_space<semaphore_mem>>)
        %mul3A_1319 = arith.constant 16 : i32
        %mul3A_1320 = arith.muli %add3A_1110, %mul3A_1319 : i32
        %add3A_1321 = arith.constant 13 : i32
        %add3A_1322 = arith.addi %mul3A_1320, %add3A_1321 : i32
        %dma_start3A_1323 = arith.constant 0 : i32
        %dma_start3A_1324 = arith.constant 13 : i32
        %dma_start3A_1325 = arith.constant 0 : i32
        %dma_start3A_1326 = arith.constant 0 : i32
        %dma_start3A_1327 = tpu.memref_slice %arg6[%dma_start3A_1323, %dma_start3A_1324, %dma_start3A_1325, %dma_start3A_1326] : memref<2x16x50x32xf32, #tpu.memory_space<vmem>> -> memref<1x1x50x32xf32, #tpu.memory_space<vmem>>
        %dma_start3A_1328 = tpu.memref_squeeze %dma_start3A_1327 : memref<1x1x50x32xf32, #tpu.memory_space<vmem>> -> memref<50x32xf32, #tpu.memory_space<vmem>>
        %dma_start3A_1329 = arith.constant 0 : i32
        %dma_start3A_1330 = tpu.memref_slice %arg5[%add3A_1322, %dma_start3A_1329] : memref<512x50xi32, #tpu.memory_space<vmem>> -> memref<1x50xi32, #tpu.memory_space<vmem>>
        %dma_start3A_1331 = tpu.memref_squeeze %dma_start3A_1330 : memref<1x50xi32, #tpu.memory_space<vmem>> -> memref<50xi32, #tpu.memory_space<vmem>>
        %dma_start3A_1332 = arith.constant 0 : i32
        %dma_start3A_1333 = arith.constant 0 : i32
        %dma_start3A_1334 = tpu.memref_slice %arg3[%dma_start3A_1332, %dma_start3A_1333] : memref<1000000x32xf32, #tpu.memory_space<hbm>> -> memref<1000000x32xf32, #tpu.memory_space<hbm>>
        tpu.enqueue_indirect_dma source(%dma_start3A_1334 : memref<1000000x32xf32, #tpu.memory_space<hbm>>) target(%dma_start3A_1328 : memref<50x32xf32, #tpu.memory_space<vmem>>) offsets(%dma_start3A_1331 : memref<50xi32, #tpu.memory_space<vmem>>) semaphore(%arg8 : memref<!tpu.dma_semaphore, #tpu.memory_space<semaphore_mem>>)
        %mul3A_1335 = arith.constant 16 : i32
        %mul3A_1336 = arith.muli %add3A_1110, %mul3A_1335 : i32
        %add3A_1337 = arith.constant 14 : i32
        %add3A_1338 = arith.addi %mul3A_1336, %add3A_1337 : i32
        %dma_start3A_1339 = arith.constant 0 : i32
        %dma_start3A_1340 = arith.constant 14 : i32
        %dma_start3A_1341 = arith.constant 0 : i32
        %dma_start3A_1342 = arith.constant 0 : i32
        %dma_start3A_1343 = tpu.memref_slice %arg6[%dma_start3A_1339, %dma_start3A_1340, %dma_start3A_1341, %dma_start3A_1342] : memref<2x16x50x32xf32, #tpu.memory_space<vmem>> -> memref<1x1x50x32xf32, #tpu.memory_space<vmem>>
        %dma_start3A_1344 = tpu.memref_squeeze %dma_start3A_1343 : memref<1x1x50x32xf32, #tpu.memory_space<vmem>> -> memref<50x32xf32, #tpu.memory_space<vmem>>
        %dma_start3A_1345 = arith.constant 0 : i32
        %dma_start3A_1346 = tpu.memref_slice %arg5[%add3A_1338, %dma_start3A_1345] : memref<512x50xi32, #tpu.memory_space<vmem>> -> memref<1x50xi32, #tpu.memory_space<vmem>>
        %dma_start3A_1347 = tpu.memref_squeeze %dma_start3A_1346 : memref<1x50xi32, #tpu.memory_space<vmem>> -> memref<50xi32, #tpu.memory_space<vmem>>
        %dma_start3A_1348 = arith.constant 0 : i32
        %dma_start3A_1349 = arith.constant 0 : i32
        %dma_start3A_1350 = tpu.memref_slice %arg3[%dma_start3A_1348, %dma_start3A_1349] : memref<1000000x32xf32, #tpu.memory_space<hbm>> -> memref<1000000x32xf32, #tpu.memory_space<hbm>>
        tpu.enqueue_indirect_dma source(%dma_start3A_1350 : memref<1000000x32xf32, #tpu.memory_space<hbm>>) target(%dma_start3A_1344 : memref<50x32xf32, #tpu.memory_space<vmem>>) offsets(%dma_start3A_1347 : memref<50xi32, #tpu.memory_space<vmem>>) semaphore(%arg8 : memref<!tpu.dma_semaphore, #tpu.memory_space<semaphore_mem>>)
        %mul3A_1351 = arith.constant 16 : i32
        %mul3A_1352 = arith.muli %add3A_1110, %mul3A_1351 : i32
        %add3A_1353 = arith.constant 15 : i32
        %add3A_1354 = arith.addi %mul3A_1352, %add3A_1353 : i32
        %dma_start3A_1355 = arith.constant 0 : i32
        %dma_start3A_1356 = arith.constant 15 : i32
        %dma_start3A_1357 = arith.constant 0 : i32
        %dma_start3A_1358 = arith.constant 0 : i32
        %dma_start3A_1359 = tpu.memref_slice %arg6[%dma_start3A_1355, %dma_start3A_1356, %dma_start3A_1357, %dma_start3A_1358] : memref<2x16x50x32xf32, #tpu.memory_space<vmem>> -> memref<1x1x50x32xf32, #tpu.memory_space<vmem>>
        %dma_start3A_1360 = tpu.memref_squeeze %dma_start3A_1359 : memref<1x1x50x32xf32, #tpu.memory_space<vmem>> -> memref<50x32xf32, #tpu.memory_space<vmem>>
        %dma_start3A_1361 = arith.constant 0 : i32
        %dma_start3A_1362 = tpu.memref_slice %arg5[%add3A_1354, %dma_start3A_1361] : memref<512x50xi32, #tpu.memory_space<vmem>> -> memref<1x50xi32, #tpu.memory_space<vmem>>
        %dma_start3A_1363 = tpu.memref_squeeze %dma_start3A_1362 : memref<1x50xi32, #tpu.memory_space<vmem>> -> memref<50xi32, #tpu.memory_space<vmem>>
        %dma_start3A_1364 = arith.constant 0 : i32
        %dma_start3A_1365 = arith.constant 0 : i32
        %dma_start3A_1366 = tpu.memref_slice %arg3[%dma_start3A_1364, %dma_start3A_1365] : memref<1000000x32xf32, #tpu.memory_space<hbm>> -> memref<1000000x32xf32, #tpu.memory_space<hbm>>
        tpu.enqueue_indirect_dma source(%dma_start3A_1366 : memref<1000000x32xf32, #tpu.memory_space<hbm>>) target(%dma_start3A_1360 : memref<50x32xf32, #tpu.memory_space<vmem>>) offsets(%dma_start3A_1363 : memref<50xi32, #tpu.memory_space<vmem>>) semaphore(%arg8 : memref<!tpu.dma_semaphore, #tpu.memory_space<semaphore_mem>>)
      } else {
      }
      %dma_wait3A_809 = arith.constant 0 : i32
      %dma_wait3A_810 = arith.constant 1 : i32
      %dma_wait3A_811 = arith.constant 0 : i32
      %dma_wait3A_812 = arith.constant 0 : i32
      %dma_wait3A_813 = arith.constant 0 : i32
      %dma_wait3A_814 = tpu.memref_slice %arg6[%dma_wait3A_810, %dma_wait3A_811, %dma_wait3A_812, %dma_wait3A_813] : memref<2x16x50x32xf32, #tpu.memory_space<vmem>> -> memref<1x1x50x32xf32, #tpu.memory_space<vmem>>
      %dma_wait3A_815 = tpu.memref_squeeze %dma_wait3A_814 : memref<1x1x50x32xf32, #tpu.memory_space<vmem>> -> memref<50x32xf32, #tpu.memory_space<vmem>>
      %dma_wait3A_816 = arith.constant 0 : i32
      %dma_wait3A_817 = tpu.memref_slice %arg5[%dma_wait3A_809, %dma_wait3A_816] : memref<512x50xi32, #tpu.memory_space<vmem>> -> memref<1x50xi32, #tpu.memory_space<vmem>>
      %dma_wait3A_818 = tpu.memref_squeeze %dma_wait3A_817 : memref<1x50xi32, #tpu.memory_space<vmem>> -> memref<50xi32, #tpu.memory_space<vmem>>
      %dma_wait3A_819 = arith.constant 0 : i32
      %dma_wait3A_820 = arith.constant 0 : i32
      %dma_wait3A_821 = tpu.memref_slice %arg3[%dma_wait3A_819, %dma_wait3A_820] : memref<1000000x32xf32, #tpu.memory_space<hbm>> -> memref<1000000x32xf32, #tpu.memory_space<hbm>>
      tpu.wait_indirect_dma semaphore(%arg9 : memref<!tpu.dma_semaphore, #tpu.memory_space<semaphore_mem>>) src(%dma_wait3A_821 : memref<1000000x32xf32, #tpu.memory_space<hbm>>) dst(%dma_wait3A_815 : memref<50x32xf32, #tpu.memory_space<vmem>>)
      %dma_wait3A_822 = arith.constant 0 : i32
      %dma_wait3A_823 = arith.constant 1 : i32
      %dma_wait3A_824 = arith.constant 1 : i32
      %dma_wait3A_825 = arith.constant 0 : i32
      %dma_wait3A_826 = arith.constant 0 : i32
      %dma_wait3A_827 = tpu.memref_slice %arg6[%dma_wait3A_823, %dma_wait3A_824, %dma_wait3A_825, %dma_wait3A_826] : memref<2x16x50x32xf32, #tpu.memory_space<vmem>> -> memref<1x1x50x32xf32, #tpu.memory_space<vmem>>
      %dma_wait3A_828 = tpu.memref_squeeze %dma_wait3A_827 : memref<1x1x50x32xf32, #tpu.memory_space<vmem>> -> memref<50x32xf32, #tpu.memory_space<vmem>>
      %dma_wait3A_829 = arith.constant 0 : i32
      %dma_wait3A_830 = tpu.memref_slice %arg5[%dma_wait3A_822, %dma_wait3A_829] : memref<512x50xi32, #tpu.memory_space<vmem>> -> memref<1x50xi32, #tpu.memory_space<vmem>>
      %dma_wait3A_831 = tpu.memref_squeeze %dma_wait3A_830 : memref<1x50xi32, #tpu.memory_space<vmem>> -> memref<50xi32, #tpu.memory_space<vmem>>
      %dma_wait3A_832 = arith.constant 0 : i32
      %dma_wait3A_833 = arith.constant 0 : i32
      %dma_wait3A_834 = tpu.memref_slice %arg3[%dma_wait3A_832, %dma_wait3A_833] : memref<1000000x32xf32, #tpu.memory_space<hbm>> -> memref<1000000x32xf32, #tpu.memory_space<hbm>>
      tpu.wait_indirect_dma semaphore(%arg9 : memref<!tpu.dma_semaphore, #tpu.memory_space<semaphore_mem>>) src(%dma_wait3A_834 : memref<1000000x32xf32, #tpu.memory_space<hbm>>) dst(%dma_wait3A_828 : memref<50x32xf32, #tpu.memory_space<vmem>>)
      %dma_wait3A_835 = arith.constant 0 : i32
      %dma_wait3A_836 = arith.constant 1 : i32
      %dma_wait3A_837 = arith.constant 2 : i32
      %dma_wait3A_838 = arith.constant 0 : i32
      %dma_wait3A_839 = arith.constant 0 : i32
      %dma_wait3A_840 = tpu.memref_slice %arg6[%dma_wait3A_836, %dma_wait3A_837, %dma_wait3A_838, %dma_wait3A_839] : memref<2x16x50x32xf32, #tpu.memory_space<vmem>> -> memref<1x1x50x32xf32, #tpu.memory_space<vmem>>
      %dma_wait3A_841 = tpu.memref_squeeze %dma_wait3A_840 : memref<1x1x50x32xf32, #tpu.memory_space<vmem>> -> memref<50x32xf32, #tpu.memory_space<vmem>>
      %dma_wait3A_842 = arith.constant 0 : i32
      %dma_wait3A_843 = tpu.memref_slice %arg5[%dma_wait3A_835, %dma_wait3A_842] : memref<512x50xi32, #tpu.memory_space<vmem>> -> memref<1x50xi32, #tpu.memory_space<vmem>>
      %dma_wait3A_844 = tpu.memref_squeeze %dma_wait3A_843 : memref<1x50xi32, #tpu.memory_space<vmem>> -> memref<50xi32, #tpu.memory_space<vmem>>
      %dma_wait3A_845 = arith.constant 0 : i32
      %dma_wait3A_846 = arith.constant 0 : i32
      %dma_wait3A_847 = tpu.memref_slice %arg3[%dma_wait3A_845, %dma_wait3A_846] : memref<1000000x32xf32, #tpu.memory_space<hbm>> -> memref<1000000x32xf32, #tpu.memory_space<hbm>>
      tpu.wait_indirect_dma semaphore(%arg9 : memref<!tpu.dma_semaphore, #tpu.memory_space<semaphore_mem>>) src(%dma_wait3A_847 : memref<1000000x32xf32, #tpu.memory_space<hbm>>) dst(%dma_wait3A_841 : memref<50x32xf32, #tpu.memory_space<vmem>>)
      %dma_wait3A_848 = arith.constant 0 : i32
      %dma_wait3A_849 = arith.constant 1 : i32
      %dma_wait3A_850 = arith.constant 3 : i32
      %dma_wait3A_851 = arith.constant 0 : i32
      %dma_wait3A_852 = arith.constant 0 : i32
      %dma_wait3A_853 = tpu.memref_slice %arg6[%dma_wait3A_849, %dma_wait3A_850, %dma_wait3A_851, %dma_wait3A_852] : memref<2x16x50x32xf32, #tpu.memory_space<vmem>> -> memref<1x1x50x32xf32, #tpu.memory_space<vmem>>
      %dma_wait3A_854 = tpu.memref_squeeze %dma_wait3A_853 : memref<1x1x50x32xf32, #tpu.memory_space<vmem>> -> memref<50x32xf32, #tpu.memory_space<vmem>>
      %dma_wait3A_855 = arith.constant 0 : i32
      %dma_wait3A_856 = tpu.memref_slice %arg5[%dma_wait3A_848, %dma_wait3A_855] : memref<512x50xi32, #tpu.memory_space<vmem>> -> memref<1x50xi32, #tpu.memory_space<vmem>>
      %dma_wait3A_857 = tpu.memref_squeeze %dma_wait3A_856 : memref<1x50xi32, #tpu.memory_space<vmem>> -> memref<50xi32, #tpu.memory_space<vmem>>
      %dma_wait3A_858 = arith.constant 0 : i32
      %dma_wait3A_859 = arith.constant 0 : i32
      %dma_wait3A_860 = tpu.memref_slice %arg3[%dma_wait3A_858, %dma_wait3A_859] : memref<1000000x32xf32, #tpu.memory_space<hbm>> -> memref<1000000x32xf32, #tpu.memory_space<hbm>>
      tpu.wait_indirect_dma semaphore(%arg9 : memref<!tpu.dma_semaphore, #tpu.memory_space<semaphore_mem>>) src(%dma_wait3A_860 : memref<1000000x32xf32, #tpu.memory_space<hbm>>) dst(%dma_wait3A_854 : memref<50x32xf32, #tpu.memory_space<vmem>>)
      %dma_wait3A_861 = arith.constant 0 : i32
      %dma_wait3A_862 = arith.constant 1 : i32
      %dma_wait3A_863 = arith.constant 4 : i32
      %dma_wait3A_864 = arith.constant 0 : i32
      %dma_wait3A_865 = arith.constant 0 : i32
      %dma_wait3A_866 = tpu.memref_slice %arg6[%dma_wait3A_862, %dma_wait3A_863, %dma_wait3A_864, %dma_wait3A_865] : memref<2x16x50x32xf32, #tpu.memory_space<vmem>> -> memref<1x1x50x32xf32, #tpu.memory_space<vmem>>
      %dma_wait3A_867 = tpu.memref_squeeze %dma_wait3A_866 : memref<1x1x50x32xf32, #tpu.memory_space<vmem>> -> memref<50x32xf32, #tpu.memory_space<vmem>>
      %dma_wait3A_868 = arith.constant 0 : i32
      %dma_wait3A_869 = tpu.memref_slice %arg5[%dma_wait3A_861, %dma_wait3A_868] : memref<512x50xi32, #tpu.memory_space<vmem>> -> memref<1x50xi32, #tpu.memory_space<vmem>>
      %dma_wait3A_870 = tpu.memref_squeeze %dma_wait3A_869 : memref<1x50xi32, #tpu.memory_space<vmem>> -> memref<50xi32, #tpu.memory_space<vmem>>
      %dma_wait3A_871 = arith.constant 0 : i32
      %dma_wait3A_872 = arith.constant 0 : i32
      %dma_wait3A_873 = tpu.memref_slice %arg3[%dma_wait3A_871, %dma_wait3A_872] : memref<1000000x32xf32, #tpu.memory_space<hbm>> -> memref<1000000x32xf32, #tpu.memory_space<hbm>>
      tpu.wait_indirect_dma semaphore(%arg9 : memref<!tpu.dma_semaphore, #tpu.memory_space<semaphore_mem>>) src(%dma_wait3A_873 : memref<1000000x32xf32, #tpu.memory_space<hbm>>) dst(%dma_wait3A_867 : memref<50x32xf32, #tpu.memory_space<vmem>>)
      %dma_wait3A_874 = arith.constant 0 : i32
      %dma_wait3A_875 = arith.constant 1 : i32
      %dma_wait3A_876 = arith.constant 5 : i32
      %dma_wait3A_877 = arith.constant 0 : i32
      %dma_wait3A_878 = arith.constant 0 : i32
      %dma_wait3A_879 = tpu.memref_slice %arg6[%dma_wait3A_875, %dma_wait3A_876, %dma_wait3A_877, %dma_wait3A_878] : memref<2x16x50x32xf32, #tpu.memory_space<vmem>> -> memref<1x1x50x32xf32, #tpu.memory_space<vmem>>
      %dma_wait3A_880 = tpu.memref_squeeze %dma_wait3A_879 : memref<1x1x50x32xf32, #tpu.memory_space<vmem>> -> memref<50x32xf32, #tpu.memory_space<vmem>>
      %dma_wait3A_881 = arith.constant 0 : i32
      %dma_wait3A_882 = tpu.memref_slice %arg5[%dma_wait3A_874, %dma_wait3A_881] : memref<512x50xi32, #tpu.memory_space<vmem>> -> memref<1x50xi32, #tpu.memory_space<vmem>>
      %dma_wait3A_883 = tpu.memref_squeeze %dma_wait3A_882 : memref<1x50xi32, #tpu.memory_space<vmem>> -> memref<50xi32, #tpu.memory_space<vmem>>
      %dma_wait3A_884 = arith.constant 0 : i32
      %dma_wait3A_885 = arith.constant 0 : i32
      %dma_wait3A_886 = tpu.memref_slice %arg3[%dma_wait3A_884, %dma_wait3A_885] : memref<1000000x32xf32, #tpu.memory_space<hbm>> -> memref<1000000x32xf32, #tpu.memory_space<hbm>>
      tpu.wait_indirect_dma semaphore(%arg9 : memref<!tpu.dma_semaphore, #tpu.memory_space<semaphore_mem>>) src(%dma_wait3A_886 : memref<1000000x32xf32, #tpu.memory_space<hbm>>) dst(%dma_wait3A_880 : memref<50x32xf32, #tpu.memory_space<vmem>>)
      %dma_wait3A_887 = arith.constant 0 : i32
      %dma_wait3A_888 = arith.constant 1 : i32
      %dma_wait3A_889 = arith.constant 6 : i32
      %dma_wait3A_890 = arith.constant 0 : i32
      %dma_wait3A_891 = arith.constant 0 : i32
      %dma_wait3A_892 = tpu.memref_slice %arg6[%dma_wait3A_888, %dma_wait3A_889, %dma_wait3A_890, %dma_wait3A_891] : memref<2x16x50x32xf32, #tpu.memory_space<vmem>> -> memref<1x1x50x32xf32, #tpu.memory_space<vmem>>
      %dma_wait3A_893 = tpu.memref_squeeze %dma_wait3A_892 : memref<1x1x50x32xf32, #tpu.memory_space<vmem>> -> memref<50x32xf32, #tpu.memory_space<vmem>>
      %dma_wait3A_894 = arith.constant 0 : i32
      %dma_wait3A_895 = tpu.memref_slice %arg5[%dma_wait3A_887, %dma_wait3A_894] : memref<512x50xi32, #tpu.memory_space<vmem>> -> memref<1x50xi32, #tpu.memory_space<vmem>>
      %dma_wait3A_896 = tpu.memref_squeeze %dma_wait3A_895 : memref<1x50xi32, #tpu.memory_space<vmem>> -> memref<50xi32, #tpu.memory_space<vmem>>
      %dma_wait3A_897 = arith.constant 0 : i32
      %dma_wait3A_898 = arith.constant 0 : i32
      %dma_wait3A_899 = tpu.memref_slice %arg3[%dma_wait3A_897, %dma_wait3A_898] : memref<1000000x32xf32, #tpu.memory_space<hbm>> -> memref<1000000x32xf32, #tpu.memory_space<hbm>>
      tpu.wait_indirect_dma semaphore(%arg9 : memref<!tpu.dma_semaphore, #tpu.memory_space<semaphore_mem>>) src(%dma_wait3A_899 : memref<1000000x32xf32, #tpu.memory_space<hbm>>) dst(%dma_wait3A_893 : memref<50x32xf32, #tpu.memory_space<vmem>>)
      %dma_wait3A_900 = arith.constant 0 : i32
      %dma_wait3A_901 = arith.constant 1 : i32
      %dma_wait3A_902 = arith.constant 7 : i32
      %dma_wait3A_903 = arith.constant 0 : i32
      %dma_wait3A_904 = arith.constant 0 : i32
      %dma_wait3A_905 = tpu.memref_slice %arg6[%dma_wait3A_901, %dma_wait3A_902, %dma_wait3A_903, %dma_wait3A_904] : memref<2x16x50x32xf32, #tpu.memory_space<vmem>> -> memref<1x1x50x32xf32, #tpu.memory_space<vmem>>
      %dma_wait3A_906 = tpu.memref_squeeze %dma_wait3A_905 : memref<1x1x50x32xf32, #tpu.memory_space<vmem>> -> memref<50x32xf32, #tpu.memory_space<vmem>>
      %dma_wait3A_907 = arith.constant 0 : i32
      %dma_wait3A_908 = tpu.memref_slice %arg5[%dma_wait3A_900, %dma_wait3A_907] : memref<512x50xi32, #tpu.memory_space<vmem>> -> memref<1x50xi32, #tpu.memory_space<vmem>>
      %dma_wait3A_909 = tpu.memref_squeeze %dma_wait3A_908 : memref<1x50xi32, #tpu.memory_space<vmem>> -> memref<50xi32, #tpu.memory_space<vmem>>
      %dma_wait3A_910 = arith.constant 0 : i32
      %dma_wait3A_911 = arith.constant 0 : i32
      %dma_wait3A_912 = tpu.memref_slice %arg3[%dma_wait3A_910, %dma_wait3A_911] : memref<1000000x32xf32, #tpu.memory_space<hbm>> -> memref<1000000x32xf32, #tpu.memory_space<hbm>>
      tpu.wait_indirect_dma semaphore(%arg9 : memref<!tpu.dma_semaphore, #tpu.memory_space<semaphore_mem>>) src(%dma_wait3A_912 : memref<1000000x32xf32, #tpu.memory_space<hbm>>) dst(%dma_wait3A_906 : memref<50x32xf32, #tpu.memory_space<vmem>>)
      %dma_wait3A_913 = arith.constant 0 : i32
      %dma_wait3A_914 = arith.constant 1 : i32
      %dma_wait3A_915 = arith.constant 8 : i32
      %dma_wait3A_916 = arith.constant 0 : i32
      %dma_wait3A_917 = arith.constant 0 : i32
      %dma_wait3A_918 = tpu.memref_slice %arg6[%dma_wait3A_914, %dma_wait3A_915, %dma_wait3A_916, %dma_wait3A_917] : memref<2x16x50x32xf32, #tpu.memory_space<vmem>> -> memref<1x1x50x32xf32, #tpu.memory_space<vmem>>
      %dma_wait3A_919 = tpu.memref_squeeze %dma_wait3A_918 : memref<1x1x50x32xf32, #tpu.memory_space<vmem>> -> memref<50x32xf32, #tpu.memory_space<vmem>>
      %dma_wait3A_920 = arith.constant 0 : i32
      %dma_wait3A_921 = tpu.memref_slice %arg5[%dma_wait3A_913, %dma_wait3A_920] : memref<512x50xi32, #tpu.memory_space<vmem>> -> memref<1x50xi32, #tpu.memory_space<vmem>>
      %dma_wait3A_922 = tpu.memref_squeeze %dma_wait3A_921 : memref<1x50xi32, #tpu.memory_space<vmem>> -> memref<50xi32, #tpu.memory_space<vmem>>
      %dma_wait3A_923 = arith.constant 0 : i32
      %dma_wait3A_924 = arith.constant 0 : i32
      %dma_wait3A_925 = tpu.memref_slice %arg3[%dma_wait3A_923, %dma_wait3A_924] : memref<1000000x32xf32, #tpu.memory_space<hbm>> -> memref<1000000x32xf32, #tpu.memory_space<hbm>>
      tpu.wait_indirect_dma semaphore(%arg9 : memref<!tpu.dma_semaphore, #tpu.memory_space<semaphore_mem>>) src(%dma_wait3A_925 : memref<1000000x32xf32, #tpu.memory_space<hbm>>) dst(%dma_wait3A_919 : memref<50x32xf32, #tpu.memory_space<vmem>>)
      %dma_wait3A_926 = arith.constant 0 : i32
      %dma_wait3A_927 = arith.constant 1 : i32
      %dma_wait3A_928 = arith.constant 9 : i32
      %dma_wait3A_929 = arith.constant 0 : i32
      %dma_wait3A_930 = arith.constant 0 : i32
      %dma_wait3A_931 = tpu.memref_slice %arg6[%dma_wait3A_927, %dma_wait3A_928, %dma_wait3A_929, %dma_wait3A_930] : memref<2x16x50x32xf32, #tpu.memory_space<vmem>> -> memref<1x1x50x32xf32, #tpu.memory_space<vmem>>
      %dma_wait3A_932 = tpu.memref_squeeze %dma_wait3A_931 : memref<1x1x50x32xf32, #tpu.memory_space<vmem>> -> memref<50x32xf32, #tpu.memory_space<vmem>>
      %dma_wait3A_933 = arith.constant 0 : i32
      %dma_wait3A_934 = tpu.memref_slice %arg5[%dma_wait3A_926, %dma_wait3A_933] : memref<512x50xi32, #tpu.memory_space<vmem>> -> memref<1x50xi32, #tpu.memory_space<vmem>>
      %dma_wait3A_935 = tpu.memref_squeeze %dma_wait3A_934 : memref<1x50xi32, #tpu.memory_space<vmem>> -> memref<50xi32, #tpu.memory_space<vmem>>
      %dma_wait3A_936 = arith.constant 0 : i32
      %dma_wait3A_937 = arith.constant 0 : i32
      %dma_wait3A_938 = tpu.memref_slice %arg3[%dma_wait3A_936, %dma_wait3A_937] : memref<1000000x32xf32, #tpu.memory_space<hbm>> -> memref<1000000x32xf32, #tpu.memory_space<hbm>>
      tpu.wait_indirect_dma semaphore(%arg9 : memref<!tpu.dma_semaphore, #tpu.memory_space<semaphore_mem>>) src(%dma_wait3A_938 : memref<1000000x32xf32, #tpu.memory_space<hbm>>) dst(%dma_wait3A_932 : memref<50x32xf32, #tpu.memory_space<vmem>>)
      %dma_wait3A_939 = arith.constant 0 : i32
      %dma_wait3A_940 = arith.constant 1 : i32
      %dma_wait3A_941 = arith.constant 10 : i32
      %dma_wait3A_942 = arith.constant 0 : i32
      %dma_wait3A_943 = arith.constant 0 : i32
      %dma_wait3A_944 = tpu.memref_slice %arg6[%dma_wait3A_940, %dma_wait3A_941, %dma_wait3A_942, %dma_wait3A_943] : memref<2x16x50x32xf32, #tpu.memory_space<vmem>> -> memref<1x1x50x32xf32, #tpu.memory_space<vmem>>
      %dma_wait3A_945 = tpu.memref_squeeze %dma_wait3A_944 : memref<1x1x50x32xf32, #tpu.memory_space<vmem>> -> memref<50x32xf32, #tpu.memory_space<vmem>>
      %dma_wait3A_946 = arith.constant 0 : i32
      %dma_wait3A_947 = tpu.memref_slice %arg5[%dma_wait3A_939, %dma_wait3A_946] : memref<512x50xi32, #tpu.memory_space<vmem>> -> memref<1x50xi32, #tpu.memory_space<vmem>>
      %dma_wait3A_948 = tpu.memref_squeeze %dma_wait3A_947 : memref<1x50xi32, #tpu.memory_space<vmem>> -> memref<50xi32, #tpu.memory_space<vmem>>
      %dma_wait3A_949 = arith.constant 0 : i32
      %dma_wait3A_950 = arith.constant 0 : i32
      %dma_wait3A_951 = tpu.memref_slice %arg3[%dma_wait3A_949, %dma_wait3A_950] : memref<1000000x32xf32, #tpu.memory_space<hbm>> -> memref<1000000x32xf32, #tpu.memory_space<hbm>>
      tpu.wait_indirect_dma semaphore(%arg9 : memref<!tpu.dma_semaphore, #tpu.memory_space<semaphore_mem>>) src(%dma_wait3A_951 : memref<1000000x32xf32, #tpu.memory_space<hbm>>) dst(%dma_wait3A_945 : memref<50x32xf32, #tpu.memory_space<vmem>>)
      %dma_wait3A_952 = arith.constant 0 : i32
      %dma_wait3A_953 = arith.constant 1 : i32
      %dma_wait3A_954 = arith.constant 11 : i32
      %dma_wait3A_955 = arith.constant 0 : i32
      %dma_wait3A_956 = arith.constant 0 : i32
      %dma_wait3A_957 = tpu.memref_slice %arg6[%dma_wait3A_953, %dma_wait3A_954, %dma_wait3A_955, %dma_wait3A_956] : memref<2x16x50x32xf32, #tpu.memory_space<vmem>> -> memref<1x1x50x32xf32, #tpu.memory_space<vmem>>
      %dma_wait3A_958 = tpu.memref_squeeze %dma_wait3A_957 : memref<1x1x50x32xf32, #tpu.memory_space<vmem>> -> memref<50x32xf32, #tpu.memory_space<vmem>>
      %dma_wait3A_959 = arith.constant 0 : i32
      %dma_wait3A_960 = tpu.memref_slice %arg5[%dma_wait3A_952, %dma_wait3A_959] : memref<512x50xi32, #tpu.memory_space<vmem>> -> memref<1x50xi32, #tpu.memory_space<vmem>>
      %dma_wait3A_961 = tpu.memref_squeeze %dma_wait3A_960 : memref<1x50xi32, #tpu.memory_space<vmem>> -> memref<50xi32, #tpu.memory_space<vmem>>
      %dma_wait3A_962 = arith.constant 0 : i32
      %dma_wait3A_963 = arith.constant 0 : i32
      %dma_wait3A_964 = tpu.memref_slice %arg3[%dma_wait3A_962, %dma_wait3A_963] : memref<1000000x32xf32, #tpu.memory_space<hbm>> -> memref<1000000x32xf32, #tpu.memory_space<hbm>>
      tpu.wait_indirect_dma semaphore(%arg9 : memref<!tpu.dma_semaphore, #tpu.memory_space<semaphore_mem>>) src(%dma_wait3A_964 : memref<1000000x32xf32, #tpu.memory_space<hbm>>) dst(%dma_wait3A_958 : memref<50x32xf32, #tpu.memory_space<vmem>>)
      %dma_wait3A_965 = arith.constant 0 : i32
      %dma_wait3A_966 = arith.constant 1 : i32
      %dma_wait3A_967 = arith.constant 12 : i32
      %dma_wait3A_968 = arith.constant 0 : i32
      %dma_wait3A_969 = arith.constant 0 : i32
      %dma_wait3A_970 = tpu.memref_slice %arg6[%dma_wait3A_966, %dma_wait3A_967, %dma_wait3A_968, %dma_wait3A_969] : memref<2x16x50x32xf32, #tpu.memory_space<vmem>> -> memref<1x1x50x32xf32, #tpu.memory_space<vmem>>
      %dma_wait3A_971 = tpu.memref_squeeze %dma_wait3A_970 : memref<1x1x50x32xf32, #tpu.memory_space<vmem>> -> memref<50x32xf32, #tpu.memory_space<vmem>>
      %dma_wait3A_972 = arith.constant 0 : i32
      %dma_wait3A_973 = tpu.memref_slice %arg5[%dma_wait3A_965, %dma_wait3A_972] : memref<512x50xi32, #tpu.memory_space<vmem>> -> memref<1x50xi32, #tpu.memory_space<vmem>>
      %dma_wait3A_974 = tpu.memref_squeeze %dma_wait3A_973 : memref<1x50xi32, #tpu.memory_space<vmem>> -> memref<50xi32, #tpu.memory_space<vmem>>
      %dma_wait3A_975 = arith.constant 0 : i32
      %dma_wait3A_976 = arith.constant 0 : i32
      %dma_wait3A_977 = tpu.memref_slice %arg3[%dma_wait3A_975, %dma_wait3A_976] : memref<1000000x32xf32, #tpu.memory_space<hbm>> -> memref<1000000x32xf32, #tpu.memory_space<hbm>>
      tpu.wait_indirect_dma semaphore(%arg9 : memref<!tpu.dma_semaphore, #tpu.memory_space<semaphore_mem>>) src(%dma_wait3A_977 : memref<1000000x32xf32, #tpu.memory_space<hbm>>) dst(%dma_wait3A_971 : memref<50x32xf32, #tpu.memory_space<vmem>>)
      %dma_wait3A_978 = arith.constant 0 : i32
      %dma_wait3A_979 = arith.constant 1 : i32
      %dma_wait3A_980 = arith.constant 13 : i32
      %dma_wait3A_981 = arith.constant 0 : i32
      %dma_wait3A_982 = arith.constant 0 : i32
      %dma_wait3A_983 = tpu.memref_slice %arg6[%dma_wait3A_979, %dma_wait3A_980, %dma_wait3A_981, %dma_wait3A_982] : memref<2x16x50x32xf32, #tpu.memory_space<vmem>> -> memref<1x1x50x32xf32, #tpu.memory_space<vmem>>
      %dma_wait3A_984 = tpu.memref_squeeze %dma_wait3A_983 : memref<1x1x50x32xf32, #tpu.memory_space<vmem>> -> memref<50x32xf32, #tpu.memory_space<vmem>>
      %dma_wait3A_985 = arith.constant 0 : i32
      %dma_wait3A_986 = tpu.memref_slice %arg5[%dma_wait3A_978, %dma_wait3A_985] : memref<512x50xi32, #tpu.memory_space<vmem>> -> memref<1x50xi32, #tpu.memory_space<vmem>>
      %dma_wait3A_987 = tpu.memref_squeeze %dma_wait3A_986 : memref<1x50xi32, #tpu.memory_space<vmem>> -> memref<50xi32, #tpu.memory_space<vmem>>
      %dma_wait3A_988 = arith.constant 0 : i32
      %dma_wait3A_989 = arith.constant 0 : i32
      %dma_wait3A_990 = tpu.memref_slice %arg3[%dma_wait3A_988, %dma_wait3A_989] : memref<1000000x32xf32, #tpu.memory_space<hbm>> -> memref<1000000x32xf32, #tpu.memory_space<hbm>>
      tpu.wait_indirect_dma semaphore(%arg9 : memref<!tpu.dma_semaphore, #tpu.memory_space<semaphore_mem>>) src(%dma_wait3A_990 : memref<1000000x32xf32, #tpu.memory_space<hbm>>) dst(%dma_wait3A_984 : memref<50x32xf32, #tpu.memory_space<vmem>>)
      %dma_wait3A_991 = arith.constant 0 : i32
      %dma_wait3A_992 = arith.constant 1 : i32
      %dma_wait3A_993 = arith.constant 14 : i32
      %dma_wait3A_994 = arith.constant 0 : i32
      %dma_wait3A_995 = arith.constant 0 : i32
      %dma_wait3A_996 = tpu.memref_slice %arg6[%dma_wait3A_992, %dma_wait3A_993, %dma_wait3A_994, %dma_wait3A_995] : memref<2x16x50x32xf32, #tpu.memory_space<vmem>> -> memref<1x1x50x32xf32, #tpu.memory_space<vmem>>
      %dma_wait3A_997 = tpu.memref_squeeze %dma_wait3A_996 : memref<1x1x50x32xf32, #tpu.memory_space<vmem>> -> memref<50x32xf32, #tpu.memory_space<vmem>>
      %dma_wait3A_998 = arith.constant 0 : i32
      %dma_wait3A_999 = tpu.memref_slice %arg5[%dma_wait3A_991, %dma_wait3A_998] : memref<512x50xi32, #tpu.memory_space<vmem>> -> memref<1x50xi32, #tpu.memory_space<vmem>>
      %dma_wait3A_1000 = tpu.memref_squeeze %dma_wait3A_999 : memref<1x50xi32, #tpu.memory_space<vmem>> -> memref<50xi32, #tpu.memory_space<vmem>>
      %dma_wait3A_1001 = arith.constant 0 : i32
      %dma_wait3A_1002 = arith.constant 0 : i32
      %dma_wait3A_1003 = tpu.memref_slice %arg3[%dma_wait3A_1001, %dma_wait3A_1002] : memref<1000000x32xf32, #tpu.memory_space<hbm>> -> memref<1000000x32xf32, #tpu.memory_space<hbm>>
      tpu.wait_indirect_dma semaphore(%arg9 : memref<!tpu.dma_semaphore, #tpu.memory_space<semaphore_mem>>) src(%dma_wait3A_1003 : memref<1000000x32xf32, #tpu.memory_space<hbm>>) dst(%dma_wait3A_997 : memref<50x32xf32, #tpu.memory_space<vmem>>)
      %dma_wait3A_1004 = arith.constant 0 : i32
      %dma_wait3A_1005 = arith.constant 1 : i32
      %dma_wait3A_1006 = arith.constant 15 : i32
      %dma_wait3A_1007 = arith.constant 0 : i32
      %dma_wait3A_1008 = arith.constant 0 : i32
      %dma_wait3A_1009 = tpu.memref_slice %arg6[%dma_wait3A_1005, %dma_wait3A_1006, %dma_wait3A_1007, %dma_wait3A_1008] : memref<2x16x50x32xf32, #tpu.memory_space<vmem>> -> memref<1x1x50x32xf32, #tpu.memory_space<vmem>>
      %dma_wait3A_1010 = tpu.memref_squeeze %dma_wait3A_1009 : memref<1x1x50x32xf32, #tpu.memory_space<vmem>> -> memref<50x32xf32, #tpu.memory_space<vmem>>
      %dma_wait3A_1011 = arith.constant 0 : i32
      %dma_wait3A_1012 = tpu.memref_slice %arg5[%dma_wait3A_1004, %dma_wait3A_1011] : memref<512x50xi32, #tpu.memory_space<vmem>> -> memref<1x50xi32, #tpu.memory_space<vmem>>
      %dma_wait3A_1013 = tpu.memref_squeeze %dma_wait3A_1012 : memref<1x50xi32, #tpu.memory_space<vmem>> -> memref<50xi32, #tpu.memory_space<vmem>>
      %dma_wait3A_1014 = arith.constant 0 : i32
      %dma_wait3A_1015 = arith.constant 0 : i32
      %dma_wait3A_1016 = tpu.memref_slice %arg3[%dma_wait3A_1014, %dma_wait3A_1015] : memref<1000000x32xf32, #tpu.memory_space<hbm>> -> memref<1000000x32xf32, #tpu.memory_space<hbm>>
      tpu.wait_indirect_dma semaphore(%arg9 : memref<!tpu.dma_semaphore, #tpu.memory_space<semaphore_mem>>) src(%dma_wait3A_1016 : memref<1000000x32xf32, #tpu.memory_space<hbm>>) dst(%dma_wait3A_1010 : memref<50x32xf32, #tpu.memory_space<vmem>>)
      %dma_wait3A_1017 = arith.constant 0 : i32
      %dma_wait3A_1018 = arith.constant 0 : i32
      %dma_wait3A_1019 = arith.constant 0 : i32
      %dma_wait3A_1020 = arith.constant 0 : i32
      %dma_wait3A_1021 = arith.constant 0 : i32
      %dma_wait3A_1022 = tpu.memref_slice %arg7[%dma_wait3A_1018, %dma_wait3A_1019, %dma_wait3A_1020, %dma_wait3A_1021] : memref<50x4x8x17xf32, #tpu.memory_space<vmem>> -> memref<50x4x8x16xf32, #tpu.memory_space<vmem>>
      %dma_wait3A_1023 = arith.constant 0 : i32
      %dma_wait3A_1024 = arith.constant 0 : i32
      %dma_wait3A_1025 = arith.constant 0 : i32
      %dma_wait3A_1026 = arith.constant 0 : i32
      %dma_wait3A_1027 = tpu.memref_slice %arg4[%dma_wait3A_1023, %dma_wait3A_1024, %dma_wait3A_1017, %dma_wait3A_1025, %dma_wait3A_1026] : memref<50x4x128x8x128xf32, #tpu.memory_space<hbm>> -> memref<50x4x1x8x16xf32, #tpu.memory_space<hbm>>
      %dma_wait3A_1028 = tpu.memref_squeeze %dma_wait3A_1027 : memref<50x4x1x8x16xf32, #tpu.memory_space<hbm>> -> memref<50x4x8x16xf32, #tpu.memory_space<hbm>>
      %dma_wait3A_1029 = arith.constant 0 : i32
      %dma_wait3A_1030 = arith.constant 0 : i32
      %dma_wait3A_1031 = arith.constant 0 : i32
      %dma_wait3A_1032 = arith.constant 0 : i32
      %dma_wait3A_1033 = tpu.memref_slice %arg4[%dma_wait3A_1029, %dma_wait3A_1030, %dma_wait3A_1017, %dma_wait3A_1031, %dma_wait3A_1032] : memref<50x4x128x8x128xf32, #tpu.memory_space<hbm>> -> memref<50x4x1x8x16xf32, #tpu.memory_space<hbm>>
      %dma_wait3A_1034 = tpu.memref_squeeze %dma_wait3A_1033 : memref<50x4x1x8x16xf32, #tpu.memory_space<hbm>> -> memref<50x4x8x16xf32, #tpu.memory_space<hbm>>
      %dma_wait3A_1035 = arith.constant 0 : i32
      %dma_wait3A_1036 = arith.constant 0 : i32
      %dma_wait3A_1037 = arith.constant 0 : i32
      %dma_wait3A_1038 = arith.constant 0 : i32
      %dma_wait3A_1039 = tpu.memref_slice %arg7[%dma_wait3A_1035, %dma_wait3A_1036, %dma_wait3A_1037, %dma_wait3A_1038] : memref<50x4x8x17xf32, #tpu.memory_space<vmem>> -> memref<50x4x8x16xf32, #tpu.memory_space<vmem>>
      tpu.wait_dma2 semaphore(%arg10 : memref<!tpu.dma_semaphore, #tpu.memory_space<semaphore_mem>>) src(%dma_wait3A_1039 : memref<50x4x8x16xf32, #tpu.memory_space<vmem>>) dst(%dma_wait3A_1034 : memref<50x4x8x16xf32, #tpu.memory_space<hbm>>)
      %scan3A_1040 = arith.constant 0 : i32
      %scan3A_1041 = arith.constant 0 : i32
      %scan3A_1042 = arith.constant 50 : i32
      %scan3A_1043 = arith.addi %scan3A_1041, %scan3A_1042 : i32
      %scan3A_1044 = arith.constant 1 : i32
      scf.for %scan3A_1109 = %scan3A_1041 to %scan3A_1043 step %scan3A_1044  : i32 {
        %broadcast_in_dim3A = arith.constant 0 : i32
        %broadcast_in_dim3A_1110 = vector.broadcast %broadcast_in_dim3A : i32 to vector<16xi32>
        %broadcast_in_dim3A_1111 = vector.broadcast %scan3A_1109 : i32 to vector<16xi32>
        %get3A = arith.constant 1 : i32
        %get3A_1112 = arith.constant 0 : i32
        %get3A_1113 = arith.index_cast %get3A : i32 to index
        %get3A_1114 = arith.index_cast %get3A_1112 : i32 to index
        %get3A_1115 = arith.index_cast %scan3A_1109 : i32 to index
        %get3A_1116 = arith.constant 0 : index
        %get3A_1117 = tpu.vector_load %arg6[%get3A_1113, %get3A_1114, %get3A_1115, %get3A_1116] {strides = array<i32>} : memref<2x16x50x32xf32, #tpu.memory_space<vmem>>, vector<16xf32>,
        tpu.vector_store_idx %arg7[%broadcast_in_dim3A_1111, %select_n3A, %rem3A_28, %broadcast_in_dim3A_1110], %get3A_1117 : memref<50x4x8x17xf32, #tpu.memory_space<vmem>>[vector<16xi32>, vector<16xi32>, vector<16xi32>, vector<16xi32>], vector<16xf32>,
        %get3A_1118 = arith.constant 1 : i32
        %get3A_1119 = arith.constant 0 : i32
        %get3A_1120 = arith.index_cast %get3A_1118 : i32 to index
        %get3A_1121 = arith.index_cast %get3A_1119 : i32 to index
        %get3A_1122 = arith.index_cast %scan3A_1109 : i32 to index
        %get3A_1123 = arith.constant 16 : index
        %get3A_1124 = tpu.vector_load %arg6[%get3A_1120, %get3A_1121, %get3A_1122, %get3A_1123] {strides = array<i32>} : memref<2x16x50x32xf32, #tpu.memory_space<vmem>>, vector<16xf32>,
        tpu.vector_store_idx %arg7[%broadcast_in_dim3A_1111, %add3A_31, %rem3A_28, %broadcast_in_dim3A_1110], %get3A_1124 : memref<50x4x8x17xf32, #tpu.memory_space<vmem>>[vector<16xi32>, vector<16xi32>, vector<16xi32>, vector<16xi32>], vector<16xf32>,
        %broadcast_in_dim3A_1125 = arith.constant 1 : i32
        %broadcast_in_dim3A_1126 = vector.broadcast %broadcast_in_dim3A_1125 : i32 to vector<16xi32>
        %broadcast_in_dim3A_1127 = vector.broadcast %scan3A_1109 : i32 to vector<16xi32>
        %get3A_1128 = arith.constant 1 : i32
        %get3A_1129 = arith.constant 1 : i32
        %get3A_1130 = arith.index_cast %get3A_1128 : i32 to index
        %get3A_1131 = arith.index_cast %get3A_1129 : i32 to index
        %get3A_1132 = arith.index_cast %scan3A_1109 : i32 to index
        %get3A_1133 = arith.constant 0 : index
        %get3A_1134 = tpu.vector_load %arg6[%get3A_1130, %get3A_1131, %get3A_1132, %get3A_1133] {strides = array<i32>} : memref<2x16x50x32xf32, #tpu.memory_space<vmem>>, vector<16xf32>,
        tpu.vector_store_idx %arg7[%broadcast_in_dim3A_1127, %select_n3A, %rem3A_28, %broadcast_in_dim3A_1126], %get3A_1134 : memref<50x4x8x17xf32, #tpu.memory_space<vmem>>[vector<16xi32>, vector<16xi32>, vector<16xi32>, vector<16xi32>], vector<16xf32>,
        %get3A_1135 = arith.constant 1 : i32
        %get3A_1136 = arith.constant 1 : i32
        %get3A_1137 = arith.index_cast %get3A_1135 : i32 to index
        %get3A_1138 = arith.index_cast %get3A_1136 : i32 to index
        %get3A_1139 = arith.index_cast %scan3A_1109 : i32 to index
        %get3A_1140 = arith.constant 16 : index
        %get3A_1141 = tpu.vector_load %arg6[%get3A_1137, %get3A_1138, %get3A_1139, %get3A_1140] {strides = array<i32>} : memref<2x16x50x32xf32, #tpu.memory_space<vmem>>, vector<16xf32>,
        tpu.vector_store_idx %arg7[%broadcast_in_dim3A_1127, %add3A_31, %rem3A_28, %broadcast_in_dim3A_1126], %get3A_1141 : memref<50x4x8x17xf32, #tpu.memory_space<vmem>>[vector<16xi32>, vector<16xi32>, vector<16xi32>, vector<16xi32>], vector<16xf32>,
        %broadcast_in_dim3A_1142 = arith.constant 2 : i32
        %broadcast_in_dim3A_1143 = vector.broadcast %broadcast_in_dim3A_1142 : i32 to vector<16xi32>
        %broadcast_in_dim3A_1144 = vector.broadcast %scan3A_1109 : i32 to vector<16xi32>
        %get3A_1145 = arith.constant 1 : i32
        %get3A_1146 = arith.constant 2 : i32
        %get3A_1147 = arith.index_cast %get3A_1145 : i32 to index
        %get3A_1148 = arith.index_cast %get3A_1146 : i32 to index
        %get3A_1149 = arith.index_cast %scan3A_1109 : i32 to index
        %get3A_1150 = arith.constant 0 : index
        %get3A_1151 = tpu.vector_load %arg6[%get3A_1147, %get3A_1148, %get3A_1149, %get3A_1150] {strides = array<i32>} : memref<2x16x50x32xf32, #tpu.memory_space<vmem>>, vector<16xf32>,
        tpu.vector_store_idx %arg7[%broadcast_in_dim3A_1144, %select_n3A, %rem3A_28, %broadcast_in_dim3A_1143], %get3A_1151 : memref<50x4x8x17xf32, #tpu.memory_space<vmem>>[vector<16xi32>, vector<16xi32>, vector<16xi32>, vector<16xi32>], vector<16xf32>,
        %get3A_1152 = arith.constant 1 : i32
        %get3A_1153 = arith.constant 2 : i32
        %get3A_1154 = arith.index_cast %get3A_1152 : i32 to index
        %get3A_1155 = arith.index_cast %get3A_1153 : i32 to index
        %get3A_1156 = arith.index_cast %scan3A_1109 : i32 to index
        %get3A_1157 = arith.constant 16 : index
        %get3A_1158 = tpu.vector_load %arg6[%get3A_1154, %get3A_1155, %get3A_1156, %get3A_1157] {strides = array<i32>} : memref<2x16x50x32xf32, #tpu.memory_space<vmem>>, vector<16xf32>,
        tpu.vector_store_idx %arg7[%broadcast_in_dim3A_1144, %add3A_31, %rem3A_28, %broadcast_in_dim3A_1143], %get3A_1158 : memref<50x4x8x17xf32, #tpu.memory_space<vmem>>[vector<16xi32>, vector<16xi32>, vector<16xi32>, vector<16xi32>], vector<16xf32>,
        %broadcast_in_dim3A_1159 = arith.constant 3 : i32
        %broadcast_in_dim3A_1160 = vector.broadcast %broadcast_in_dim3A_1159 : i32 to vector<16xi32>
        %broadcast_in_dim3A_1161 = vector.broadcast %scan3A_1109 : i32 to vector<16xi32>
        %get3A_1162 = arith.constant 1 : i32
        %get3A_1163 = arith.constant 3 : i32
        %get3A_1164 = arith.index_cast %get3A_1162 : i32 to index
        %get3A_1165 = arith.index_cast %get3A_1163 : i32 to index
        %get3A_1166 = arith.index_cast %scan3A_1109 : i32 to index
        %get3A_1167 = arith.constant 0 : index
        %get3A_1168 = tpu.vector_load %arg6[%get3A_1164, %get3A_1165, %get3A_1166, %get3A_1167] {strides = array<i32>} : memref<2x16x50x32xf32, #tpu.memory_space<vmem>>, vector<16xf32>,
        tpu.vector_store_idx %arg7[%broadcast_in_dim3A_1161, %select_n3A, %rem3A_28, %broadcast_in_dim3A_1160], %get3A_1168 : memref<50x4x8x17xf32, #tpu.memory_space<vmem>>[vector<16xi32>, vector<16xi32>, vector<16xi32>, vector<16xi32>], vector<16xf32>,
        %get3A_1169 = arith.constant 1 : i32
        %get3A_1170 = arith.constant 3 : i32
        %get3A_1171 = arith.index_cast %get3A_1169 : i32 to index
        %get3A_1172 = arith.index_cast %get3A_1170 : i32 to index
        %get3A_1173 = arith.index_cast %scan3A_1109 : i32 to index
        %get3A_1174 = arith.constant 16 : index
        %get3A_1175 = tpu.vector_load %arg6[%get3A_1171, %get3A_1172, %get3A_1173, %get3A_1174] {strides = array<i32>} : memref<2x16x50x32xf32, #tpu.memory_space<vmem>>, vector<16xf32>,
        tpu.vector_store_idx %arg7[%broadcast_in_dim3A_1161, %add3A_31, %rem3A_28, %broadcast_in_dim3A_1160], %get3A_1175 : memref<50x4x8x17xf32, #tpu.memory_space<vmem>>[vector<16xi32>, vector<16xi32>, vector<16xi32>, vector<16xi32>], vector<16xf32>,
        %broadcast_in_dim3A_1176 = arith.constant 4 : i32
        %broadcast_in_dim3A_1177 = vector.broadcast %broadcast_in_dim3A_1176 : i32 to vector<16xi32>
        %broadcast_in_dim3A_1178 = vector.broadcast %scan3A_1109 : i32 to vector<16xi32>
        %get3A_1179 = arith.constant 1 : i32
        %get3A_1180 = arith.constant 4 : i32
        %get3A_1181 = arith.index_cast %get3A_1179 : i32 to index
        %get3A_1182 = arith.index_cast %get3A_1180 : i32 to index
        %get3A_1183 = arith.index_cast %scan3A_1109 : i32 to index
        %get3A_1184 = arith.constant 0 : index
        %get3A_1185 = tpu.vector_load %arg6[%get3A_1181, %get3A_1182, %get3A_1183, %get3A_1184] {strides = array<i32>} : memref<2x16x50x32xf32, #tpu.memory_space<vmem>>, vector<16xf32>,
        tpu.vector_store_idx %arg7[%broadcast_in_dim3A_1178, %select_n3A, %rem3A_28, %broadcast_in_dim3A_1177], %get3A_1185 : memref<50x4x8x17xf32, #tpu.memory_space<vmem>>[vector<16xi32>, vector<16xi32>, vector<16xi32>, vector<16xi32>], vector<16xf32>,
        %get3A_1186 = arith.constant 1 : i32
        %get3A_1187 = arith.constant 4 : i32
        %get3A_1188 = arith.index_cast %get3A_1186 : i32 to index
        %get3A_1189 = arith.index_cast %get3A_1187 : i32 to index
        %get3A_1190 = arith.index_cast %scan3A_1109 : i32 to index
        %get3A_1191 = arith.constant 16 : index
        %get3A_1192 = tpu.vector_load %arg6[%get3A_1188, %get3A_1189, %get3A_1190, %get3A_1191] {strides = array<i32>} : memref<2x16x50x32xf32, #tpu.memory_space<vmem>>, vector<16xf32>,
        tpu.vector_store_idx %arg7[%broadcast_in_dim3A_1178, %add3A_31, %rem3A_28, %broadcast_in_dim3A_1177], %get3A_1192 : memref<50x4x8x17xf32, #tpu.memory_space<vmem>>[vector<16xi32>, vector<16xi32>, vector<16xi32>, vector<16xi32>], vector<16xf32>,
        %broadcast_in_dim3A_1193 = arith.constant 5 : i32
        %broadcast_in_dim3A_1194 = vector.broadcast %broadcast_in_dim3A_1193 : i32 to vector<16xi32>
        %broadcast_in_dim3A_1195 = vector.broadcast %scan3A_1109 : i32 to vector<16xi32>
        %get3A_1196 = arith.constant 1 : i32
        %get3A_1197 = arith.constant 5 : i32
        %get3A_1198 = arith.index_cast %get3A_1196 : i32 to index
        %get3A_1199 = arith.index_cast %get3A_1197 : i32 to index
        %get3A_1200 = arith.index_cast %scan3A_1109 : i32 to index
        %get3A_1201 = arith.constant 0 : index
        %get3A_1202 = tpu.vector_load %arg6[%get3A_1198, %get3A_1199, %get3A_1200, %get3A_1201] {strides = array<i32>} : memref<2x16x50x32xf32, #tpu.memory_space<vmem>>, vector<16xf32>,
        tpu.vector_store_idx %arg7[%broadcast_in_dim3A_1195, %select_n3A, %rem3A_28, %broadcast_in_dim3A_1194], %get3A_1202 : memref<50x4x8x17xf32, #tpu.memory_space<vmem>>[vector<16xi32>, vector<16xi32>, vector<16xi32>, vector<16xi32>], vector<16xf32>,
        %get3A_1203 = arith.constant 1 : i32
        %get3A_1204 = arith.constant 5 : i32
        %get3A_1205 = arith.index_cast %get3A_1203 : i32 to index
        %get3A_1206 = arith.index_cast %get3A_1204 : i32 to index
        %get3A_1207 = arith.index_cast %scan3A_1109 : i32 to index
        %get3A_1208 = arith.constant 16 : index
        %get3A_1209 = tpu.vector_load %arg6[%get3A_1205, %get3A_1206, %get3A_1207, %get3A_1208] {strides = array<i32>} : memref<2x16x50x32xf32, #tpu.memory_space<vmem>>, vector<16xf32>,
        tpu.vector_store_idx %arg7[%broadcast_in_dim3A_1195, %add3A_31, %rem3A_28, %broadcast_in_dim3A_1194], %get3A_1209 : memref<50x4x8x17xf32, #tpu.memory_space<vmem>>[vector<16xi32>, vector<16xi32>, vector<16xi32>, vector<16xi32>], vector<16xf32>,
        %broadcast_in_dim3A_1210 = arith.constant 6 : i32
        %broadcast_in_dim3A_1211 = vector.broadcast %broadcast_in_dim3A_1210 : i32 to vector<16xi32>
        %broadcast_in_dim3A_1212 = vector.broadcast %scan3A_1109 : i32 to vector<16xi32>
        %get3A_1213 = arith.constant 1 : i32
        %get3A_1214 = arith.constant 6 : i32
        %get3A_1215 = arith.index_cast %get3A_1213 : i32 to index
        %get3A_1216 = arith.index_cast %get3A_1214 : i32 to index
        %get3A_1217 = arith.index_cast %scan3A_1109 : i32 to index
        %get3A_1218 = arith.constant 0 : index
        %get3A_1219 = tpu.vector_load %arg6[%get3A_1215, %get3A_1216, %get3A_1217, %get3A_1218] {strides = array<i32>} : memref<2x16x50x32xf32, #tpu.memory_space<vmem>>, vector<16xf32>,
        tpu.vector_store_idx %arg7[%broadcast_in_dim3A_1212, %select_n3A, %rem3A_28, %broadcast_in_dim3A_1211], %get3A_1219 : memref<50x4x8x17xf32, #tpu.memory_space<vmem>>[vector<16xi32>, vector<16xi32>, vector<16xi32>, vector<16xi32>], vector<16xf32>,
        %get3A_1220 = arith.constant 1 : i32
        %get3A_1221 = arith.constant 6 : i32
        %get3A_1222 = arith.index_cast %get3A_1220 : i32 to index
        %get3A_1223 = arith.index_cast %get3A_1221 : i32 to index
        %get3A_1224 = arith.index_cast %scan3A_1109 : i32 to index
        %get3A_1225 = arith.constant 16 : index
        %get3A_1226 = tpu.vector_load %arg6[%get3A_1222, %get3A_1223, %get3A_1224, %get3A_1225] {strides = array<i32>} : memref<2x16x50x32xf32, #tpu.memory_space<vmem>>, vector<16xf32>,
        tpu.vector_store_idx %arg7[%broadcast_in_dim3A_1212, %add3A_31, %rem3A_28, %broadcast_in_dim3A_1211], %get3A_1226 : memref<50x4x8x17xf32, #tpu.memory_space<vmem>>[vector<16xi32>, vector<16xi32>, vector<16xi32>, vector<16xi32>], vector<16xf32>,
        %broadcast_in_dim3A_1227 = arith.constant 7 : i32
        %broadcast_in_dim3A_1228 = vector.broadcast %broadcast_in_dim3A_1227 : i32 to vector<16xi32>
        %broadcast_in_dim3A_1229 = vector.broadcast %scan3A_1109 : i32 to vector<16xi32>
        %get3A_1230 = arith.constant 1 : i32
        %get3A_1231 = arith.constant 7 : i32
        %get3A_1232 = arith.index_cast %get3A_1230 : i32 to index
        %get3A_1233 = arith.index_cast %get3A_1231 : i32 to index
        %get3A_1234 = arith.index_cast %scan3A_1109 : i32 to index
        %get3A_1235 = arith.constant 0 : index
        %get3A_1236 = tpu.vector_load %arg6[%get3A_1232, %get3A_1233, %get3A_1234, %get3A_1235] {strides = array<i32>} : memref<2x16x50x32xf32, #tpu.memory_space<vmem>>, vector<16xf32>,
        tpu.vector_store_idx %arg7[%broadcast_in_dim3A_1229, %select_n3A, %rem3A_28, %broadcast_in_dim3A_1228], %get3A_1236 : memref<50x4x8x17xf32, #tpu.memory_space<vmem>>[vector<16xi32>, vector<16xi32>, vector<16xi32>, vector<16xi32>], vector<16xf32>,
        %get3A_1237 = arith.constant 1 : i32
        %get3A_1238 = arith.constant 7 : i32
        %get3A_1239 = arith.index_cast %get3A_1237 : i32 to index
        %get3A_1240 = arith.index_cast %get3A_1238 : i32 to index
        %get3A_1241 = arith.index_cast %scan3A_1109 : i32 to index
        %get3A_1242 = arith.constant 16 : index
        %get3A_1243 = tpu.vector_load %arg6[%get3A_1239, %get3A_1240, %get3A_1241, %get3A_1242] {strides = array<i32>} : memref<2x16x50x32xf32, #tpu.memory_space<vmem>>, vector<16xf32>,
        tpu.vector_store_idx %arg7[%broadcast_in_dim3A_1229, %add3A_31, %rem3A_28, %broadcast_in_dim3A_1228], %get3A_1243 : memref<50x4x8x17xf32, #tpu.memory_space<vmem>>[vector<16xi32>, vector<16xi32>, vector<16xi32>, vector<16xi32>], vector<16xf32>,
        %broadcast_in_dim3A_1244 = arith.constant 8 : i32
        %broadcast_in_dim3A_1245 = vector.broadcast %broadcast_in_dim3A_1244 : i32 to vector<16xi32>
        %broadcast_in_dim3A_1246 = vector.broadcast %scan3A_1109 : i32 to vector<16xi32>
        %get3A_1247 = arith.constant 1 : i32
        %get3A_1248 = arith.constant 8 : i32
        %get3A_1249 = arith.index_cast %get3A_1247 : i32 to index
        %get3A_1250 = arith.index_cast %get3A_1248 : i32 to index
        %get3A_1251 = arith.index_cast %scan3A_1109 : i32 to index
        %get3A_1252 = arith.constant 0 : index
        %get3A_1253 = tpu.vector_load %arg6[%get3A_1249, %get3A_1250, %get3A_1251, %get3A_1252] {strides = array<i32>} : memref<2x16x50x32xf32, #tpu.memory_space<vmem>>, vector<16xf32>,
        tpu.vector_store_idx %arg7[%broadcast_in_dim3A_1246, %select_n3A, %rem3A_28, %broadcast_in_dim3A_1245], %get3A_1253 : memref<50x4x8x17xf32, #tpu.memory_space<vmem>>[vector<16xi32>, vector<16xi32>, vector<16xi32>, vector<16xi32>], vector<16xf32>,
        %get3A_1254 = arith.constant 1 : i32
        %get3A_1255 = arith.constant 8 : i32
        %get3A_1256 = arith.index_cast %get3A_1254 : i32 to index
        %get3A_1257 = arith.index_cast %get3A_1255 : i32 to index
        %get3A_1258 = arith.index_cast %scan3A_1109 : i32 to index
        %get3A_1259 = arith.constant 16 : index
        %get3A_1260 = tpu.vector_load %arg6[%get3A_1256, %get3A_1257, %get3A_1258, %get3A_1259] {strides = array<i32>} : memref<2x16x50x32xf32, #tpu.memory_space<vmem>>, vector<16xf32>,
        tpu.vector_store_idx %arg7[%broadcast_in_dim3A_1246, %add3A_31, %rem3A_28, %broadcast_in_dim3A_1245], %get3A_1260 : memref<50x4x8x17xf32, #tpu.memory_space<vmem>>[vector<16xi32>, vector<16xi32>, vector<16xi32>, vector<16xi32>], vector<16xf32>,
        %broadcast_in_dim3A_1261 = arith.constant 9 : i32
        %broadcast_in_dim3A_1262 = vector.broadcast %broadcast_in_dim3A_1261 : i32 to vector<16xi32>
        %broadcast_in_dim3A_1263 = vector.broadcast %scan3A_1109 : i32 to vector<16xi32>
        %get3A_1264 = arith.constant 1 : i32
        %get3A_1265 = arith.constant 9 : i32
        %get3A_1266 = arith.index_cast %get3A_1264 : i32 to index
        %get3A_1267 = arith.index_cast %get3A_1265 : i32 to index
        %get3A_1268 = arith.index_cast %scan3A_1109 : i32 to index
        %get3A_1269 = arith.constant 0 : index
        %get3A_1270 = tpu.vector_load %arg6[%get3A_1266, %get3A_1267, %get3A_1268, %get3A_1269] {strides = array<i32>} : memref<2x16x50x32xf32, #tpu.memory_space<vmem>>, vector<16xf32>,
        tpu.vector_store_idx %arg7[%broadcast_in_dim3A_1263, %select_n3A, %rem3A_28, %broadcast_in_dim3A_1262], %get3A_1270 : memref<50x4x8x17xf32, #tpu.memory_space<vmem>>[vector<16xi32>, vector<16xi32>, vector<16xi32>, vector<16xi32>], vector<16xf32>,
        %get3A_1271 = arith.constant 1 : i32
        %get3A_1272 = arith.constant 9 : i32
        %get3A_1273 = arith.index_cast %get3A_1271 : i32 to index
        %get3A_1274 = arith.index_cast %get3A_1272 : i32 to index
        %get3A_1275 = arith.index_cast %scan3A_1109 : i32 to index
        %get3A_1276 = arith.constant 16 : index
        %get3A_1277 = tpu.vector_load %arg6[%get3A_1273, %get3A_1274, %get3A_1275, %get3A_1276] {strides = array<i32>} : memref<2x16x50x32xf32, #tpu.memory_space<vmem>>, vector<16xf32>,
        tpu.vector_store_idx %arg7[%broadcast_in_dim3A_1263, %add3A_31, %rem3A_28, %broadcast_in_dim3A_1262], %get3A_1277 : memref<50x4x8x17xf32, #tpu.memory_space<vmem>>[vector<16xi32>, vector<16xi32>, vector<16xi32>, vector<16xi32>], vector<16xf32>,
        %broadcast_in_dim3A_1278 = arith.constant 10 : i32
        %broadcast_in_dim3A_1279 = vector.broadcast %broadcast_in_dim3A_1278 : i32 to vector<16xi32>
        %broadcast_in_dim3A_1280 = vector.broadcast %scan3A_1109 : i32 to vector<16xi32>
        %get3A_1281 = arith.constant 1 : i32
        %get3A_1282 = arith.constant 10 : i32
        %get3A_1283 = arith.index_cast %get3A_1281 : i32 to index
        %get3A_1284 = arith.index_cast %get3A_1282 : i32 to index
        %get3A_1285 = arith.index_cast %scan3A_1109 : i32 to index
        %get3A_1286 = arith.constant 0 : index
        %get3A_1287 = tpu.vector_load %arg6[%get3A_1283, %get3A_1284, %get3A_1285, %get3A_1286] {strides = array<i32>} : memref<2x16x50x32xf32, #tpu.memory_space<vmem>>, vector<16xf32>,
        tpu.vector_store_idx %arg7[%broadcast_in_dim3A_1280, %select_n3A, %rem3A_28, %broadcast_in_dim3A_1279], %get3A_1287 : memref<50x4x8x17xf32, #tpu.memory_space<vmem>>[vector<16xi32>, vector<16xi32>, vector<16xi32>, vector<16xi32>], vector<16xf32>,
        %get3A_1288 = arith.constant 1 : i32
        %get3A_1289 = arith.constant 10 : i32
        %get3A_1290 = arith.index_cast %get3A_1288 : i32 to index
        %get3A_1291 = arith.index_cast %get3A_1289 : i32 to index
        %get3A_1292 = arith.index_cast %scan3A_1109 : i32 to index
        %get3A_1293 = arith.constant 16 : index
        %get3A_1294 = tpu.vector_load %arg6[%get3A_1290, %get3A_1291, %get3A_1292, %get3A_1293] {strides = array<i32>} : memref<2x16x50x32xf32, #tpu.memory_space<vmem>>, vector<16xf32>,
        tpu.vector_store_idx %arg7[%broadcast_in_dim3A_1280, %add3A_31, %rem3A_28, %broadcast_in_dim3A_1279], %get3A_1294 : memref<50x4x8x17xf32, #tpu.memory_space<vmem>>[vector<16xi32>, vector<16xi32>, vector<16xi32>, vector<16xi32>], vector<16xf32>,
        %broadcast_in_dim3A_1295 = arith.constant 11 : i32
        %broadcast_in_dim3A_1296 = vector.broadcast %broadcast_in_dim3A_1295 : i32 to vector<16xi32>
        %broadcast_in_dim3A_1297 = vector.broadcast %scan3A_1109 : i32 to vector<16xi32>
        %get3A_1298 = arith.constant 1 : i32
        %get3A_1299 = arith.constant 11 : i32
        %get3A_1300 = arith.index_cast %get3A_1298 : i32 to index
        %get3A_1301 = arith.index_cast %get3A_1299 : i32 to index
        %get3A_1302 = arith.index_cast %scan3A_1109 : i32 to index
        %get3A_1303 = arith.constant 0 : index
        %get3A_1304 = tpu.vector_load %arg6[%get3A_1300, %get3A_1301, %get3A_1302, %get3A_1303] {strides = array<i32>} : memref<2x16x50x32xf32, #tpu.memory_space<vmem>>, vector<16xf32>,
        tpu.vector_store_idx %arg7[%broadcast_in_dim3A_1297, %select_n3A, %rem3A_28, %broadcast_in_dim3A_1296], %get3A_1304 : memref<50x4x8x17xf32, #tpu.memory_space<vmem>>[vector<16xi32>, vector<16xi32>, vector<16xi32>, vector<16xi32>], vector<16xf32>,
        %get3A_1305 = arith.constant 1 : i32
        %get3A_1306 = arith.constant 11 : i32
        %get3A_1307 = arith.index_cast %get3A_1305 : i32 to index
        %get3A_1308 = arith.index_cast %get3A_1306 : i32 to index
        %get3A_1309 = arith.index_cast %scan3A_1109 : i32 to index
        %get3A_1310 = arith.constant 16 : index
        %get3A_1311 = tpu.vector_load %arg6[%get3A_1307, %get3A_1308, %get3A_1309, %get3A_1310] {strides = array<i32>} : memref<2x16x50x32xf32, #tpu.memory_space<vmem>>, vector<16xf32>,
        tpu.vector_store_idx %arg7[%broadcast_in_dim3A_1297, %add3A_31, %rem3A_28, %broadcast_in_dim3A_1296], %get3A_1311 : memref<50x4x8x17xf32, #tpu.memory_space<vmem>>[vector<16xi32>, vector<16xi32>, vector<16xi32>, vector<16xi32>], vector<16xf32>,
        %broadcast_in_dim3A_1312 = arith.constant 12 : i32
        %broadcast_in_dim3A_1313 = vector.broadcast %broadcast_in_dim3A_1312 : i32 to vector<16xi32>
        %broadcast_in_dim3A_1314 = vector.broadcast %scan3A_1109 : i32 to vector<16xi32>
        %get3A_1315 = arith.constant 1 : i32
        %get3A_1316 = arith.constant 12 : i32
        %get3A_1317 = arith.index_cast %get3A_1315 : i32 to index
        %get3A_1318 = arith.index_cast %get3A_1316 : i32 to index
        %get3A_1319 = arith.index_cast %scan3A_1109 : i32 to index
        %get3A_1320 = arith.constant 0 : index
        %get3A_1321 = tpu.vector_load %arg6[%get3A_1317, %get3A_1318, %get3A_1319, %get3A_1320] {strides = array<i32>} : memref<2x16x50x32xf32, #tpu.memory_space<vmem>>, vector<16xf32>,
        tpu.vector_store_idx %arg7[%broadcast_in_dim3A_1314, %select_n3A, %rem3A_28, %broadcast_in_dim3A_1313], %get3A_1321 : memref<50x4x8x17xf32, #tpu.memory_space<vmem>>[vector<16xi32>, vector<16xi32>, vector<16xi32>, vector<16xi32>], vector<16xf32>,
        %get3A_1322 = arith.constant 1 : i32
        %get3A_1323 = arith.constant 12 : i32
        %get3A_1324 = arith.index_cast %get3A_1322 : i32 to index
        %get3A_1325 = arith.index_cast %get3A_1323 : i32 to index
        %get3A_1326 = arith.index_cast %scan3A_1109 : i32 to index
        %get3A_1327 = arith.constant 16 : index
        %get3A_1328 = tpu.vector_load %arg6[%get3A_1324, %get3A_1325, %get3A_1326, %get3A_1327] {strides = array<i32>} : memref<2x16x50x32xf32, #tpu.memory_space<vmem>>, vector<16xf32>,
        tpu.vector_store_idx %arg7[%broadcast_in_dim3A_1314, %add3A_31, %rem3A_28, %broadcast_in_dim3A_1313], %get3A_1328 : memref<50x4x8x17xf32, #tpu.memory_space<vmem>>[vector<16xi32>, vector<16xi32>, vector<16xi32>, vector<16xi32>], vector<16xf32>,
        %broadcast_in_dim3A_1329 = arith.constant 13 : i32
        %broadcast_in_dim3A_1330 = vector.broadcast %broadcast_in_dim3A_1329 : i32 to vector<16xi32>
        %broadcast_in_dim3A_1331 = vector.broadcast %scan3A_1109 : i32 to vector<16xi32>
        %get3A_1332 = arith.constant 1 : i32
        %get3A_1333 = arith.constant 13 : i32
        %get3A_1334 = arith.index_cast %get3A_1332 : i32 to index
        %get3A_1335 = arith.index_cast %get3A_1333 : i32 to index
        %get3A_1336 = arith.index_cast %scan3A_1109 : i32 to index
        %get3A_1337 = arith.constant 0 : index
        %get3A_1338 = tpu.vector_load %arg6[%get3A_1334, %get3A_1335, %get3A_1336, %get3A_1337] {strides = array<i32>} : memref<2x16x50x32xf32, #tpu.memory_space<vmem>>, vector<16xf32>,
        tpu.vector_store_idx %arg7[%broadcast_in_dim3A_1331, %select_n3A, %rem3A_28, %broadcast_in_dim3A_1330], %get3A_1338 : memref<50x4x8x17xf32, #tpu.memory_space<vmem>>[vector<16xi32>, vector<16xi32>, vector<16xi32>, vector<16xi32>], vector<16xf32>,
        %get3A_1339 = arith.constant 1 : i32
        %get3A_1340 = arith.constant 13 : i32
        %get3A_1341 = arith.index_cast %get3A_1339 : i32 to index
        %get3A_1342 = arith.index_cast %get3A_1340 : i32 to index
        %get3A_1343 = arith.index_cast %scan3A_1109 : i32 to index
        %get3A_1344 = arith.constant 16 : index
        %get3A_1345 = tpu.vector_load %arg6[%get3A_1341, %get3A_1342, %get3A_1343, %get3A_1344] {strides = array<i32>} : memref<2x16x50x32xf32, #tpu.memory_space<vmem>>, vector<16xf32>,
        tpu.vector_store_idx %arg7[%broadcast_in_dim3A_1331, %add3A_31, %rem3A_28, %broadcast_in_dim3A_1330], %get3A_1345 : memref<50x4x8x17xf32, #tpu.memory_space<vmem>>[vector<16xi32>, vector<16xi32>, vector<16xi32>, vector<16xi32>], vector<16xf32>,
        %broadcast_in_dim3A_1346 = arith.constant 14 : i32
        %broadcast_in_dim3A_1347 = vector.broadcast %broadcast_in_dim3A_1346 : i32 to vector<16xi32>
        %broadcast_in_dim3A_1348 = vector.broadcast %scan3A_1109 : i32 to vector<16xi32>
        %get3A_1349 = arith.constant 1 : i32
        %get3A_1350 = arith.constant 14 : i32
        %get3A_1351 = arith.index_cast %get3A_1349 : i32 to index
        %get3A_1352 = arith.index_cast %get3A_1350 : i32 to index
        %get3A_1353 = arith.index_cast %scan3A_1109 : i32 to index
        %get3A_1354 = arith.constant 0 : index
        %get3A_1355 = tpu.vector_load %arg6[%get3A_1351, %get3A_1352, %get3A_1353, %get3A_1354] {strides = array<i32>} : memref<2x16x50x32xf32, #tpu.memory_space<vmem>>, vector<16xf32>,
        tpu.vector_store_idx %arg7[%broadcast_in_dim3A_1348, %select_n3A, %rem3A_28, %broadcast_in_dim3A_1347], %get3A_1355 : memref<50x4x8x17xf32, #tpu.memory_space<vmem>>[vector<16xi32>, vector<16xi32>, vector<16xi32>, vector<16xi32>], vector<16xf32>,
        %get3A_1356 = arith.constant 1 : i32
        %get3A_1357 = arith.constant 14 : i32
        %get3A_1358 = arith.index_cast %get3A_1356 : i32 to index
        %get3A_1359 = arith.index_cast %get3A_1357 : i32 to index
        %get3A_1360 = arith.index_cast %scan3A_1109 : i32 to index
        %get3A_1361 = arith.constant 16 : index
        %get3A_1362 = tpu.vector_load %arg6[%get3A_1358, %get3A_1359, %get3A_1360, %get3A_1361] {strides = array<i32>} : memref<2x16x50x32xf32, #tpu.memory_space<vmem>>, vector<16xf32>,
        tpu.vector_store_idx %arg7[%broadcast_in_dim3A_1348, %add3A_31, %rem3A_28, %broadcast_in_dim3A_1347], %get3A_1362 : memref<50x4x8x17xf32, #tpu.memory_space<vmem>>[vector<16xi32>, vector<16xi32>, vector<16xi32>, vector<16xi32>], vector<16xf32>,
        %broadcast_in_dim3A_1363 = arith.constant 15 : i32
        %broadcast_in_dim3A_1364 = vector.broadcast %broadcast_in_dim3A_1363 : i32 to vector<16xi32>
        %broadcast_in_dim3A_1365 = vector.broadcast %scan3A_1109 : i32 to vector<16xi32>
        %get3A_1366 = arith.constant 1 : i32
        %get3A_1367 = arith.constant 15 : i32
        %get3A_1368 = arith.index_cast %get3A_1366 : i32 to index
        %get3A_1369 = arith.index_cast %get3A_1367 : i32 to index
        %get3A_1370 = arith.index_cast %scan3A_1109 : i32 to index
        %get3A_1371 = arith.constant 0 : index
        %get3A_1372 = tpu.vector_load %arg6[%get3A_1368, %get3A_1369, %get3A_1370, %get3A_1371] {strides = array<i32>} : memref<2x16x50x32xf32, #tpu.memory_space<vmem>>, vector<16xf32>,
        tpu.vector_store_idx %arg7[%broadcast_in_dim3A_1365, %select_n3A, %rem3A_28, %broadcast_in_dim3A_1364], %get3A_1372 : memref<50x4x8x17xf32, #tpu.memory_space<vmem>>[vector<16xi32>, vector<16xi32>, vector<16xi32>, vector<16xi32>], vector<16xf32>,
        %get3A_1373 = arith.constant 1 : i32
        %get3A_1374 = arith.constant 15 : i32
        %get3A_1375 = arith.index_cast %get3A_1373 : i32 to index
        %get3A_1376 = arith.index_cast %get3A_1374 : i32 to index
        %get3A_1377 = arith.index_cast %scan3A_1109 : i32 to index
        %get3A_1378 = arith.constant 16 : index
        %get3A_1379 = tpu.vector_load %arg6[%get3A_1375, %get3A_1376, %get3A_1377, %get3A_1378] {strides = array<i32>} : memref<2x16x50x32xf32, #tpu.memory_space<vmem>>, vector<16xf32>,
        tpu.vector_store_idx %arg7[%broadcast_in_dim3A_1365, %add3A_31, %rem3A_28, %broadcast_in_dim3A_1364], %get3A_1379 : memref<50x4x8x17xf32, #tpu.memory_space<vmem>>[vector<16xi32>, vector<16xi32>, vector<16xi32>, vector<16xi32>], vector<16xf32>,
      }
      %scan3A_1045 = arith.constant 50 : i32
      %mul3A_1046 = arith.constant 16 : i32
      %mul3A_1047 = arith.muli %add3A_270, %mul3A_1046 : i32
      %add3A_1048 = arith.addi %mul3A_2, %mul3A_1047 : i32
      %jit3A_1049 = arith.constant 128 : i32
      %div3A_1050 = arith.divsi %add3A_1048, %jit3A_1049 : i32
      %sign3A_1051 = arith.constant 0 : i32
      %sign3A_1052 = arith.cmpi sgt, %add3A_1048, %sign3A_1051 : i32
      %sign3A_1053 = arith.extui %sign3A_1052 : i1 to i32
      %sign3A_1054 = arith.constant 0 : i32
      %sign3A_1055 = arith.cmpi slt, %add3A_1048, %sign3A_1054 : i32
      %sign3A_1056 = arith.extui %sign3A_1055 : i1 to i32
      %sign3A_1057 = arith.subi %sign3A_1053, %sign3A_1056 : i32
      %sign3A_1058 = arith.constant 0 : i32
      %sign3A_1059 = arith.cmpi sgt, %jit3A_1049, %sign3A_1058 : i32
      %sign3A_1060 = arith.extui %sign3A_1059 : i1 to i32
      %sign3A_1061 = arith.constant 0 : i32
      %sign3A_1062 = arith.cmpi slt, %jit3A_1049, %sign3A_1061 : i32
      %sign3A_1063 = arith.extui %sign3A_1062 : i1 to i32
      %sign3A_1064 = arith.subi %sign3A_1060, %sign3A_1063 : i32
      %ne3A_1065 = arith.cmpi ne, %sign3A_1057, %sign3A_1064 : i32
      %rem3A_1066 = arith.remsi %add3A_1048, %jit3A_1049 : i32
      %ne3A_1067 = arith.constant 0 : i32
      %ne3A_1068 = arith.cmpi ne, %rem3A_1066, %ne3A_1067 : i32
      %and3A_1069 = arith.andi %ne3A_1065, %ne3A_1068 : i1
      %sub3A_1070 = arith.constant 1 : i32
      %sub3A_1071 = arith.subi %div3A_1050, %sub3A_1070 : i32
      %select_n3A_1072 = arith.select %and3A_1069, %sub3A_1071, %div3A_1050 : i32
      %jit3A_1073 = arith.constant 128 : i32
      %eq3A_1074 = arith.constant 0 : i32
      %eq3A_1075 = arith.cmpi eq, %jit3A_1073, %eq3A_1074 : i32
      %jit3A_1076 = arith.constant 1 : i32
      %select_n3A_1077 = arith.select %eq3A_1075, %jit3A_1076, %jit3A_1073 : i32
      %rem3A_1078 = arith.remsi %add3A_1048, %select_n3A_1077 : i32
      %ne3A_1079 = arith.constant 0 : i32
      %ne3A_1080 = arith.cmpi ne, %rem3A_1078, %ne3A_1079 : i32
      %lt3A_1081 = arith.constant 0 : i32
      %lt3A_1082 = arith.cmpi slt, %rem3A_1078, %lt3A_1081 : i32
      %lt3A_1083 = arith.constant 0 : i32
      %lt3A_1084 = arith.cmpi slt, %select_n3A_1077, %lt3A_1083 : i32
      %ne3A_1085 = arith.xori %lt3A_1082, %lt3A_1084 : i1
      %and3A_1086 = arith.andi %ne3A_1085, %ne3A_1080 : i1
      %add3A_1087 = arith.addi %rem3A_1078, %select_n3A_1077 : i32
      %select_n3A_1088 = arith.select %and3A_1086, %add3A_1087, %rem3A_1078 : i32
      %dma_start3A_1089 = arith.constant 0 : i32
      %dma_start3A_1090 = arith.constant 0 : i32
      %dma_start3A_1091 = arith.constant 0 : i32
      %dma_start3A_1092 = arith.constant 0 : i32
      %dma_start3A_1093 = tpu.memref_slice %arg7[%dma_start3A_1089, %dma_start3A_1090, %dma_start3A_1091, %dma_start3A_1092] : memref<50x4x8x17xf32, #tpu.memory_space<vmem>> -> memref<50x4x8x16xf32, #tpu.memory_space<vmem>>
      %dma_start3A_1094 = arith.constant 0 : i32
      %dma_start3A_1095 = arith.constant 0 : i32
      %dma_start3A_1096 = arith.constant 0 : i32
      %dma_start3A_1097 = tpu.memref_slice %arg4[%dma_start3A_1094, %dma_start3A_1095, %select_n3A_1072, %dma_start3A_1096, %select_n3A_1088] : memref<50x4x128x8x128xf32, #tpu.memory_space<hbm>> -> memref<50x4x1x8x16xf32, #tpu.memory_space<hbm>>
      %dma_start3A_1098 = tpu.memref_squeeze %dma_start3A_1097 : memref<50x4x1x8x16xf32, #tpu.memory_space<hbm>> -> memref<50x4x8x16xf32, #tpu.memory_space<hbm>>
      %dma_start3A_1099 = arith.constant 0 : i32
      %dma_start3A_1100 = arith.constant 0 : i32
      %dma_start3A_1101 = arith.constant 0 : i32
      %dma_start3A_1102 = tpu.memref_slice %arg4[%dma_start3A_1099, %dma_start3A_1100, %select_n3A_1072, %dma_start3A_1101, %select_n3A_1088] : memref<50x4x128x8x128xf32, #tpu.memory_space<hbm>> -> memref<50x4x1x8x16xf32, #tpu.memory_space<hbm>>
      %dma_start3A_1103 = tpu.memref_squeeze %dma_start3A_1102 : memref<50x4x1x8x16xf32, #tpu.memory_space<hbm>> -> memref<50x4x8x16xf32, #tpu.memory_space<hbm>>
      %dma_start3A_1104 = arith.constant 0 : i32
      %dma_start3A_1105 = arith.constant 0 : i32
      %dma_start3A_1106 = arith.constant 0 : i32
      %dma_start3A_1107 = arith.constant 0 : i32
      %dma_start3A_1108 = tpu.memref_slice %arg7[%dma_start3A_1104, %dma_start3A_1105, %dma_start3A_1106, %dma_start3A_1107] : memref<50x4x8x17xf32, #tpu.memory_space<vmem>> -> memref<50x4x8x16xf32, #tpu.memory_space<vmem>>
      tpu.enqueue_dma source(%dma_start3A_1108 : memref<50x4x8x16xf32, #tpu.memory_space<vmem>>) target(%dma_start3A_1103 : memref<50x4x8x16xf32, #tpu.memory_space<hbm>>) target_semaphore(%arg10 : memref<!tpu.dma_semaphore, #tpu.memory_space<semaphore_mem>>)
    }
    %scan3A_243 = arith.constant 16 : i32
    %dma_wait3A = arith.constant 0 : i32
    %dma_wait3A_244 = arith.constant 0 : i32
    %dma_wait3A_245 = arith.constant 0 : i32
    %dma_wait3A_246 = arith.constant 0 : i32
    %dma_wait3A_247 = arith.constant 0 : i32
    %dma_wait3A_248 = tpu.memref_slice %arg7[%dma_wait3A_244, %dma_wait3A_245, %dma_wait3A_246, %dma_wait3A_247] : memref<50x4x8x17xf32, #tpu.memory_space<vmem>> -> memref<50x4x8x16xf32, #tpu.memory_space<vmem>>
    %dma_wait3A_249 = arith.constant 0 : i32
    %dma_wait3A_250 = arith.constant 0 : i32
    %dma_wait3A_251 = arith.constant 0 : i32
    %dma_wait3A_252 = arith.constant 0 : i32
    %dma_wait3A_253 = tpu.memref_slice %arg4[%dma_wait3A_249, %dma_wait3A_250, %dma_wait3A, %dma_wait3A_251, %dma_wait3A_252] : memref<50x4x128x8x128xf32, #tpu.memory_space<hbm>> -> memref<50x4x1x8x16xf32, #tpu.memory_space<hbm>>
    %dma_wait3A_254 = tpu.memref_squeeze %dma_wait3A_253 : memref<50x4x1x8x16xf32, #tpu.memory_space<hbm>> -> memref<50x4x8x16xf32, #tpu.memory_space<hbm>>
    %dma_wait3A_255 = arith.constant 0 : i32
    %dma_wait3A_256 = arith.constant 0 : i32
    %dma_wait3A_257 = arith.constant 0 : i32
    %dma_wait3A_258 = arith.constant 0 : i32
    %dma_wait3A_259 = tpu.memref_slice %arg4[%dma_wait3A_255, %dma_wait3A_256, %dma_wait3A, %dma_wait3A_257, %dma_wait3A_258] : memref<50x4x128x8x128xf32, #tpu.memory_space<hbm>> -> memref<50x4x1x8x16xf32, #tpu.memory_space<hbm>>
    %dma_wait3A_260 = tpu.memref_squeeze %dma_wait3A_259 : memref<50x4x1x8x16xf32, #tpu.memory_space<hbm>> -> memref<50x4x8x16xf32, #tpu.memory_space<hbm>>
    %dma_wait3A_261 = arith.constant 0 : i32
    %dma_wait3A_262 = arith.constant 0 : i32
    %dma_wait3A_263 = arith.constant 0 : i32
    %dma_wait3A_264 = arith.constant 0 : i32
    %dma_wait3A_265 = tpu.memref_slice %arg7[%dma_wait3A_261, %dma_wait3A_262, %dma_wait3A_263, %dma_wait3A_264] : memref<50x4x8x17xf32, #tpu.memory_space<vmem>> -> memref<50x4x8x16xf32, #tpu.memory_space<vmem>>
    tpu.wait_dma2 semaphore(%arg10 : memref<!tpu.dma_semaphore, #tpu.memory_space<semaphore_mem>>) src(%dma_wait3A_265 : memref<50x4x8x16xf32, #tpu.memory_space<vmem>>) dst(%dma_wait3A_260 : memref<50x4x8x16xf32, #tpu.memory_space<hbm>>)
    return
  }
}

</mosaic_0001>

<sc_bundles>
// kernel: kernel.3.cloned.1.call-start
scs
__scs_entry_jumppad:
0x0: {  	(pc) =	sbr.rel $0x88, $3  }
0x1: {  	(tag) =	ssettag $0x0;
	lr =	simm.s32 $0x1  }
0x2: {  	[smem:$0x3F9F] =	sst lr;
	_ =	strace $0xD0000000  }
0x3: {  	_ = 	snop  }
0x4: {  	_ = 	snop  }
0x5: {  	_ = 	snop  }
0x6: {  	_ = 	snop  }
0x7: {  	_ = 	snop  }
__scs_overlays_trampoline_lowered:
0x8: {  	[smem:$0x3FAE] =	sst s0  }
0x9: {  	[smem:$0x3FAF] =	sst s1  }
0xa: {  	[smem:$0x3FB0] =	sst s2  }
0xb: {  	[smem:$0x3FB1] =	sst s3  }
0xc: {  	[smem:$0x3FB2] =	sst s4  }
0xd: {  	[smem:$0x3FB3] =	sst s5  }
0xe: {  	[smem:$0x3FB4] =	sst s6  }
0xf: {  	[smem:$0x3FB5] =	sst s7  }
0x10: {  	[smem:$0x3FB6] =	sst s8  }
0x11: {  	[smem:$0x3FB7] =	sst s9;
	s0 =	simm.s32 @!p0 $0x0  }
0x12: {  	s1 =	sld [smem:$0x3F9D];
	s0 =	simm.s32 @p0 $0x1  }
0x13: {  	[smem:$0x3FB8] =	sst s0;
	s0 =	simm.s32 @!p1 $0x0  }
0x14: {  	s2 =	sld [smem:$0x3F9C];
	s0 =	simm.s32 @p1 $0x1  }
0x15: {  	[smem:$0x3FB9] =	sst s0;
	s0 =	simm.s32 @!p2 $0x0  }
0x16: {  	s3 =	sld [smem:$0x3FDB];
	s0 =	simm.s32 @p2 $0x1  }
0x17: {  	s4 =	simm.s32 $0x1BF5;
	[smem:$0x3FBB] =	sst s0  }
0x18: {  	s0 =	sld [smem:$0x3F9E];
	_ =	swait.ge [sflag:s4], $0x0  }
0x19: {  	s7 =	sld [smem:$0x3F9F]  }
0x1a: {  	s8 =	sadd.s32 $0xFFFFE003, lr  }
0x1b: {  	s9 =	sadd.s32 $0xFFFFFEF7, lr;
	s5 =	simm.s32 $0xFFFFFFFF;
	p2 =	slt.u32 s8, $0xFFFFF086  }
0x1c: {  	p1 =	slt.u32 s9, $0xF7A;
	s5 =	simm.s32 @!p2 $0x0  }
0x1d: {  	s5 =	simm.s32 @p1 $0x1;
	p0 =	seq.s32 s7, s2  }
0x1e: {  	s7 =	smul.u32 @!p0 $0xF7A, s2;
	p2 =	seq.s32 @!p0 s5, $0x0  }
0x1f: {  	s9 =	smul.u32 $0xF7A, s1;
	s8 =	simm.s32 @!p0 $0x1BF5;
	p2 =	por !p2, p0  }
0x20: {  	[sflag:s8] =	ssyncset.s32 @!p0 $0xFFFFF086;
	s6 =	sadd.s32 @!p0 s3, s7;
	s7 =	simm.s32 @!p0 $0x108  }
0x21: {  	s3 =	sadd.s32 s3, s9;
	s6 =	sadd.s32 @!p0 $0x88, s6;
	s7 =	simm.s32 @p2 $0x1082  }
0x22: {  	[simem:s7], [sflag:s8] =	dma.local @!p0 [hbm:s6], $0xF7A  }
0x23: {  	s9 =	sor.u32 $0xD0000000, s2;
	s6 =	simm.s32 $0x108;
	_ =	swait.ge @!p0 [sflag:s8], $0x0  }
0x24: {  	s3 =	sadd.s32 $0x88, s3;
	s6 =	simm.s32 @!p1 $0x1082;
	[sflag:s4] =	ssyncset.s32 $0xFFFFF086  }
0x25: {  	[simem:s6], [sflag:s4] =	dma.local [hbm:s3], $0xF7A  }
0x26: {  	[smem:$0x3F9F] =	sst s1;
	(tag) =	ssettag s2;
	_ =	strace s9  }
0x27: {  	s1 =	sld [smem:$0x3FAF]  }
0x28: {  	s2 =	sld [smem:$0x3FB0]  }
0x29: {  	s4 =	sld [smem:$0x3FB2]  }
0x2a: {  	p0 =	seq.s32 s5, $0x0;
	s5 =	sld [smem:$0x3FB3]  }
0x2b: {  	s6 =	sld [smem:$0x3FB4]  }
0x2c: {  	s7 =	sld [smem:$0x3FB5]  }
0x2d: {  	s3 =	simm.s32 $0x108;
	s8 =	sld [smem:$0x3FB6]  }
0x2e: {  	s3 =	simm.s32 @!p0 $0x1082;
	s9 =	sld [smem:$0x3FB7]  }
0x2f: {  	lr =	sadd.s32 s0, s3;
	s0 =	sld [smem:$0x3FAE]  }
0x30: {  	s3 =	sld [smem:$0x3FB1]  }
0x31: {  	[smem:$0x3FBA] =	sst s10  }
0x32: {  	s10 =	sld [smem:$0x3FB8];
	_ =	sdelay $0x3  }
0x33: {  	p0 =	seq.s32 s10, $0x1;
	s10 =	sld [smem:$0x3FBA];
	_ =	sdelay $0x3  }
0x34: {  	[smem:$0x3FBA] =	sst s10  }
0x35: {  	s10 =	sld [smem:$0x3FB9];
	_ =	sdelay $0x3  }
0x36: {  	p1 =	seq.s32 s10, $0x1;
	s10 =	sld [smem:$0x3FBA];
	_ =	sdelay $0x3  }
0x37: {  	[smem:$0x3FBA] =	sst s10  }
0x38: {  	s10 =	sld [smem:$0x3FBB]  }
0x39: {  	_ = 	snop;
	(pc) =	sbr.ind lr, $3  }
0x3a: {  	_ = 	snop  }
0x3b: {  	_ = 	snop  }
0x3c: {  	p2 =	seq.s32 s10, $0x1;
	s10 =	sld [smem:$0x3FBA]  }
0x3d: {  	_ =	shalt  }
0x3e: {  	_ =	shalt  }
0x3f: {  	_ =	shalt  }
0x40: {  	_ =	shalt  }
0x41: {  	_ =	shalt  }
0x42: {  	_ =	shalt  }
0x43: {  	_ =	shalt  }
0x44: {  	_ =	shalt  }
0x45: {  	_ =	shalt  }
0x46: {  	_ =	shalt  }
0x47: {  	_ =	shalt  }
0x48: {  	_ =	shalt  }
0x49: {  	_ =	shalt  }
0x4a: {  	_ =	shalt  }
0x4b: {  	_ =	shalt  }
0x4c: {  	_ =	shalt  }
0x4d: {  	_ =	shalt  }
0x4e: {  	_ =	shalt  }
0x4f: {  	_ =	shalt  }
0x50: {  	_ =	shalt  }
0x51: {  	_ =	shalt  }
0x52: {  	_ =	shalt  }
0x53: {  	_ =	shalt  }
0x54: {  	_ =	shalt  }
0x55: {  	_ =	shalt  }
0x56: {  	_ =	shalt  }
0x57: {  	_ =	shalt  }
0x58: {  	_ =	shalt  }
0x59: {  	_ =	shalt  }
0x5a: {  	_ =	shalt  }
0x5b: {  	_ =	shalt  }
0x5c: {  	_ =	shalt  }
0x5d: {  	_ =	shalt  }
0x5e: {  	_ =	shalt  }
0x5f: {  	_ =	shalt  }
0x60: {  	_ =	shalt  }
0x61: {  	_ =	shalt  }
0x62: {  	_ =	shalt  }
0x63: {  	_ =	shalt  }
0x64: {  	_ =	shalt  }
0x65: {  	_ =	shalt  }
0x66: {  	_ =	shalt  }
0x67: {  	_ =	shalt  }
0x68: {  	_ =	shalt  }
0x69: {  	_ =	shalt  }
0x6a: {  	_ =	shalt  }
0x6b: {  	_ =	shalt  }
0x6c: {  	_ =	shalt  }
0x6d: {  	_ =	shalt  }
0x6e: {  	_ =	shalt  }
0x6f: {  	_ =	shalt  }
0x70: {  	_ =	shalt  }
0x71: {  	_ =	shalt  }
0x72: {  	_ =	shalt  }
0x73: {  	_ =	shalt  }
0x74: {  	_ =	shalt  }
0x75: {  	_ =	shalt  }
0x76: {  	_ =	shalt  }
0x77: {  	_ =	shalt  }
0x78: {  	_ =	shalt  }
0x79: {  	_ =	shalt  }
0x7a: {  	_ =	shalt  }
0x7b: {  	_ =	shalt  }
0x7c: {  	_ =	shalt  }
0x7d: {  	_ =	shalt  }
0x7e: {  	_ =	shalt  }
0x7f: {  	_ =	shalt  }
0x80: {  	_ =	shalt  }
0x81: {  	_ =	shalt  }
0x82: {  	_ =	shalt  }
0x83: {  	_ =	shalt  }
0x84: {  	_ =	shalt  }
0x85: {  	_ =	shalt  }
0x86: {  	_ =	shalt  }
0x87: {  	_ =	shalt  }
.Lfunc_end0:
.L_simem_size_0:
called_computation_lowered:
.L_overlay_start_0:
0x88: {  	s2 =	sld [smem:$0x3FD9]  }
0x89: {  	s3 =	sld [smem:$0x3FFE];
	_ =	sdelay $0x1  }
0x8a: {  	s1 =	srdreg.scid  }
0x8b: {  	s0 =	sand.u32 $0x1, s1  }
0x8c: {  	s17 =	sshll.u32 s0, $0xA;
	s2 =	sadd.s32 s3, s2  }
0x8d: {  	s2 =	sadd.s32 s2, s17  }
0x8e: {  	[smem:$0x3FC6] =	sst s2  }
0x8f: {  	_ = 	snop  }
0x90: {  	s2 =	sld [smem:$0x3FD0];
	(tm) =	ssettm $0x1  }
0x91: {  	s18 =	sld [smem:$0x3FFB];
	_ =	sdelay $0x3  }
0x92: {  	_ =	strace s18  }
0x93: {  	s3 =	sld [smem:$0x3FFC];
	_ =	sdelay $0x3  }
0x94: {  	_ =	strace s3  }
0x95: {  	s3 =	sld [smem:$0x3FFD];
	_ =	sdelay $0x3  }
0x96: {  	_ =	strace s3  }
0x97: {  	_ =	strace $0x8FFFFFFF  }
0x98: {  	s19 =	sld [smem:$0x3FDB];
	_ =	sdelay $0x1  }
0x99: {  	s4 =	simm.s32 $_scs_section_size  }
0x9a: {  	s5 =	simm.s32 $_size__tile_overlayer_lowered;
	s6 =	simm.s32 $_tile_overlayer_lowered  }
0x9b: {  	s22 =	simm.s32 $0x1BFF;
	s21 =	sshll.u32 s6, $0x1;
	s3 =	sadd.s32 s4, s19  }
0x9c: {  	s7 =	simm.s32 $0x0;
	s20 =	sshll.u32 s5, $0x1;
	s5 =	sadd.s32 s21, s3  }
0x9d: {  	[timem:s7], [sflag:s22] =	dma.local [hbm:s5], s20  }
0x9e: {  	_ =	swait.ge [sflag:s22], s20  }
0x9f: {  	s4 =	ssub.s32 $0x0, s20;
	[sflag:s22] =	ssyncset.done $0x0  }
0xa0: {  	[sflag:s22] =	ssyncadd.s32 s4;
	_ =	sdelay $0x1  }
0xa1: {  	s23 =	simm.s32 $0x1B8B  }
0xa2: {  	_ =	swait.ge [sflag:s23], $0x1  }
0xa3: {  	[sflag:s23] =	ssyncset.done $0x0  }
0xa4: {  	s25 =	simm.s32 $0x1B8E;
	s24 =	sld [smem:$0x3FFE];
	[sflag:s23] =	ssyncadd.s32 $0xFFFFFFFF  }
0xa5: {  	s26 =	simm.s32 $execute0_lowered;
	[smem:$0x3FD2] =	sst s25  }
0xa6: {  	s5 =	sshll.u32 s26, $0x1;
	_ =	strace $0x80000046;
	[dreg:$0x1] =	wrdreg $0xFFFFFFFF  }
0xa7: {  	s28 =	simm.s32 $_size_execute0_lowered;
	s3 =	sadd.s32 s3, s5;
	[dreg:$0x0] =	wrdreg $0x0  }
0xa8: {  	s5 =	sshll.u32 s28, $0x1;
	[dreg:$0x2] =	wrdreg s3  }
0xa9: {  	[dreg:$0x3] =	wrdreg s5  }
0xaa: {  	[dreg:$0x4] =	wrdreg $0xC0  }
0xab: {  	_ =	task [dreg:s7], $0x5FFFF  }
0xac: {  	[dreg:$0x1] =	wrdreg $0xFFFFFFFF  }
0xad: {  	[dreg:$0x0] =	wrdreg $0x60  }
0xae: {  	[dreg:$0x2] =	wrdreg s24  }
0xaf: {  	[dreg:$0x3] =	wrdreg s2  }
0xb0: {  	[dreg:$0x4] =	wrdreg $0x9  }
0xb1: {  	_ =	task.clear_ibuf [dreg:s7], $0x5FFFF;
	_ =	strace $0x90000046  }
0xb2: {  	s29 =	simm.s32 $0x9;
	_ =	strace $0x80000048  }
0xb3: {  	_ =	swait.ge [sflag:s29], $0x1  }
0xb4: {  	[sflag:s29] =	ssyncadd.s32 $0xFFFFFFFF  }
0xb5: {  	_ =	strace $0x90000048  }
0xb6: {  	_ =	sfence  }
0xb7: {  	s30 =	sld [smem:$0x0];
	_ =	sdelay $0x2  }
0xb8: {  	s31 =	sshll.u32 s1, $0xD;
	s1 =	sshrl.u32 s1, $0x2  }
0xb9: {  	s3 =	sand.u32 $0x4000, s31;
	s1 =	sadd.s32 s1, s30  }
0xba: {  	s0 =	sor.u32 s3, s0;
	s1 =	sshll.u32 s1, $0x11  }
0xbb: {  	s0 =	sor.u32 s1, s0  }
0xbc: {  	s0 =	sadd.s32 $0x8F2B, s0  }
0xbd: {  	[sflag:s0] =	ssyncadd.remote.s32 $0x1  }
0xbe: {  	_ =	sfence.sel $0xFFFF  }
0xbf: {  	[dreg:$0x0] =	wrdreg $0xFFFFFFFF;
	(pc) =	sbr.abs _section_cstart, $3  }
0xc0: {  	[dreg:$0x1] =	wrdreg $0xFFFFFFFF  }
0xc1: {  	_ =	task.clear_ibuf [dreg:s7], $0x2FFFF;
	_ =	strace $0x9FFFFFFF  }
0xc2: {  	(tm) =	ssettm $0x7FFFFFFF  }
0xc3: {  	_ =	shalt  }
tec
execute0_lowered:
.L_overlay_start_1:
0x0: {  	(tag) =	ssettag $0x1  }
0x1: {  	s0 =	srdreg.scid;
	v0 =	vlaneseq.u32  }
0x2: {  	s1 =	rddreg [dreg:$0x0];
	s3 =	stileid.u32;
	v0 =	vmul.u32 $0x18, v0  }
0x3: {  	s2 =	rddreg [dreg:$0x1];
	s9 =	simm.s32 $0x32;
	s22 =	simm.s32 $0xED00  }
0x4: {  	s23 =	simm.s32 $0xF340;
	s24 =	simm.s32 $0xF980;
	s25 =	simm.s32 $0xFFC0;
	v1 =	vadd.s32 $0x180, v0  }
0x5: {  	s28 =	simm.s32 $0x10C40;
	s29 =	simm.s32 $0x11280;
	s30 =	simm.s32 $0x118C0;
	v2 =	vor.u32 $0x1, v0;
	v3 =	vadd.s32 $0x181, v0;
	v4 =	vor.u32 $0x2, v0  }
0x6: {  	s31 =	simm.s32 $0x11F00;
	s10 =	simm.s32 $0x131C0;
	s11 =	simm.s32 $0x1;
	v5 =	vadd.s32 $0x182, v0;
	v6 =	vor.u32 $0x3, v0;
	v7 =	vadd.s32 $0x183, v0  }
0x7: {  	s12 =	simm.s32 $0x13800;
	s13 =	simm.s32 $0x2;
	s0 =	sand.u32 $0x1, s0;
	v8 =	vor.u32 $0x4, v0;
	v9 =	vadd.s32 $0x184, v0;
	v10 =	vor.u32 $0x5, v0  }
0x8: {  	s3 =	sshll.u32 s3, $0xA;
	s4 =	sshll.u32 s0, $0x9;
	s0 =	ssub.s32 $0x2, s0;
	v11 =	vadd.s32 $0x185, v0;
	v12 =	vor.u32 $0x6, v0;
	v13 =	vadd.s32 $0x186, v0  }
0x9: {  	s3 =	sor.u32 s4, s3;
	s4 =	simm.s32 $0x0;
	s6 =	sshrl.u32 s0, $0x1;
	v14 =	vor.u32 $0x7, v0;
	v15 =	vadd.s32 $0x187, v0;
	v16 =	vadd.s32 $0x8, v0  }
0xa: {  	v17 =	vadd.s32 $0x188, v0;
	v18 =	vadd.s32 $0x9, v0;
	v19 =	vadd.s32 $0x189, v0;
	s5 =	smul.u32 $0x7, s3;
	[smem:$0x7FF] =	sst s4;
	s0 =	ssub.s32 s0, s6  }
0xb: {  	s14 =	simm.s32 $0x3;
	v20 =	vadd.s32 $0xA, v0;
	v21 =	vadd.s32 $0x18A, v0;
	v22 =	vadd.s32 $0xB, v0;
	_ =	strace $0x80000047;
	s0 =	smax.u32 s0, $0x1  }
0xc: {  	v23 =	vadd.s32 $0x18B, v0;
	v24 =	vadd.s32 $0xC, v0;
	v25 =	vadd.s32 $0x18C, v0;
	s7 =	sadd.s32 s5, s1;
	s5 =	sadd.s32 $0xF42A00, s1;
	[dreg:$0x4] =	wrdreg s0  }
0xd: {  	v26 =	vadd.s32 $0xD, v0;
	v27 =	vadd.s32 $0x18D, v0;
	v28 =	vadd.s32 $0xE, v0;
	s1 =	simm.s32 $0x12540;
	s0 =	simm.s32 $0x12B80;
	s26 =	sadd.s32 $0x600, s7  }
0xe: {  	v29 =	vadd.s32 $0x18E, v0;
	v30 =	vadd.s32 $0xF, v0;
	v31 =	vadd.s32 $0x18F, v0;
	s7 =	simm.s32 $0x0;
	[dreg:$0x3] =	wrdreg s26;
	s26 =	simm.s32 $0x10600  }
.LBB2_1:
0xf: {  	[dreg:$0x5] =	wrdreg s7  }
0x10: {  	s6 =	rddreg [dreg:$0x3];
	s8 =	simm.s32 $0x4  }
0x11: {  	[tilespmem:s4], [sflag:$0x4] =	stream.linear.gather [hbm4b:s6+s4], $0x7000, $0x38;
	[tilespmem:$0x1CE00] =	vst v63  }
0x12: {  	_ =	swait.ge [sflag:s8], $0x7000  }
0x13: {  	[sflag:s8] =	ssyncset.done $0x0  }
0x14: {  	s15 =	simm.s32 $0x7000;
	[sflag:s8] =	ssyncadd.s32 $0xFFFF9000  }
0x15: {  	[tilespmem:s15], [sflag:$0x1] =	stream.indirect.gather [hbm4b:s5+s9], $0x20, s4, s9, $0xb8;
	[tilespmem:$0x1CE00] =	vst v63  }
0x16: {  	s16 =	simm.s32 $0x38;
	s17 =	simm.s32 $0x7640  }
0x17: {  	[tilespmem:s17], [sflag:$0x1] =	stream.indirect.gather [hbm4b:s5+s9], $0x20, s16, s9, $0xb8;
	[tilespmem:$0x1CE00] =	vst v63  }
0x18: {  	s18 =	simm.s32 $0x70;
	s19 =	simm.s32 $0x7C80  }
0x19: {  	[tilespmem:s19], [sflag:$0x1] =	stream.indirect.gather [hbm4b:s5+s9], $0x20, s18, s9, $0xb8;
	[tilespmem:$0x1CE00] =	vst v63  }
0x1a: {  	s20 =	simm.s32 $0xA8;
	s21 =	simm.s32 $0x82C0  }
0x1b: {  	[tilespmem:s21], [sflag:$0x1] =	stream.indirect.gather [hbm4b:s5+s9], $0x20, s20, s9, $0xb8;
	[tilespmem:$0x1CE00] =	vst v63  }
0x1c: {  	s8 =	simm.s32 $0xE0;
	s15 =	simm.s32 $0x8900  }
0x1d: {  	[tilespmem:s15], [sflag:$0x1] =	stream.indirect.gather [hbm4b:s5+s9], $0x20, s8, s9, $0xb8;
	[tilespmem:$0x1CE00] =	vst v63  }
0x1e: {  	s16 =	simm.s32 $0x118;
	s17 =	simm.s32 $0x8F40  }
0x1f: {  	[tilespmem:s17], [sflag:$0x1] =	stream.indirect.gather [hbm4b:s5+s9], $0x20, s16, s9, $0xb8;
	[tilespmem:$0x1CE00] =	vst v63  }
0x20: {  	s18 =	simm.s32 $0x150;
	s19 =	simm.s32 $0x9580  }
0x21: {  	[tilespmem:s19], [sflag:$0x1] =	stream.indirect.gather [hbm4b:s5+s9], $0x20, s18, s9, $0xb8;
	[tilespmem:$0x1CE00] =	vst v63  }
0x22: {  	s20 =	simm.s32 $0x188;
	s21 =	simm.s32 $0x9BC0  }
0x23: {  	[tilespmem:s21], [sflag:$0x1] =	stream.indirect.gather [hbm4b:s5+s9], $0x20, s20, s9, $0xb8;
	[tilespmem:$0x1CE00] =	vst v63  }
0x24: {  	s8 =	simm.s32 $0x1C0;
	s15 =	simm.s32 $0xA200  }
0x25: {  	[tilespmem:s15], [sflag:$0x1] =	stream.indirect.gather [hbm4b:s5+s9], $0x20, s8, s9, $0xb8;
	[tilespmem:$0x1CE00] =	vst v63  }
0x26: {  	s16 =	simm.s32 $0x1F8;
	s17 =	simm.s32 $0xA840  }
0x27: {  	[tilespmem:s17], [sflag:$0x1] =	stream.indirect.gather [hbm4b:s5+s9], $0x20, s16, s9, $0xb8;
	[tilespmem:$0x1CE00] =	vst v63  }
0x28: {  	s18 =	simm.s32 $0x230;
	s19 =	simm.s32 $0xAE80  }
0x29: {  	[tilespmem:s19], [sflag:$0x1] =	stream.indirect.gather [hbm4b:s5+s9], $0x20, s18, s9, $0xb8;
	[tilespmem:$0x1CE00] =	vst v63  }
0x2a: {  	s20 =	simm.s32 $0x268;
	s21 =	simm.s32 $0xB4C0  }
0x2b: {  	[tilespmem:s21], [sflag:$0x1] =	stream.indirect.gather [hbm4b:s5+s9], $0x20, s20, s9, $0xb8;
	[tilespmem:$0x1CE00] =	vst v63  }
0x2c: {  	s8 =	simm.s32 $0x2A0;
	s15 =	simm.s32 $0xBB00  }
0x2d: {  	[tilespmem:s15], [sflag:$0x1] =	stream.indirect.gather [hbm4b:s5+s9], $0x20, s8, s9, $0xb8;
	[tilespmem:$0x1CE00] =	vst v63  }
0x2e: {  	s16 =	simm.s32 $0x2D8;
	s17 =	simm.s32 $0xC140  }
0x2f: {  	[tilespmem:s17], [sflag:$0x1] =	stream.indirect.gather [hbm4b:s5+s9], $0x20, s16, s9, $0xb8;
	[tilespmem:$0x1CE00] =	vst v63  }
0x30: {  	s18 =	simm.s32 $0x310;
	s19 =	simm.s32 $0xC780  }
0x31: {  	[tilespmem:s19], [sflag:$0x1] =	stream.indirect.gather [hbm4b:s5+s9], $0x20, s18, s9, $0xb8;
	[tilespmem:$0x1CE00] =	vst v63  }
0x32: {  	s20 =	simm.s32 $0x348;
	s21 =	simm.s32 $0xCDC0;
	s16 =	simm.s32 $0x0  }
0x33: {  	[tilespmem:s21], [sflag:$0x1] =	stream.indirect.gather [hbm4b:s5+s9], $0x20, s20, s9, $0xb8;
	[tilespmem:$0x1CE00] =	vst v63  }
.LBB2_2:
0x34: {  	s8 =	sshll.u32 s16, $0x5  }
0x35: {  	s17 =	sor.u32 $0x10, s8  }
0x36: {  	s6 =	smul.u32 $0xE0, s17;
	_ =	sdelay $0x1  }
0x37: {  	s7 =	smul.u32 $0x1C00, s16;
	s15 =	simm.s32 $0xD400;
	s6 =	sshra.s32 s6, $0x2  }
0x38: {  	[tilespmem:s15], [sflag:$0x2] =	stream.indirect.gather [hbm4b:s5+s9], $0x20, s6, s9, $0xb8;
	[tilespmem:$0x1CE00] =	vst v63  }
0x39: {  	s6 =	sshra.s32 s7, $0x2  }
0x3a: {  	s19 =	simm.s32 $0xDA40;
	s7 =	sadd.s32 $0x3B8, s6  }
0x3b: {  	[tilespmem:s19], [sflag:$0x2] =	stream.indirect.gather [hbm4b:s5+s9], $0x20, s7, s9, $0xb8;
	[tilespmem:$0x1CE00] =	vst v63  }
0x3c: {  	s21 =	simm.s32 $0xE080;
	s20 =	sadd.s32 $0x3F0, s6  }
0x3d: {  	[tilespmem:s21], [sflag:$0x2] =	stream.indirect.gather [hbm4b:s5+s9], $0x20, s20, s9, $0xb8;
	[tilespmem:$0x1CE00] =	vst v63  }
0x3e: {  	s18 =	simm.s32 $0xE6C0;
	s15 =	sadd.s32 $0x428, s6  }
0x3f: {  	[tilespmem:s18], [sflag:$0x2] =	stream.indirect.gather [hbm4b:s5+s9], $0x20, s15, s9, $0xb8;
	[tilespmem:$0x1CE00] =	vst v63  }
0x40: {  	s19 =	sadd.s32 $0x460, s6  }
0x41: {  	[tilespmem:s22], [sflag:$0x2] =	stream.indirect.gather [hbm4b:s5+s9], $0x20, s19, s9, $0xb8;
	[tilespmem:$0x1CE00] =	vst v63  }
0x42: {  	s20 =	sadd.s32 $0x498, s6  }
0x43: {  	[tilespmem:s23], [sflag:$0x2] =	stream.indirect.gather [hbm4b:s5+s9], $0x20, s20, s9, $0xb8;
	[tilespmem:$0x1CE00] =	vst v63  }
0x44: {  	s21 =	sadd.s32 $0x4D0, s6  }
0x45: {  	[tilespmem:s24], [sflag:$0x2] =	stream.indirect.gather [hbm4b:s5+s9], $0x20, s21, s9, $0xb8;
	[tilespmem:$0x1CE00] =	vst v63  }
0x46: {  	s15 =	sadd.s32 $0x508, s6  }
0x47: {  	[tilespmem:s25], [sflag:$0x2] =	stream.indirect.gather [hbm4b:s5+s9], $0x20, s15, s9, $0xb8;
	[tilespmem:$0x1CE00] =	vst v63  }
0x48: {  	s18 =	sadd.s32 $0x540, s6  }
0x49: {  	[tilespmem:s26], [sflag:$0x2] =	stream.indirect.gather [hbm4b:s5+s9], $0x20, s18, s9, $0xb8;
	[tilespmem:$0x1CE00] =	vst v63  }
0x4a: {  	s19 =	sadd.s32 $0x578, s6  }
0x4b: {  	[tilespmem:s28], [sflag:$0x2] =	stream.indirect.gather [hbm4b:s5+s9], $0x20, s19, s9, $0xb8;
	[tilespmem:$0x1CE00] =	vst v63  }
0x4c: {  	s20 =	sadd.s32 $0x5B0, s6  }
0x4d: {  	[tilespmem:s29], [sflag:$0x2] =	stream.indirect.gather [hbm4b:s5+s9], $0x20, s20, s9, $0xb8;
	[tilespmem:$0x1CE00] =	vst v63  }
0x4e: {  	s21 =	sadd.s32 $0x5E8, s6  }
0x4f: {  	[tilespmem:s30], [sflag:$0x2] =	stream.indirect.gather [hbm4b:s5+s9], $0x20, s21, s9, $0xb8;
	[tilespmem:$0x1CE00] =	vst v63  }
0x50: {  	s15 =	sadd.s32 $0x620, s6  }
0x51: {  	[tilespmem:s31], [sflag:$0x2] =	stream.indirect.gather [hbm4b:s5+s9], $0x20, s15, s9, $0xb8;
	[tilespmem:$0x1CE00] =	vst v63  }
0x52: {  	s18 =	sadd.s32 $0x658, s6  }
0x53: {  	[tilespmem:s1], [sflag:$0x2] =	stream.indirect.gather [hbm4b:s5+s9], $0x20, s18, s9, $0xb8;
	[tilespmem:$0x1CE00] =	vst v63  }
0x54: {  	s19 =	sadd.s32 $0x690, s6  }
0x55: {  	[tilespmem:s0], [sflag:$0x2] =	stream.indirect.gather [hbm4b:s5+s9], $0x20, s19, s9, $0xb8;
	[tilespmem:$0x1CE00] =	vst v63  }
0x56: {  	s20 =	sadd.s32 $0x6C8, s6  }
0x57: {  	[tilespmem:s10], [sflag:$0x2] =	stream.indirect.gather [hbm4b:s5+s9], $0x20, s20, s9, $0xb8;
	[tilespmem:$0x1CE00] =	vst v63  }
0x58: {  	_ =	swait.ge [sflag:s11], $0x640  }
0x59: {  	[sflag:s11] =	ssyncset.done $0x0  }
0x5a: {  	[sflag:s11] =	ssyncadd.s32 $0xFFFFF9C0  }
0x5b: {  	_ =	swait.ge [sflag:s11], $0x640  }
0x5c: {  	[sflag:s11] =	ssyncset.done $0x0  }
0x5d: {  	[sflag:s11] =	ssyncadd.s32 $0xFFFFF9C0  }
0x5e: {  	_ =	swait.ge [sflag:s11], $0x640  }
0x5f: {  	[sflag:s11] =	ssyncset.done $0x0  }
0x60: {  	[sflag:s11] =	ssyncadd.s32 $0xFFFFF9C0  }
0x61: {  	_ =	swait.ge [sflag:s11], $0x640  }
0x62: {  	[sflag:s11] =	ssyncset.done $0x0  }
0x63: {  	[sflag:s11] =	ssyncadd.s32 $0xFFFFF9C0  }
0x64: {  	_ =	swait.ge [sflag:s11], $0x640  }
0x65: {  	[sflag:s11] =	ssyncset.done $0x0  }
0x66: {  	[sflag:s11] =	ssyncadd.s32 $0xFFFFF9C0  }
0x67: {  	_ =	swait.ge [sflag:s11], $0x640  }
0x68: {  	[sflag:s11] =	ssyncset.done $0x0  }
0x69: {  	[sflag:s11] =	ssyncadd.s32 $0xFFFFF9C0  }
0x6a: {  	_ =	swait.ge [sflag:s11], $0x640  }
0x6b: {  	[sflag:s11] =	ssyncset.done $0x0  }
0x6c: {  	[sflag:s11] =	ssyncadd.s32 $0xFFFFF9C0  }
0x6d: {  	_ =	swait.ge [sflag:s11], $0x640  }
0x6e: {  	[sflag:s11] =	ssyncset.done $0x0  }
0x6f: {  	[sflag:s11] =	ssyncadd.s32 $0xFFFFF9C0  }
0x70: {  	_ =	swait.ge [sflag:s11], $0x640  }
0x71: {  	[sflag:s11] =	ssyncset.done $0x0  }
0x72: {  	[sflag:s11] =	ssyncadd.s32 $0xFFFFF9C0  }
0x73: {  	_ =	swait.ge [sflag:s11], $0x640  }
0x74: {  	[sflag:s11] =	ssyncset.done $0x0  }
0x75: {  	[sflag:s11] =	ssyncadd.s32 $0xFFFFF9C0  }
0x76: {  	_ =	swait.ge [sflag:s11], $0x640  }
0x77: {  	[sflag:s11] =	ssyncset.done $0x0  }
0x78: {  	[sflag:s11] =	ssyncadd.s32 $0xFFFFF9C0  }
0x79: {  	_ =	swait.ge [sflag:s11], $0x640  }
0x7a: {  	[sflag:s11] =	ssyncset.done $0x0  }
0x7b: {  	[sflag:s11] =	ssyncadd.s32 $0xFFFFF9C0  }
0x7c: {  	_ =	swait.ge [sflag:s11], $0x640  }
0x7d: {  	[sflag:s11] =	ssyncset.done $0x0  }
0x7e: {  	[sflag:s11] =	ssyncadd.s32 $0xFFFFF9C0  }
0x7f: {  	_ =	swait.ge [sflag:s11], $0x640  }
0x80: {  	[sflag:s11] =	ssyncset.done $0x0  }
0x81: {  	[sflag:s11] =	ssyncadd.s32 $0xFFFFF9C0  }
0x82: {  	_ =	swait.ge [sflag:s11], $0x640  }
0x83: {  	[sflag:s11] =	ssyncset.done $0x0  }
0x84: {  	[sflag:s11] =	ssyncadd.s32 $0xFFFFF9C0  }
0x85: {  	s21 =	simm.s32 $0x0;
	_ =	swait.ge [sflag:s11], $0x640  }
0x86: {  	p0 =	seq.s32 s16, $0x0;
	v32 =	vmov s21;
	[sflag:s11] =	ssyncset.done $0x0  }
0x87: {  	s7 =	simm.s32 @!p0 $0x3;
	v32 =	vmul.u32 $0x300, v32;
	[sflag:s11] =	ssyncadd.s32 $0xFFFFF9C0  }
0x88: {  	_ =	swait.ge @!p0 [sflag:s7], $0x6400  }
0x89: {  	v32 =	vbroadcast v32, $0x0;
	[sflag:s7] =	ssyncset.done @!p0 $0x0  }
0x8a: {  	s18 =	simm.s32 $0x0;
	[sflag:s7] =	ssyncadd.s32 @!p0 $0xFFFF9C00  }
0x8b: {  	v34 =	vadd.s32 v0, v32;
	v33 =	vld [tilespmem:s18+$0x7000];
	_ =	sdelay $0x4  }
0x8c: {  	[tilespmem:v34+s12+$0x0] =	vst.idx.msk $0xffff, v33  }
0x8d: {  	v62 =	vadd.s32 v1, v32;
	v33 =	vld [tilespmem:s18+$0x7010];
	_ =	sdelay $0x4  }
0x8e: {  	[tilespmem:v62+s12+$0x0] =	vst.idx.msk $0xffff, v33  }
0x8f: {  	v63 =	vadd.s32 v2, v32;
	v33 =	vld [tilespmem:s18+$0x7640];
	_ =	sdelay $0x4  }
0x90: {  	[tilespmem:v63+s12+$0x0] =	vst.idx.msk $0xffff, v33  }
0x91: {  	v36 =	vadd.s32 v3, v32;
	v33 =	vld [tilespmem:s18+$0x7650];
	_ =	sdelay $0x4  }
0x92: {  	[tilespmem:v36+s12+$0x0] =	vst.idx.msk $0xffff, v33  }
0x93: {  	v37 =	vadd.s32 v4, v32;
	v33 =	vld [tilespmem:s18+$0x7C80];
	_ =	sdelay $0x4  }
0x94: {  	[tilespmem:v37+s12+$0x0] =	vst.idx.msk $0xffff, v33  }
0x95: {  	v38 =	vadd.s32 v5, v32;
	v33 =	vld [tilespmem:s18+$0x7C90];
	_ =	sdelay $0x4  }
0x96: {  	[tilespmem:v38+s12+$0x0] =	vst.idx.msk $0xffff, v33  }
0x97: {  	v39 =	vadd.s32 v6, v32;
	v33 =	vld [tilespmem:s18+$0x82C0];
	_ =	sdelay $0x4  }
0x98: {  	[tilespmem:v39+s12+$0x0] =	vst.idx.msk $0xffff, v33  }
0x99: {  	v40 =	vadd.s32 v7, v32;
	v33 =	vld [tilespmem:s18+$0x82D0];
	_ =	sdelay $0x4  }
0x9a: {  	[tilespmem:v40+s12+$0x0] =	vst.idx.msk $0xffff, v33  }
0x9b: {  	v41 =	vadd.s32 v8, v32;
	v33 =	vld [tilespmem:s18+$0x8900];
	_ =	sdelay $0x4  }
0x9c: {  	[tilespmem:v41+s12+$0x0] =	vst.idx.msk $0xffff, v33  }
0x9d: {  	v42 =	vadd.s32 v9, v32;
	v33 =	vld [tilespmem:s18+$0x8910];
	_ =	sdelay $0x4  }
0x9e: {  	[tilespmem:v42+s12+$0x0] =	vst.idx.msk $0xffff, v33  }
0x9f: {  	v43 =	vadd.s32 v10, v32;
	v33 =	vld [tilespmem:s18+$0x8F40];
	_ =	sdelay $0x4  }
0xa0: {  	[tilespmem:v43+s12+$0x0] =	vst.idx.msk $0xffff, v33  }
0xa1: {  	v44 =	vadd.s32 v11, v32;
	v33 =	vld [tilespmem:s18+$0x8F50];
	_ =	sdelay $0x4  }
0xa2: {  	[tilespmem:v44+s12+$0x0] =	vst.idx.msk $0xffff, v33  }
0xa3: {  	v45 =	vadd.s32 v12, v32;
	v33 =	vld [tilespmem:s18+$0x9580];
	_ =	sdelay $0x4  }
0xa4: {  	[tilespmem:v45+s12+$0x0] =	vst.idx.msk $0xffff, v33  }
0xa5: {  	v46 =	vadd.s32 v13, v32;
	v33 =	vld [tilespmem:s18+$0x9590];
	_ =	sdelay $0x4  }
0xa6: {  	[tilespmem:v46+s12+$0x0] =	vst.idx.msk $0xffff, v33  }
0xa7: {  	v47 =	vadd.s32 v14, v32;
	v33 =	vld [tilespmem:s18+$0x9BC0];
	_ =	sdelay $0x4  }
0xa8: {  	[tilespmem:v47+s12+$0x0] =	vst.idx.msk $0xffff, v33  }
0xa9: {  	v48 =	vadd.s32 v15, v32;
	v33 =	vld [tilespmem:s18+$0x9BD0];
	_ =	sdelay $0x4  }
0xaa: {  	[tilespmem:v48+s12+$0x0] =	vst.idx.msk $0xffff, v33  }
0xab: {  	v49 =	vadd.s32 v16, v32;
	v33 =	vld [tilespmem:s18+$0xA200];
	_ =	sdelay $0x4  }
0xac: {  	[tilespmem:v49+s12+$0x0] =	vst.idx.msk $0xffff, v33  }
0xad: {  	v50 =	vadd.s32 v17, v32;
	v33 =	vld [tilespmem:s18+$0xA210];
	_ =	sdelay $0x4  }
0xae: {  	[tilespmem:v50+s12+$0x0] =	vst.idx.msk $0xffff, v33  }
0xaf: {  	v51 =	vadd.s32 v18, v32;
	v33 =	vld [tilespmem:s18+$0xA840];
	_ =	sdelay $0x4  }
0xb0: {  	[tilespmem:v51+s12+$0x0] =	vst.idx.msk $0xffff, v33  }
0xb1: {  	v52 =	vadd.s32 v19, v32;
	v33 =	vld [tilespmem:s18+$0xA850];
	_ =	sdelay $0x4  }
0xb2: {  	[tilespmem:v52+s12+$0x0] =	vst.idx.msk $0xffff, v33  }
0xb3: {  	v53 =	vadd.s32 v20, v32;
	v33 =	vld [tilespmem:s18+$0xAE80];
	_ =	sdelay $0x4  }
0xb4: {  	[tilespmem:v53+s12+$0x0] =	vst.idx.msk $0xffff, v33  }
0xb5: {  	v54 =	vadd.s32 v21, v32;
	v33 =	vld [tilespmem:s18+$0xAE90];
	_ =	sdelay $0x4  }
0xb6: {  	[tilespmem:v54+s12+$0x0] =	vst.idx.msk $0xffff, v33  }
0xb7: {  	v55 =	vadd.s32 v22, v32;
	v33 =	vld [tilespmem:s18+$0xB4C0];
	_ =	sdelay $0x4  }
0xb8: {  	[tilespmem:v55+s12+$0x0] =	vst.idx.msk $0xffff, v33  }
0xb9: {  	v56 =	vadd.s32 v23, v32;
	v33 =	vld [tilespmem:s18+$0xB4D0];
	_ =	sdelay $0x4  }
0xba: {  	[tilespmem:v56+s12+$0x0] =	vst.idx.msk $0xffff, v33  }
0xbb: {  	v57 =	vadd.s32 v24, v32;
	v33 =	vld [tilespmem:s18+$0xBB00];
	_ =	sdelay $0x4  }
0xbc: {  	[tilespmem:v57+s12+$0x0] =	vst.idx.msk $0xffff, v33  }
0xbd: {  	v58 =	vadd.s32 v25, v32;
	v33 =	vld [tilespmem:s18+$0xBB10];
	_ =	sdelay $0x4  }
0xbe: {  	[tilespmem:v58+s12+$0x0] =	vst.idx.msk $0xffff, v33  }
0xbf: {  	v59 =	vadd.s32 v26, v32;
	v33 =	vld [tilespmem:s18+$0xC140];
	_ =	sdelay $0x4  }
0xc0: {  	[tilespmem:v59+s12+$0x0] =	vst.idx.msk $0xffff, v33  }
0xc1: {  	v60 =	vadd.s32 v27, v32;
	v33 =	vld [tilespmem:s18+$0xC150];
	_ =	sdelay $0x4  }
0xc2: {  	[tilespmem:v60+s12+$0x0] =	vst.idx.msk $0xffff, v33  }
0xc3: {  	v61 =	vadd.s32 v28, v32;
	v33 =	vld [tilespmem:s18+$0xC780];
	_ =	sdelay $0x4  }
0xc4: {  	[tilespmem:v61+s12+$0x0] =	vst.idx.msk $0xffff, v33  }
0xc5: {  	v62 =	vadd.s32 v29, v32;
	v33 =	vld [tilespmem:s18+$0xC790];
	_ =	sdelay $0x4  }
0xc6: {  	[tilespmem:v62+s12+$0x0] =	vst.idx.msk $0xffff, v33  }
0xc7: {  	v63 =	vadd.s32 v30, v32;
	v33 =	vld [tilespmem:s18+$0xCDC0];
	_ =	sdelay $0x4  }
0xc8: {  	[tilespmem:v63+s12+$0x0] =	vst.idx.msk $0xffff, v33  }
0xc9: {  	s15 =	simm.s32 $0x1;
	v34 =	vadd.s32 v31, v32;
	v33 =	vld [tilespmem:s18+$0xCDD0]  }
0xca: {  	s7 =	simm.s32 $0x80;
	v32 =	vmov s15;
	s18 =	simm.s32 $0x100  }
.LBB2_3:
0xcb: {  	p0 =	sne.s32 s18, $0x1880;
	v32 =	vmul.u32 $0x300, v32;
	_ =	sdelay $0x1  }
0xcc: {  	v32 =	vbroadcast v32, $0x0  }
0xcd: {  	s19 =	sshra.s32 s7, $0x2;
	s7 =	smov.u32 s18;
	[tilespmem:v34+s12+$0x0] =	vst.idx.msk $0xffff, v33  }
0xce: {  	v33 =	vld [tilespmem:s19+$0x7000];
	v34 =	vadd.s32 v0, v32;
	_ =	sdelay $0x4  }
0xcf: {  	[tilespmem:v34+s12+$0x0] =	vst.idx.msk $0xffff, v33  }
0xd0: {  	v34 =	vadd.s32 v1, v32;
	v33 =	vld [tilespmem:s19+$0x7010];
	_ =	sdelay $0x4  }
0xd1: {  	[tilespmem:v34+s12+$0x0] =	vst.idx.msk $0xffff, v33  }
0xd2: {  	v34 =	vadd.s32 v2, v32;
	v33 =	vld [tilespmem:s19+$0x7640];
	_ =	sdelay $0x4  }
0xd3: {  	[tilespmem:v34+s12+$0x0] =	vst.idx.msk $0xffff, v33  }
0xd4: {  	v34 =	vadd.s32 v3, v32;
	v33 =	vld [tilespmem:s19+$0x7650];
	_ =	sdelay $0x4  }
0xd5: {  	[tilespmem:v34+s12+$0x0] =	vst.idx.msk $0xffff, v33  }
0xd6: {  	v34 =	vadd.s32 v4, v32;
	v33 =	vld [tilespmem:s19+$0x7C80];
	_ =	sdelay $0x4  }
0xd7: {  	[tilespmem:v34+s12+$0x0] =	vst.idx.msk $0xffff, v33  }
0xd8: {  	v34 =	vadd.s32 v5, v32;
	v33 =	vld [tilespmem:s19+$0x7C90];
	_ =	sdelay $0x4  }
0xd9: {  	[tilespmem:v34+s12+$0x0] =	vst.idx.msk $0xffff, v33  }
0xda: {  	v34 =	vadd.s32 v6, v32;
	v33 =	vld [tilespmem:s19+$0x82C0];
	_ =	sdelay $0x4  }
0xdb: {  	[tilespmem:v34+s12+$0x0] =	vst.idx.msk $0xffff, v33  }
0xdc: {  	v34 =	vadd.s32 v7, v32;
	v33 =	vld [tilespmem:s19+$0x82D0];
	_ =	sdelay $0x4  }
0xdd: {  	[tilespmem:v34+s12+$0x0] =	vst.idx.msk $0xffff, v33  }
0xde: {  	v34 =	vadd.s32 v8, v32;
	v33 =	vld [tilespmem:s19+$0x8900];
	_ =	sdelay $0x4  }
0xdf: {  	[tilespmem:v34+s12+$0x0] =	vst.idx.msk $0xffff, v33  }
0xe0: {  	v34 =	vadd.s32 v9, v32;
	v33 =	vld [tilespmem:s19+$0x8910];
	_ =	sdelay $0x4  }
0xe1: {  	[tilespmem:v34+s12+$0x0] =	vst.idx.msk $0xffff, v33  }
0xe2: {  	v34 =	vadd.s32 v10, v32;
	v33 =	vld [tilespmem:s19+$0x8F40];
	_ =	sdelay $0x4  }
0xe3: {  	[tilespmem:v34+s12+$0x0] =	vst.idx.msk $0xffff, v33  }
0xe4: {  	v34 =	vadd.s32 v11, v32;
	v33 =	vld [tilespmem:s19+$0x8F50];
	_ =	sdelay $0x4  }
0xe5: {  	[tilespmem:v34+s12+$0x0] =	vst.idx.msk $0xffff, v33  }
0xe6: {  	v34 =	vadd.s32 v12, v32;
	v33 =	vld [tilespmem:s19+$0x9580];
	_ =	sdelay $0x4  }
0xe7: {  	[tilespmem:v34+s12+$0x0] =	vst.idx.msk $0xffff, v33  }
0xe8: {  	v34 =	vadd.s32 v13, v32;
	v33 =	vld [tilespmem:s19+$0x9590];
	_ =	sdelay $0x4  }
0xe9: {  	[tilespmem:v34+s12+$0x0] =	vst.idx.msk $0xffff, v33  }
0xea: {  	v34 =	vadd.s32 v14, v32;
	v33 =	vld [tilespmem:s19+$0x9BC0];
	_ =	sdelay $0x4  }
0xeb: {  	[tilespmem:v34+s12+$0x0] =	vst.idx.msk $0xffff, v33  }
0xec: {  	v34 =	vadd.s32 v15, v32;
	v33 =	vld [tilespmem:s19+$0x9BD0];
	_ =	sdelay $0x4  }
0xed: {  	[tilespmem:v34+s12+$0x0] =	vst.idx.msk $0xffff, v33  }
0xee: {  	v34 =	vadd.s32 v16, v32;
	v33 =	vld [tilespmem:s19+$0xA200];
	_ =	sdelay $0x4  }
0xef: {  	[tilespmem:v34+s12+$0x0] =	vst.idx.msk $0xffff, v33  }
0xf0: {  	v34 =	vadd.s32 v17, v32;
	v33 =	vld [tilespmem:s19+$0xA210];
	_ =	sdelay $0x4  }
0xf1: {  	[tilespmem:v34+s12+$0x0] =	vst.idx.msk $0xffff, v33  }
0xf2: {  	v34 =	vadd.s32 v18, v32;
	v33 =	vld [tilespmem:s19+$0xA840];
	_ =	sdelay $0x4  }
0xf3: {  	[tilespmem:v34+s12+$0x0] =	vst.idx.msk $0xffff, v33  }
0xf4: {  	v34 =	vadd.s32 v19, v32;
	v33 =	vld [tilespmem:s19+$0xA850];
	_ =	sdelay $0x4  }
0xf5: {  	[tilespmem:v34+s12+$0x0] =	vst.idx.msk $0xffff, v33  }
0xf6: {  	v34 =	vadd.s32 v20, v32;
	v33 =	vld [tilespmem:s19+$0xAE80];
	_ =	sdelay $0x4  }
0xf7: {  	[tilespmem:v34+s12+$0x0] =	vst.idx.msk $0xffff, v33  }
0xf8: {  	v34 =	vadd.s32 v21, v32;
	v33 =	vld [tilespmem:s19+$0xAE90];
	_ =	sdelay $0x4  }
0xf9: {  	[tilespmem:v34+s12+$0x0] =	vst.idx.msk $0xffff, v33  }
0xfa: {  	v34 =	vadd.s32 v22, v32;
	v33 =	vld [tilespmem:s19+$0xB4C0];
	_ =	sdelay $0x4  }
0xfb: {  	[tilespmem:v34+s12+$0x0] =	vst.idx.msk $0xffff, v33  }
0xfc: {  	v34 =	vadd.s32 v23, v32;
	v33 =	vld [tilespmem:s19+$0xB4D0];
	_ =	sdelay $0x4  }
0xfd: {  	[tilespmem:v34+s12+$0x0] =	vst.idx.msk $0xffff, v33  }
0xfe: {  	v34 =	vadd.s32 v24, v32;
	v33 =	vld [tilespmem:s19+$0xBB00];
	_ =	sdelay $0x4  }
0xff: {  	[tilespmem:v34+s12+$0x0] =	vst.idx.msk $0xffff, v33  }
0x100: {  	v34 =	vadd.s32 v25, v32;
	v33 =	vld [tilespmem:s19+$0xBB10];
	_ =	sdelay $0x4  }
0x101: {  	[tilespmem:v34+s12+$0x0] =	vst.idx.msk $0xffff, v33  }
0x102: {  	v34 =	vadd.s32 v26, v32;
	v33 =	vld [tilespmem:s19+$0xC140];
	_ =	sdelay $0x4  }
0x103: {  	[tilespmem:v34+s12+$0x0] =	vst.idx.msk $0xffff, v33  }
0x104: {  	v34 =	vadd.s32 v27, v32;
	v33 =	vld [tilespmem:s19+$0xC150];
	_ =	sdelay $0x4  }
0x105: {  	[tilespmem:v34+s12+$0x0] =	vst.idx.msk $0xffff, v33  }
0x106: {  	v34 =	vadd.s32 v28, v32;
	v33 =	vld [tilespmem:s19+$0xC780];
	_ =	sdelay $0x4  }
0x107: {  	[tilespmem:v34+s12+$0x0] =	vst.idx.msk $0xffff, v33  }
0x108: {  	v34 =	vadd.s32 v29, v32;
	v33 =	vld [tilespmem:s19+$0xC790];
	_ =	sdelay $0x4  }
0x109: {  	[tilespmem:v34+s12+$0x0] =	vst.idx.msk $0xffff, v33  }
0x10a: {  	v34 =	vadd.s32 v30, v32;
	v33 =	vld [tilespmem:s19+$0xCDC0];
	_ =	sdelay $0x2  }
.Ltmp0:
0x10b: {  	(pc) =	sbr.rel @p0 .LBB2_3-.Ltmp0, $4  }
0x10c: {  	_ = 	snop  }
0x10d: {  	[tilespmem:v34+s12+$0x0] =	vst.idx.msk $0xffff, v33  }
0x10e: {  	s15 =	sadd.s32 $0x1, s15;
	v34 =	vadd.s32 v31, v32;
	v33 =	vld [tilespmem:s19+$0xCDD0]  }
0x10f: {  	s18 =	sadd.s32 $0x80, s18;
	v32 =	vmov s15  }
0x110: {  	_ = 	snop  }
0x111: {  	v32 =	vmul.u32 $0x300, v32;
	_ =	sdelay $0x1  }
0x112: {  	v32 =	vbroadcast v32, $0x0  }
0x113: {  	s15 =	sshra.s32 s7, $0x2;
	[tilespmem:v34+s12+$0x0] =	vst.idx.msk $0xffff, v33  }
0x114: {  	v33 =	vld [tilespmem:s15+$0x7000];
	v61 =	vadd.s32 v0, v32;
	_ =	sdelay $0x4  }
0x115: {  	[tilespmem:v61+s12+$0x0] =	vst.idx.msk $0xffff, v33  }
0x116: {  	v62 =	vadd.s32 v1, v32;
	v33 =	vld [tilespmem:s15+$0x7010];
	_ =	sdelay $0x4  }
0x117: {  	[tilespmem:v62+s12+$0x0] =	vst.idx.msk $0xffff, v33  }
0x118: {  	v63 =	vadd.s32 v2, v32;
	v33 =	vld [tilespmem:s15+$0x7640];
	_ =	sdelay $0x4  }
0x119: {  	[tilespmem:v63+s12+$0x0] =	vst.idx.msk $0xffff, v33  }
0x11a: {  	v36 =	vadd.s32 v3, v32;
	v33 =	vld [tilespmem:s15+$0x7650];
	_ =	sdelay $0x4  }
0x11b: {  	[tilespmem:v36+s12+$0x0] =	vst.idx.msk $0xffff, v33  }
0x11c: {  	v37 =	vadd.s32 v4, v32;
	v33 =	vld [tilespmem:s15+$0x7C80];
	_ =	sdelay $0x4  }
0x11d: {  	[tilespmem:v37+s12+$0x0] =	vst.idx.msk $0xffff, v33  }
0x11e: {  	v38 =	vadd.s32 v5, v32;
	v33 =	vld [tilespmem:s15+$0x7C90];
	_ =	sdelay $0x4  }
0x11f: {  	[tilespmem:v38+s12+$0x0] =	vst.idx.msk $0xffff, v33  }
0x120: {  	v39 =	vadd.s32 v6, v32;
	v33 =	vld [tilespmem:s15+$0x82C0];
	_ =	sdelay $0x4  }
0x121: {  	[tilespmem:v39+s12+$0x0] =	vst.idx.msk $0xffff, v33  }
0x122: {  	v40 =	vadd.s32 v7, v32;
	v33 =	vld [tilespmem:s15+$0x82D0];
	_ =	sdelay $0x4  }
0x123: {  	[tilespmem:v40+s12+$0x0] =	vst.idx.msk $0xffff, v33  }
0x124: {  	v41 =	vadd.s32 v8, v32;
	v33 =	vld [tilespmem:s15+$0x8900];
	_ =	sdelay $0x4  }
0x125: {  	[tilespmem:v41+s12+$0x0] =	vst.idx.msk $0xffff, v33  }
0x126: {  	v42 =	vadd.s32 v9, v32;
	v33 =	vld [tilespmem:s15+$0x8910];
	_ =	sdelay $0x4  }
0x127: {  	[tilespmem:v42+s12+$0x0] =	vst.idx.msk $0xffff, v33  }
0x128: {  	v43 =	vadd.s32 v10, v32;
	v33 =	vld [tilespmem:s15+$0x8F40];
	_ =	sdelay $0x4  }
0x129: {  	[tilespmem:v43+s12+$0x0] =	vst.idx.msk $0xffff, v33  }
0x12a: {  	v44 =	vadd.s32 v11, v32;
	v33 =	vld [tilespmem:s15+$0x8F50];
	_ =	sdelay $0x4  }
0x12b: {  	[tilespmem:v44+s12+$0x0] =	vst.idx.msk $0xffff, v33  }
0x12c: {  	v45 =	vadd.s32 v12, v32;
	v33 =	vld [tilespmem:s15+$0x9580];
	_ =	sdelay $0x4  }
0x12d: {  	[tilespmem:v45+s12+$0x0] =	vst.idx.msk $0xffff, v33  }
0x12e: {  	v46 =	vadd.s32 v13, v32;
	v33 =	vld [tilespmem:s15+$0x9590];
	_ =	sdelay $0x4  }
0x12f: {  	[tilespmem:v46+s12+$0x0] =	vst.idx.msk $0xffff, v33  }
0x130: {  	v47 =	vadd.s32 v14, v32;
	v33 =	vld [tilespmem:s15+$0x9BC0];
	_ =	sdelay $0x4  }
0x131: {  	[tilespmem:v47+s12+$0x0] =	vst.idx.msk $0xffff, v33  }
0x132: {  	v48 =	vadd.s32 v15, v32;
	v33 =	vld [tilespmem:s15+$0x9BD0];
	_ =	sdelay $0x4  }
0x133: {  	[tilespmem:v48+s12+$0x0] =	vst.idx.msk $0xffff, v33  }
0x134: {  	v49 =	vadd.s32 v16, v32;
	v33 =	vld [tilespmem:s15+$0xA200];
	_ =	sdelay $0x4  }
0x135: {  	[tilespmem:v49+s12+$0x0] =	vst.idx.msk $0xffff, v33  }
0x136: {  	v50 =	vadd.s32 v17, v32;
	v33 =	vld [tilespmem:s15+$0xA210];
	_ =	sdelay $0x4  }
0x137: {  	[tilespmem:v50+s12+$0x0] =	vst.idx.msk $0xffff, v33  }
0x138: {  	v51 =	vadd.s32 v18, v32;
	v33 =	vld [tilespmem:s15+$0xA840];
	_ =	sdelay $0x4  }
0x139: {  	[tilespmem:v51+s12+$0x0] =	vst.idx.msk $0xffff, v33  }
0x13a: {  	v52 =	vadd.s32 v19, v32;
	v33 =	vld [tilespmem:s15+$0xA850];
	_ =	sdelay $0x4  }
0x13b: {  	[tilespmem:v52+s12+$0x0] =	vst.idx.msk $0xffff, v33  }
0x13c: {  	v53 =	vadd.s32 v20, v32;
	v33 =	vld [tilespmem:s15+$0xAE80];
	_ =	sdelay $0x4  }
0x13d: {  	[tilespmem:v53+s12+$0x0] =	vst.idx.msk $0xffff, v33  }
0x13e: {  	v54 =	vadd.s32 v21, v32;
	v33 =	vld [tilespmem:s15+$0xAE90];
	_ =	sdelay $0x4  }
0x13f: {  	[tilespmem:v54+s12+$0x0] =	vst.idx.msk $0xffff, v33  }
0x140: {  	v55 =	vadd.s32 v22, v32;
	v33 =	vld [tilespmem:s15+$0xB4C0];
	_ =	sdelay $0x4  }
0x141: {  	[tilespmem:v55+s12+$0x0] =	vst.idx.msk $0xffff, v33  }
0x142: {  	v56 =	vadd.s32 v23, v32;
	v33 =	vld [tilespmem:s15+$0xB4D0];
	_ =	sdelay $0x4  }
0x143: {  	[tilespmem:v56+s12+$0x0] =	vst.idx.msk $0xffff, v33  }
0x144: {  	v57 =	vadd.s32 v24, v32;
	v33 =	vld [tilespmem:s15+$0xBB00];
	_ =	sdelay $0x4  }
0x145: {  	[tilespmem:v57+s12+$0x0] =	vst.idx.msk $0xffff, v33  }
0x146: {  	v58 =	vadd.s32 v25, v32;
	v33 =	vld [tilespmem:s15+$0xBB10];
	_ =	sdelay $0x4  }
0x147: {  	[tilespmem:v58+s12+$0x0] =	vst.idx.msk $0xffff, v33  }
0x148: {  	v59 =	vadd.s32 v26, v32;
	v33 =	vld [tilespmem:s15+$0xC140];
	_ =	sdelay $0x4  }
0x149: {  	[tilespmem:v59+s12+$0x0] =	vst.idx.msk $0xffff, v33  }
0x14a: {  	v60 =	vadd.s32 v27, v32;
	v33 =	vld [tilespmem:s15+$0xC150];
	_ =	sdelay $0x4  }
0x14b: {  	[tilespmem:v60+s12+$0x0] =	vst.idx.msk $0xffff, v33  }
0x14c: {  	v61 =	vadd.s32 v28, v32;
	v33 =	vld [tilespmem:s15+$0xC780];
	_ =	sdelay $0x4  }
0x14d: {  	[tilespmem:v61+s12+$0x0] =	vst.idx.msk $0xffff, v33  }
0x14e: {  	v62 =	vadd.s32 v29, v32;
	v33 =	vld [tilespmem:s15+$0xC790];
	_ =	sdelay $0x4  }
0x14f: {  	[tilespmem:v62+s12+$0x0] =	vst.idx.msk $0xffff, v33  }
0x150: {  	v63 =	vadd.s32 v30, v32;
	v33 =	vld [tilespmem:s15+$0xCDC0];
	_ =	sdelay $0x1  }
0x151: {  	s7 =	sor.u32 s3, s8;
	s19 =	sand.u32 $0x60, s8  }
0x152: {  	p0 =	seq.s32 s7, $0x0;
	p1 =	sne.s32 s19, $0x0  }
0x153: {  	p0 =	por !p0, !p1  }
0x154: {  	s18 =	simm.s32 $0x1;
	p0 =	por !p0, !p0;
	[tilespmem:v63+s12+$0x0] =	vst.idx.msk $0xffff, v33  }
0x155: {  	s20 =	sshrl.u32 s7, $0x7;
	s18 =	simm.s32 @!p0 $0x0;
	v32 =	vadd.s32 v31, v32;
	v33 =	vld [tilespmem:s15+$0xCDD0]  }
0x156: {  	s15 =	ssub.s32 s20, s18  }
0x157: {  	s15 =	sshll.u32 s15, $0xA  }
0x158: {  	s8 =	sor.u32 s19, s15  }
0x159: {  	s8 =	sshrl.u32 s8, $0x3  }
0x15a: {  	s21 =	simm.s32 $0x13800;
	s15 =	sadd.s32 s2, s8;
	[tilespmem:v32+s12+$0x0] =	vst.idx.msk $0xffff, v33  }
0x15b: {  	[hbm4b:s15+s4] =	stream.linear.scatter [tilespmem:s21], [sflag:$0x3], $0x10, $0x38;
	[tilespmem:$0x1CE00] =	vst v63  }
0x15c: {  	s18 =	simm.s32 $0x13818;
	s19 =	sadd.s32 $0x10, s15  }
0x15d: {  	[hbm4b:s19+s4] =	stream.linear.scatter [tilespmem:s18], [sflag:$0x3], $0x10, $0x38;
	[tilespmem:$0x1CE00] =	vst v63  }
0x15e: {  	s20 =	simm.s32 $0x13830;
	s21 =	sadd.s32 $0x20, s15  }
0x15f: {  	[hbm4b:s21+s4] =	stream.linear.scatter [tilespmem:s20], [sflag:$0x3], $0x10, $0x38;
	[tilespmem:$0x1CE00] =	vst v63  }
0x160: {  	s18 =	simm.s32 $0x13848;
	s19 =	sadd.s32 $0x30, s15  }
0x161: {  	[hbm4b:s19+s4] =	stream.linear.scatter [tilespmem:s18], [sflag:$0x3], $0x10, $0x38;
	[tilespmem:$0x1CE00] =	vst v63  }
0x162: {  	s20 =	simm.s32 $0x13860;
	s21 =	sadd.s32 $0x40, s15  }
0x163: {  	[hbm4b:s21+s4] =	stream.linear.scatter [tilespmem:s20], [sflag:$0x3], $0x10, $0x38;
	[tilespmem:$0x1CE00] =	vst v63  }
0x164: {  	s8 =	simm.s32 $0xC0;
	s18 =	simm.s32 $0x13878;
	s19 =	sadd.s32 $0x50, s15  }
0x165: {  	[hbm4b:s19+s4] =	stream.linear.scatter [tilespmem:s18], [sflag:$0x3], $0x10, $0x38;
	[tilespmem:$0x1CE00] =	vst v63  }
0x166: {  	s20 =	simm.s32 $0x13890;
	s21 =	sadd.s32 $0x60, s15;
	s18 =	simm.s32 $0x600  }
0x167: {  	[hbm4b:s21+s4] =	stream.linear.scatter [tilespmem:s20], [sflag:$0x3], $0x10, $0x38;
	[tilespmem:$0x1CE00] =	vst v63  }
0x168: {  	s19 =	simm.s32 $0x138A8;
	s20 =	sadd.s32 $0x70, s15;
	s15 =	sadd.s32 $0x4000, s15  }
.LBB2_5:
0x169: {  	[hbm4b:s20+s4] =	stream.linear.scatter [tilespmem:s19], [sflag:$0x3], $0x10, $0x38;
	[tilespmem:$0x1CE00] =	vst v63  }
0x16a: {  	s19 =	smov.u32 s8;
	s8 =	smov.u32 s18  }
0x16b: {  	s21 =	sadd.s32 $0x300, s18;
	s8 =	sshra.s32 s8, $0x2;
	s20 =	sadd.s32 $0x13800, s19  }
0x16c: {  	[hbm4b:s15+s4] =	stream.linear.scatter [tilespmem:s20], [sflag:$0x3], $0x10, $0x38;
	[tilespmem:$0x1CE00] =	vst v63  }
0x16d: {  	p0 =	sne.s32 s18, $0x25500;
	s18 =	sadd.s32 $0x13818, s19;
	s20 =	sadd.s32 $0x10, s15  }
0x16e: {  	[hbm4b:s20+s4] =	stream.linear.scatter [tilespmem:s18], [sflag:$0x3], $0x10, $0x38;
	[tilespmem:$0x1CE00] =	vst v63  }
0x16f: {  	s18 =	sadd.s32 $0x13830, s19;
	s20 =	sadd.s32 $0x20, s15  }
0x170: {  	[hbm4b:s20+s4] =	stream.linear.scatter [tilespmem:s18], [sflag:$0x3], $0x10, $0x38;
	[tilespmem:$0x1CE00] =	vst v63  }
0x171: {  	s18 =	sadd.s32 $0x13848, s19;
	s20 =	sadd.s32 $0x30, s15  }
0x172: {  	[hbm4b:s20+s4] =	stream.linear.scatter [tilespmem:s18], [sflag:$0x3], $0x10, $0x38;
	[tilespmem:$0x1CE00] =	vst v63  }
0x173: {  	s18 =	sadd.s32 $0x13860, s19;
	s20 =	sadd.s32 $0x40, s15  }
0x174: {  	[hbm4b:s20+s4] =	stream.linear.scatter [tilespmem:s18], [sflag:$0x3], $0x10, $0x38;
	[tilespmem:$0x1CE00] =	vst v63  }
.Ltmp1:
0x175: {  	s18 =	sadd.s32 $0x13878, s19;
	s20 =	sadd.s32 $0x50, s15;
	(pc) =	sbr.rel @p0 .LBB2_5-.Ltmp1, $4  }
0x176: {  	[hbm4b:s20+s4] =	stream.linear.scatter [tilespmem:s18], [sflag:$0x3], $0x10, $0x38;
	[tilespmem:$0x1CE00] =	vst v63  }
0x177: {  	s18 =	sadd.s32 $0x13890, s19;
	s20 =	sadd.s32 $0x60, s15;
	s19 =	sadd.s32 $0x138A8, s19  }
0x178: {  	[hbm4b:s20+s4] =	stream.linear.scatter [tilespmem:s18], [sflag:$0x3], $0x10, $0x38;
	[tilespmem:$0x1CE00] =	vst v63  }
0x179: {  	s20 =	sadd.s32 $0x70, s15;
	s15 =	sadd.s32 $0x4000, s15;
	s18 =	smov.u32 s21  }
0x17a: {  	[hbm4b:s20+s4] =	stream.linear.scatter [tilespmem:s19], [sflag:$0x3], $0x10, $0x38;
	[tilespmem:$0x1CE00] =	vst v63  }
0x17b: {  	s18 =	sadd.s32 $0x13800, s8  }
0x17c: {  	[hbm4b:s15+s4] =	stream.linear.scatter [tilespmem:s18], [sflag:$0x3], $0x10, $0x38;
	[tilespmem:$0x1CE00] =	vst v63  }
0x17d: {  	s20 =	sadd.s32 $0x13818, s8;
	s21 =	sadd.s32 $0x10, s15  }
0x17e: {  	[hbm4b:s21+s4] =	stream.linear.scatter [tilespmem:s20], [sflag:$0x3], $0x10, $0x38;
	[tilespmem:$0x1CE00] =	vst v63  }
0x17f: {  	s20 =	sadd.s32 $0x13830, s8;
	s21 =	sadd.s32 $0x20, s15  }
0x180: {  	[hbm4b:s21+s4] =	stream.linear.scatter [tilespmem:s20], [sflag:$0x3], $0x10, $0x38;
	[tilespmem:$0x1CE00] =	vst v63  }
0x181: {  	s20 =	sadd.s32 $0x13848, s8;
	s21 =	sadd.s32 $0x30, s15  }
0x182: {  	[hbm4b:s21+s4] =	stream.linear.scatter [tilespmem:s20], [sflag:$0x3], $0x10, $0x38;
	[tilespmem:$0x1CE00] =	vst v63  }
0x183: {  	s20 =	sadd.s32 $0x13860, s8;
	s21 =	sadd.s32 $0x40, s15  }
0x184: {  	[hbm4b:s21+s4] =	stream.linear.scatter [tilespmem:s20], [sflag:$0x3], $0x10, $0x38;
	[tilespmem:$0x1CE00] =	vst v63  }
0x185: {  	s20 =	sadd.s32 $0x13878, s8;
	s21 =	sadd.s32 $0x50, s15  }
0x186: {  	[hbm4b:s21+s4] =	stream.linear.scatter [tilespmem:s20], [sflag:$0x3], $0x10, $0x38;
	[tilespmem:$0x1CE00] =	vst v63  }
0x187: {  	s20 =	sadd.s32 $0x13890, s8;
	s21 =	sadd.s32 $0x60, s15  }
0x188: {  	[hbm4b:s21+s4] =	stream.linear.scatter [tilespmem:s20], [sflag:$0x3], $0x10, $0x38;
	[tilespmem:$0x1CE00] =	vst v63  }
0x189: {  	s19 =	sadd.s32 $0x70, s15;
	p0 =	seq.s32 s16, $0xF;
	s18 =	sadd.s32 $0x138A8, s8  }
0x18a: {  	[hbm4b:s19+s4] =	stream.linear.scatter [tilespmem:s18], [sflag:$0x3], $0x10, $0x38;
	[tilespmem:$0x1CE00] =	vst v63  }
0x18b: {  	s8 =	sadd.s32 @!p0 $0x700, s6;
	s15 =	simm.s32 @!p0 $0x32;
	s18 =	simm.s32 @!p0 $0x7000  }
0x18c: {  	[tilespmem:s18], [sflag:$0x1] =	stream.indirect.gather @!p0 [hbm4b:s5+s15], $0x20, s8, s15, $0xb8;
	[tilespmem:$0x1CE00] =	vst v63  }
0x18d: {  	s8 =	sadd.s32 @!p0 $0x738, s6;
	s18 =	simm.s32 @!p0 $0x7640  }
0x18e: {  	[tilespmem:s18], [sflag:$0x1] =	stream.indirect.gather @!p0 [hbm4b:s5+s15], $0x20, s8, s15, $0xb8;
	[tilespmem:$0x1CE00] =	vst v63  }
0x18f: {  	s8 =	sadd.s32 @!p0 $0x770, s6;
	s18 =	simm.s32 @!p0 $0x7C80  }
0x190: {  	[tilespmem:s18], [sflag:$0x1] =	stream.indirect.gather @!p0 [hbm4b:s5+s15], $0x20, s8, s15, $0xb8;
	[tilespmem:$0x1CE00] =	vst v63  }
0x191: {  	s8 =	sadd.s32 @!p0 $0x7A8, s6;
	s18 =	simm.s32 @!p0 $0x82C0  }
0x192: {  	[tilespmem:s18], [sflag:$0x1] =	stream.indirect.gather @!p0 [hbm4b:s5+s15], $0x20, s8, s15, $0xb8;
	[tilespmem:$0x1CE00] =	vst v63  }
0x193: {  	s8 =	sadd.s32 @!p0 $0x7E0, s6;
	s18 =	simm.s32 @!p0 $0x8900  }
0x194: {  	[tilespmem:s18], [sflag:$0x1] =	stream.indirect.gather @!p0 [hbm4b:s5+s15], $0x20, s8, s15, $0xb8;
	[tilespmem:$0x1CE00] =	vst v63  }
0x195: {  	s8 =	sadd.s32 @!p0 $0x818, s6;
	s18 =	simm.s32 @!p0 $0x8F40  }
0x196: {  	[tilespmem:s18], [sflag:$0x1] =	stream.indirect.gather @!p0 [hbm4b:s5+s15], $0x20, s8, s15, $0xb8;
	[tilespmem:$0x1CE00] =	vst v63  }
0x197: {  	s8 =	sadd.s32 @!p0 $0x850, s6;
	s18 =	simm.s32 @!p0 $0x9580  }
0x198: {  	[tilespmem:s18], [sflag:$0x1] =	stream.indirect.gather @!p0 [hbm4b:s5+s15], $0x20, s8, s15, $0xb8;
	[tilespmem:$0x1CE00] =	vst v63  }
0x199: {  	s8 =	sadd.s32 @!p0 $0x888, s6;
	s18 =	simm.s32 @!p0 $0x9BC0  }
0x19a: {  	[tilespmem:s18], [sflag:$0x1] =	stream.indirect.gather @!p0 [hbm4b:s5+s15], $0x20, s8, s15, $0xb8;
	[tilespmem:$0x1CE00] =	vst v63  }
0x19b: {  	s8 =	sadd.s32 @!p0 $0x8C0, s6;
	s18 =	simm.s32 @!p0 $0xA200  }
0x19c: {  	[tilespmem:s18], [sflag:$0x1] =	stream.indirect.gather @!p0 [hbm4b:s5+s15], $0x20, s8, s15, $0xb8;
	[tilespmem:$0x1CE00] =	vst v63  }
0x19d: {  	s8 =	sadd.s32 @!p0 $0x8F8, s6;
	s18 =	simm.s32 @!p0 $0xA840  }
0x19e: {  	[tilespmem:s18], [sflag:$0x1] =	stream.indirect.gather @!p0 [hbm4b:s5+s15], $0x20, s8, s15, $0xb8;
	[tilespmem:$0x1CE00] =	vst v63  }
0x19f: {  	s8 =	sadd.s32 @!p0 $0x930, s6;
	s18 =	simm.s32 @!p0 $0xAE80  }
0x1a0: {  	[tilespmem:s18], [sflag:$0x1] =	stream.indirect.gather @!p0 [hbm4b:s5+s15], $0x20, s8, s15, $0xb8;
	[tilespmem:$0x1CE00] =	vst v63  }
0x1a1: {  	s8 =	sadd.s32 @!p0 $0x968, s6;
	s18 =	simm.s32 @!p0 $0xB4C0  }
0x1a2: {  	[tilespmem:s18], [sflag:$0x1] =	stream.indirect.gather @!p0 [hbm4b:s5+s15], $0x20, s8, s15, $0xb8;
	[tilespmem:$0x1CE00] =	vst v63  }
0x1a3: {  	s8 =	sadd.s32 @!p0 $0x9A0, s6;
	s18 =	simm.s32 @!p0 $0xBB00  }
0x1a4: {  	[tilespmem:s18], [sflag:$0x1] =	stream.indirect.gather @!p0 [hbm4b:s5+s15], $0x20, s8, s15, $0xb8;
	[tilespmem:$0x1CE00] =	vst v63  }
0x1a5: {  	s8 =	sadd.s32 @!p0 $0x9D8, s6;
	s18 =	simm.s32 @!p0 $0xC140  }
0x1a6: {  	[tilespmem:s18], [sflag:$0x1] =	stream.indirect.gather @!p0 [hbm4b:s5+s15], $0x20, s8, s15, $0xb8;
	[tilespmem:$0x1CE00] =	vst v63  }
0x1a7: {  	s8 =	sadd.s32 @!p0 $0xA10, s6;
	s18 =	simm.s32 @!p0 $0xC780  }
0x1a8: {  	[tilespmem:s18], [sflag:$0x1] =	stream.indirect.gather @!p0 [hbm4b:s5+s15], $0x20, s8, s15, $0xb8;
	[tilespmem:$0x1CE00] =	vst v63  }
0x1a9: {  	s6 =	sadd.s32 @!p0 $0xA48, s6;
	s8 =	simm.s32 @!p0 $0xCDC0  }
0x1aa: {  	[tilespmem:s8], [sflag:$0x1] =	stream.indirect.gather @!p0 [hbm4b:s5+s15], $0x20, s6, s15, $0xb8;
	[tilespmem:$0x1CE00] =	vst v63  }
0x1ab: {  	_ =	swait.ge [sflag:s13], $0x640  }
0x1ac: {  	[sflag:s13] =	ssyncset.done $0x0  }
0x1ad: {  	[sflag:s13] =	ssyncadd.s32 $0xFFFFF9C0  }
0x1ae: {  	_ =	swait.ge [sflag:s13], $0x640  }
0x1af: {  	[sflag:s13] =	ssyncset.done $0x0  }
0x1b0: {  	[sflag:s13] =	ssyncadd.s32 $0xFFFFF9C0  }
0x1b1: {  	_ =	swait.ge [sflag:s13], $0x640  }
0x1b2: {  	[sflag:s13] =	ssyncset.done $0x0  }
0x1b3: {  	[sflag:s13] =	ssyncadd.s32 $0xFFFFF9C0  }
0x1b4: {  	_ =	swait.ge [sflag:s13], $0x640  }
0x1b5: {  	[sflag:s13] =	ssyncset.done $0x0  }
0x1b6: {  	[sflag:s13] =	ssyncadd.s32 $0xFFFFF9C0  }
0x1b7: {  	_ =	swait.ge [sflag:s13], $0x640  }
0x1b8: {  	[sflag:s13] =	ssyncset.done $0x0  }
0x1b9: {  	[sflag:s13] =	ssyncadd.s32 $0xFFFFF9C0  }
0x1ba: {  	_ =	swait.ge [sflag:s13], $0x640  }
0x1bb: {  	[sflag:s13] =	ssyncset.done $0x0  }
0x1bc: {  	[sflag:s13] =	ssyncadd.s32 $0xFFFFF9C0  }
0x1bd: {  	_ =	swait.ge [sflag:s13], $0x640  }
0x1be: {  	[sflag:s13] =	ssyncset.done $0x0  }
0x1bf: {  	[sflag:s13] =	ssyncadd.s32 $0xFFFFF9C0  }
0x1c0: {  	_ =	swait.ge [sflag:s13], $0x640  }
0x1c1: {  	[sflag:s13] =	ssyncset.done $0x0  }
0x1c2: {  	[sflag:s13] =	ssyncadd.s32 $0xFFFFF9C0  }
0x1c3: {  	_ =	swait.ge [sflag:s13], $0x640  }
0x1c4: {  	[sflag:s13] =	ssyncset.done $0x0  }
0x1c5: {  	[sflag:s13] =	ssyncadd.s32 $0xFFFFF9C0  }
0x1c6: {  	_ =	swait.ge [sflag:s13], $0x640  }
0x1c7: {  	[sflag:s13] =	ssyncset.done $0x0  }
0x1c8: {  	[sflag:s13] =	ssyncadd.s32 $0xFFFFF9C0  }
0x1c9: {  	_ =	swait.ge [sflag:s13], $0x640  }
0x1ca: {  	[sflag:s13] =	ssyncset.done $0x0  }
0x1cb: {  	[sflag:s13] =	ssyncadd.s32 $0xFFFFF9C0  }
0x1cc: {  	_ =	swait.ge [sflag:s13], $0x640  }
0x1cd: {  	[sflag:s13] =	ssyncset.done $0x0  }
0x1ce: {  	[sflag:s13] =	ssyncadd.s32 $0xFFFFF9C0  }
0x1cf: {  	_ =	swait.ge [sflag:s13], $0x640  }
0x1d0: {  	[sflag:s13] =	ssyncset.done $0x0  }
0x1d1: {  	[sflag:s13] =	ssyncadd.s32 $0xFFFFF9C0  }
0x1d2: {  	_ =	swait.ge [sflag:s13], $0x640  }
0x1d3: {  	[sflag:s13] =	ssyncset.done $0x0  }
0x1d4: {  	[sflag:s13] =	ssyncadd.s32 $0xFFFFF9C0  }
0x1d5: {  	_ =	swait.ge [sflag:s13], $0x640  }
0x1d6: {  	[sflag:s13] =	ssyncset.done $0x0  }
0x1d7: {  	[sflag:s13] =	ssyncadd.s32 $0xFFFFF9C0  }
0x1d8: {  	s20 =	simm.s32 $0x0;
	_ =	swait.ge [sflag:s13], $0x640  }
0x1d9: {  	v32 =	vmov s20;
	[sflag:s13] =	ssyncset.done $0x0  }
0x1da: {  	v32 =	vmul.u32 $0x300, v32;
	[sflag:s13] =	ssyncadd.s32 $0xFFFFF9C0  }
0x1db: {  	_ =	swait.ge [sflag:s14], $0x6400  }
0x1dc: {  	v32 =	vbroadcast v32, $0x0;
	[sflag:s14] =	ssyncset.done $0x0  }
0x1dd: {  	s21 =	simm.s32 $0x0;
	[sflag:s14] =	ssyncadd.s32 $0xFFFF9C00  }
0x1de: {  	v34 =	vadd.s32 v0, v32;
	v33 =	vld [tilespmem:s21+$0xD400];
	_ =	sdelay $0x4  }
0x1df: {  	[tilespmem:v34+s12+$0x0] =	vst.idx.msk $0xffff, v33  }
0x1e0: {  	v62 =	vadd.s32 v1, v32;
	v33 =	vld [tilespmem:s21+$0xD410];
	_ =	sdelay $0x4  }
0x1e1: {  	[tilespmem:v62+s12+$0x0] =	vst.idx.msk $0xffff, v33  }
0x1e2: {  	v63 =	vadd.s32 v2, v32;
	v33 =	vld [tilespmem:s21+$0xDA40];
	_ =	sdelay $0x4  }
0x1e3: {  	[tilespmem:v63+s12+$0x0] =	vst.idx.msk $0xffff, v33  }
0x1e4: {  	v36 =	vadd.s32 v3, v32;
	v33 =	vld [tilespmem:s21+$0xDA50];
	_ =	sdelay $0x4  }
0x1e5: {  	[tilespmem:v36+s12+$0x0] =	vst.idx.msk $0xffff, v33  }
0x1e6: {  	v37 =	vadd.s32 v4, v32;
	v33 =	vld [tilespmem:s21+$0xE080];
	_ =	sdelay $0x4  }
0x1e7: {  	[tilespmem:v37+s12+$0x0] =	vst.idx.msk $0xffff, v33  }
0x1e8: {  	v38 =	vadd.s32 v5, v32;
	v33 =	vld [tilespmem:s21+$0xE090];
	_ =	sdelay $0x4  }
0x1e9: {  	[tilespmem:v38+s12+$0x0] =	vst.idx.msk $0xffff, v33  }
0x1ea: {  	v39 =	vadd.s32 v6, v32;
	v33 =	vld [tilespmem:s21+$0xE6C0];
	_ =	sdelay $0x4  }
0x1eb: {  	[tilespmem:v39+s12+$0x0] =	vst.idx.msk $0xffff, v33  }
0x1ec: {  	v40 =	vadd.s32 v7, v32;
	v33 =	vld [tilespmem:s21+$0xE6D0];
	_ =	sdelay $0x4  }
0x1ed: {  	[tilespmem:v40+s12+$0x0] =	vst.idx.msk $0xffff, v33  }
0x1ee: {  	v41 =	vadd.s32 v8, v32;
	v33 =	vld [tilespmem:s21+$0xED00];
	_ =	sdelay $0x4  }
0x1ef: {  	[tilespmem:v41+s12+$0x0] =	vst.idx.msk $0xffff, v33  }
0x1f0: {  	v42 =	vadd.s32 v9, v32;
	v33 =	vld [tilespmem:s21+$0xED10];
	_ =	sdelay $0x4  }
0x1f1: {  	[tilespmem:v42+s12+$0x0] =	vst.idx.msk $0xffff, v33  }
0x1f2: {  	v43 =	vadd.s32 v10, v32;
	v33 =	vld [tilespmem:s21+$0xF340];
	_ =	sdelay $0x4  }
0x1f3: {  	[tilespmem:v43+s12+$0x0] =	vst.idx.msk $0xffff, v33  }
0x1f4: {  	v44 =	vadd.s32 v11, v32;
	v33 =	vld [tilespmem:s21+$0xF350];
	_ =	sdelay $0x4  }
0x1f5: {  	[tilespmem:v44+s12+$0x0] =	vst.idx.msk $0xffff, v33  }
0x1f6: {  	v45 =	vadd.s32 v12, v32;
	v33 =	vld [tilespmem:s21+$0xF980];
	_ =	sdelay $0x4  }
0x1f7: {  	[tilespmem:v45+s12+$0x0] =	vst.idx.msk $0xffff, v33  }
0x1f8: {  	v46 =	vadd.s32 v13, v32;
	v33 =	vld [tilespmem:s21+$0xF990];
	_ =	sdelay $0x4  }
0x1f9: {  	[tilespmem:v46+s12+$0x0] =	vst.idx.msk $0xffff, v33  }
0x1fa: {  	v47 =	vadd.s32 v14, v32;
	v33 =	vld [tilespmem:s21+$0xFFC0];
	_ =	sdelay $0x4  }
0x1fb: {  	[tilespmem:v47+s12+$0x0] =	vst.idx.msk $0xffff, v33  }
0x1fc: {  	v48 =	vadd.s32 v15, v32;
	v33 =	vld [tilespmem:s21+$0xFFD0];
	_ =	sdelay $0x4  }
0x1fd: {  	[tilespmem:v48+s12+$0x0] =	vst.idx.msk $0xffff, v33  }
0x1fe: {  	v49 =	vadd.s32 v16, v32;
	v33 =	vld [tilespmem:s21+$0x10600];
	_ =	sdelay $0x4  }
0x1ff: {  	[tilespmem:v49+s12+$0x0] =	vst.idx.msk $0xffff, v33  }
0x200: {  	v50 =	vadd.s32 v17, v32;
	v33 =	vld [tilespmem:s21+$0x10610];
	_ =	sdelay $0x4  }
0x201: {  	[tilespmem:v50+s12+$0x0] =	vst.idx.msk $0xffff, v33  }
0x202: {  	v51 =	vadd.s32 v18, v32;
	v33 =	vld [tilespmem:s21+$0x10C40];
	_ =	sdelay $0x4  }
0x203: {  	[tilespmem:v51+s12+$0x0] =	vst.idx.msk $0xffff, v33  }
0x204: {  	v52 =	vadd.s32 v19, v32;
	v33 =	vld [tilespmem:s21+$0x10C50];
	_ =	sdelay $0x4  }
0x205: {  	[tilespmem:v52+s12+$0x0] =	vst.idx.msk $0xffff, v33  }
0x206: {  	v53 =	vadd.s32 v20, v32;
	v33 =	vld [tilespmem:s21+$0x11280];
	_ =	sdelay $0x4  }
0x207: {  	[tilespmem:v53+s12+$0x0] =	vst.idx.msk $0xffff, v33  }
0x208: {  	v54 =	vadd.s32 v21, v32;
	v33 =	vld [tilespmem:s21+$0x11290];
	_ =	sdelay $0x4  }
0x209: {  	[tilespmem:v54+s12+$0x0] =	vst.idx.msk $0xffff, v33  }
0x20a: {  	v55 =	vadd.s32 v22, v32;
	v33 =	vld [tilespmem:s21+$0x118C0];
	_ =	sdelay $0x4  }
0x20b: {  	[tilespmem:v55+s12+$0x0] =	vst.idx.msk $0xffff, v33  }
0x20c: {  	v56 =	vadd.s32 v23, v32;
	v33 =	vld [tilespmem:s21+$0x118D0];
	_ =	sdelay $0x4  }
0x20d: {  	[tilespmem:v56+s12+$0x0] =	vst.idx.msk $0xffff, v33  }
0x20e: {  	v57 =	vadd.s32 v24, v32;
	v33 =	vld [tilespmem:s21+$0x11F00];
	_ =	sdelay $0x4  }
0x20f: {  	[tilespmem:v57+s12+$0x0] =	vst.idx.msk $0xffff, v33  }
0x210: {  	v58 =	vadd.s32 v25, v32;
	v33 =	vld [tilespmem:s21+$0x11F10];
	_ =	sdelay $0x4  }
0x211: {  	[tilespmem:v58+s12+$0x0] =	vst.idx.msk $0xffff, v33  }
0x212: {  	v59 =	vadd.s32 v26, v32;
	v33 =	vld [tilespmem:s21+$0x12540];
	_ =	sdelay $0x4  }
0x213: {  	[tilespmem:v59+s12+$0x0] =	vst.idx.msk $0xffff, v33  }
0x214: {  	v60 =	vadd.s32 v27, v32;
	v33 =	vld [tilespmem:s21+$0x12550];
	_ =	sdelay $0x4  }
0x215: {  	[tilespmem:v60+s12+$0x0] =	vst.idx.msk $0xffff, v33  }
0x216: {  	v61 =	vadd.s32 v28, v32;
	v33 =	vld [tilespmem:s21+$0x12B80];
	_ =	sdelay $0x4  }
0x217: {  	[tilespmem:v61+s12+$0x0] =	vst.idx.msk $0xffff, v33  }
0x218: {  	v62 =	vadd.s32 v29, v32;
	v33 =	vld [tilespmem:s21+$0x12B90];
	_ =	sdelay $0x4  }
0x219: {  	[tilespmem:v62+s12+$0x0] =	vst.idx.msk $0xffff, v33  }
0x21a: {  	v63 =	vadd.s32 v30, v32;
	v33 =	vld [tilespmem:s21+$0x131C0];
	_ =	sdelay $0x4  }
0x21b: {  	[tilespmem:v63+s12+$0x0] =	vst.idx.msk $0xffff, v33  }
0x21c: {  	s8 =	simm.s32 $0x1;
	v34 =	vadd.s32 v31, v32;
	v33 =	vld [tilespmem:s21+$0x131D0]  }
0x21d: {  	s6 =	simm.s32 $0x80;
	s15 =	simm.s32 $0x100;
	v32 =	vmov s8  }
.LBB2_7:
0x21e: {  	p0 =	sne.s32 s15, $0x1880;
	v32 =	vmul.u32 $0x300, v32;
	_ =	sdelay $0x1  }
0x21f: {  	v32 =	vbroadcast v32, $0x0  }
0x220: {  	s18 =	sshra.s32 s6, $0x2;
	s6 =	smov.u32 s15;
	[tilespmem:v34+s12+$0x0] =	vst.idx.msk $0xffff, v33  }
0x221: {  	v33 =	vld [tilespmem:s18+$0xD400];
	v34 =	vadd.s32 v0, v32;
	_ =	sdelay $0x4  }
0x222: {  	[tilespmem:v34+s12+$0x0] =	vst.idx.msk $0xffff, v33  }
0x223: {  	v34 =	vadd.s32 v1, v32;
	v33 =	vld [tilespmem:s18+$0xD410];
	_ =	sdelay $0x4  }
0x224: {  	[tilespmem:v34+s12+$0x0] =	vst.idx.msk $0xffff, v33  }
0x225: {  	v34 =	vadd.s32 v2, v32;
	v33 =	vld [tilespmem:s18+$0xDA40];
	_ =	sdelay $0x4  }
0x226: {  	[tilespmem:v34+s12+$0x0] =	vst.idx.msk $0xffff, v33  }
0x227: {  	v34 =	vadd.s32 v3, v32;
	v33 =	vld [tilespmem:s18+$0xDA50];
	_ =	sdelay $0x4  }
0x228: {  	[tilespmem:v34+s12+$0x0] =	vst.idx.msk $0xffff, v33  }
0x229: {  	v34 =	vadd.s32 v4, v32;
	v33 =	vld [tilespmem:s18+$0xE080];
	_ =	sdelay $0x4  }
0x22a: {  	[tilespmem:v34+s12+$0x0] =	vst.idx.msk $0xffff, v33  }
0x22b: {  	v34 =	vadd.s32 v5, v32;
	v33 =	vld [tilespmem:s18+$0xE090];
	_ =	sdelay $0x4  }
0x22c: {  	[tilespmem:v34+s12+$0x0] =	vst.idx.msk $0xffff, v33  }
0x22d: {  	v34 =	vadd.s32 v6, v32;
	v33 =	vld [tilespmem:s18+$0xE6C0];
	_ =	sdelay $0x4  }
0x22e: {  	[tilespmem:v34+s12+$0x0] =	vst.idx.msk $0xffff, v33  }
0x22f: {  	v34 =	vadd.s32 v7, v32;
	v33 =	vld [tilespmem:s18+$0xE6D0];
	_ =	sdelay $0x4  }
0x230: {  	[tilespmem:v34+s12+$0x0] =	vst.idx.msk $0xffff, v33  }
0x231: {  	v34 =	vadd.s32 v8, v32;
	v33 =	vld [tilespmem:s18+$0xED00];
	_ =	sdelay $0x4  }
0x232: {  	[tilespmem:v34+s12+$0x0] =	vst.idx.msk $0xffff, v33  }
0x233: {  	v34 =	vadd.s32 v9, v32;
	v33 =	vld [tilespmem:s18+$0xED10];
	_ =	sdelay $0x4  }
0x234: {  	[tilespmem:v34+s12+$0x0] =	vst.idx.msk $0xffff, v33  }
0x235: {  	v34 =	vadd.s32 v10, v32;
	v33 =	vld [tilespmem:s18+$0xF340];
	_ =	sdelay $0x4  }
0x236: {  	[tilespmem:v34+s12+$0x0] =	vst.idx.msk $0xffff, v33  }
0x237: {  	v34 =	vadd.s32 v11, v32;
	v33 =	vld [tilespmem:s18+$0xF350];
	_ =	sdelay $0x4  }
0x238: {  	[tilespmem:v34+s12+$0x0] =	vst.idx.msk $0xffff, v33  }
0x239: {  	v34 =	vadd.s32 v12, v32;
	v33 =	vld [tilespmem:s18+$0xF980];
	_ =	sdelay $0x4  }
0x23a: {  	[tilespmem:v34+s12+$0x0] =	vst.idx.msk $0xffff, v33  }
0x23b: {  	v34 =	vadd.s32 v13, v32;
	v33 =	vld [tilespmem:s18+$0xF990];
	_ =	sdelay $0x4  }
0x23c: {  	[tilespmem:v34+s12+$0x0] =	vst.idx.msk $0xffff, v33  }
0x23d: {  	v34 =	vadd.s32 v14, v32;
	v33 =	vld [tilespmem:s18+$0xFFC0];
	_ =	sdelay $0x4  }
0x23e: {  	[tilespmem:v34+s12+$0x0] =	vst.idx.msk $0xffff, v33  }
0x23f: {  	v34 =	vadd.s32 v15, v32;
	v33 =	vld [tilespmem:s18+$0xFFD0];
	_ =	sdelay $0x4  }
0x240: {  	[tilespmem:v34+s12+$0x0] =	vst.idx.msk $0xffff, v33  }
0x241: {  	v34 =	vadd.s32 v16, v32;
	v33 =	vld [tilespmem:s18+$0x10600];
	_ =	sdelay $0x4  }
0x242: {  	[tilespmem:v34+s12+$0x0] =	vst.idx.msk $0xffff, v33  }
0x243: {  	v34 =	vadd.s32 v17, v32;
	v33 =	vld [tilespmem:s18+$0x10610];
	_ =	sdelay $0x4  }
0x244: {  	[tilespmem:v34+s12+$0x0] =	vst.idx.msk $0xffff, v33  }
0x245: {  	v34 =	vadd.s32 v18, v32;
	v33 =	vld [tilespmem:s18+$0x10C40];
	_ =	sdelay $0x4  }
0x246: {  	[tilespmem:v34+s12+$0x0] =	vst.idx.msk $0xffff, v33  }
0x247: {  	v34 =	vadd.s32 v19, v32;
	v33 =	vld [tilespmem:s18+$0x10C50];
	_ =	sdelay $0x4  }
0x248: {  	[tilespmem:v34+s12+$0x0] =	vst.idx.msk $0xffff, v33  }
0x249: {  	v34 =	vadd.s32 v20, v32;
	v33 =	vld [tilespmem:s18+$0x11280];
	_ =	sdelay $0x4  }
0x24a: {  	[tilespmem:v34+s12+$0x0] =	vst.idx.msk $0xffff, v33  }
0x24b: {  	v34 =	vadd.s32 v21, v32;
	v33 =	vld [tilespmem:s18+$0x11290];
	_ =	sdelay $0x4  }
0x24c: {  	[tilespmem:v34+s12+$0x0] =	vst.idx.msk $0xffff, v33  }
0x24d: {  	v34 =	vadd.s32 v22, v32;
	v33 =	vld [tilespmem:s18+$0x118C0];
	_ =	sdelay $0x4  }
0x24e: {  	[tilespmem:v34+s12+$0x0] =	vst.idx.msk $0xffff, v33  }
0x24f: {  	v34 =	vadd.s32 v23, v32;
	v33 =	vld [tilespmem:s18+$0x118D0];
	_ =	sdelay $0x4  }
0x250: {  	[tilespmem:v34+s12+$0x0] =	vst.idx.msk $0xffff, v33  }
0x251: {  	v34 =	vadd.s32 v24, v32;
	v33 =	vld [tilespmem:s18+$0x11F00];
	_ =	sdelay $0x4  }
0x252: {  	[tilespmem:v34+s12+$0x0] =	vst.idx.msk $0xffff, v33  }
0x253: {  	v34 =	vadd.s32 v25, v32;
	v33 =	vld [tilespmem:s18+$0x11F10];
	_ =	sdelay $0x4  }
0x254: {  	[tilespmem:v34+s12+$0x0] =	vst.idx.msk $0xffff, v33  }
0x255: {  	v34 =	vadd.s32 v26, v32;
	v33 =	vld [tilespmem:s18+$0x12540];
	_ =	sdelay $0x4  }
0x256: {  	[tilespmem:v34+s12+$0x0] =	vst.idx.msk $0xffff, v33  }
0x257: {  	v34 =	vadd.s32 v27, v32;
	v33 =	vld [tilespmem:s18+$0x12550];
	_ =	sdelay $0x4  }
0x258: {  	[tilespmem:v34+s12+$0x0] =	vst.idx.msk $0xffff, v33  }
0x259: {  	v34 =	vadd.s32 v28, v32;
	v33 =	vld [tilespmem:s18+$0x12B80];
	_ =	sdelay $0x4  }
0x25a: {  	[tilespmem:v34+s12+$0x0] =	vst.idx.msk $0xffff, v33  }
0x25b: {  	v34 =	vadd.s32 v29, v32;
	v33 =	vld [tilespmem:s18+$0x12B90];
	_ =	sdelay $0x4  }
0x25c: {  	[tilespmem:v34+s12+$0x0] =	vst.idx.msk $0xffff, v33  }
0x25d: {  	v34 =	vadd.s32 v30, v32;
	v33 =	vld [tilespmem:s18+$0x131C0];
	_ =	sdelay $0x2  }
.Ltmp2:
0x25e: {  	(pc) =	sbr.rel @p0 .LBB2_7-.Ltmp2, $4  }
0x25f: {  	_ = 	snop  }
0x260: {  	[tilespmem:v34+s12+$0x0] =	vst.idx.msk $0xffff, v33  }
0x261: {  	s8 =	sadd.s32 $0x1, s8;
	v34 =	vadd.s32 v31, v32;
	v33 =	vld [tilespmem:s18+$0x131D0]  }
0x262: {  	s15 =	sadd.s32 $0x80, s15;
	v32 =	vmov s8  }
0x263: {  	_ = 	snop  }
0x264: {  	v32 =	vmul.u32 $0x300, v32;
	_ =	sdelay $0x1  }
0x265: {  	v32 =	vbroadcast v32, $0x0  }
0x266: {  	s6 =	sshra.s32 s6, $0x2;
	[tilespmem:v34+s12+$0x0] =	vst.idx.msk $0xffff, v33  }
0x267: {  	v33 =	vld [tilespmem:s6+$0xD400];
	v61 =	vadd.s32 v0, v32;
	_ =	sdelay $0x4  }
0x268: {  	[tilespmem:v61+s12+$0x0] =	vst.idx.msk $0xffff, v33  }
0x269: {  	v62 =	vadd.s32 v1, v32;
	v33 =	vld [tilespmem:s6+$0xD410];
	_ =	sdelay $0x4  }
0x26a: {  	[tilespmem:v62+s12+$0x0] =	vst.idx.msk $0xffff, v33  }
0x26b: {  	v63 =	vadd.s32 v2, v32;
	v33 =	vld [tilespmem:s6+$0xDA40];
	_ =	sdelay $0x4  }
0x26c: {  	[tilespmem:v63+s12+$0x0] =	vst.idx.msk $0xffff, v33  }
0x26d: {  	v36 =	vadd.s32 v3, v32;
	v33 =	vld [tilespmem:s6+$0xDA50];
	_ =	sdelay $0x4  }
0x26e: {  	[tilespmem:v36+s12+$0x0] =	vst.idx.msk $0xffff, v33  }
0x26f: {  	v37 =	vadd.s32 v4, v32;
	v33 =	vld [tilespmem:s6+$0xE080];
	_ =	sdelay $0x4  }
0x270: {  	[tilespmem:v37+s12+$0x0] =	vst.idx.msk $0xffff, v33  }
0x271: {  	v38 =	vadd.s32 v5, v32;
	v33 =	vld [tilespmem:s6+$0xE090];
	_ =	sdelay $0x4  }
0x272: {  	[tilespmem:v38+s12+$0x0] =	vst.idx.msk $0xffff, v33  }
0x273: {  	v39 =	vadd.s32 v6, v32;
	v33 =	vld [tilespmem:s6+$0xE6C0];
	_ =	sdelay $0x4  }
0x274: {  	[tilespmem:v39+s12+$0x0] =	vst.idx.msk $0xffff, v33  }
0x275: {  	v40 =	vadd.s32 v7, v32;
	v33 =	vld [tilespmem:s6+$0xE6D0];
	_ =	sdelay $0x4  }
0x276: {  	[tilespmem:v40+s12+$0x0] =	vst.idx.msk $0xffff, v33  }
0x277: {  	v41 =	vadd.s32 v8, v32;
	v33 =	vld [tilespmem:s6+$0xED00];
	_ =	sdelay $0x4  }
0x278: {  	[tilespmem:v41+s12+$0x0] =	vst.idx.msk $0xffff, v33  }
0x279: {  	v42 =	vadd.s32 v9, v32;
	v33 =	vld [tilespmem:s6+$0xED10];
	_ =	sdelay $0x4  }
0x27a: {  	[tilespmem:v42+s12+$0x0] =	vst.idx.msk $0xffff, v33  }
0x27b: {  	v43 =	vadd.s32 v10, v32;
	v33 =	vld [tilespmem:s6+$0xF340];
	_ =	sdelay $0x4  }
0x27c: {  	[tilespmem:v43+s12+$0x0] =	vst.idx.msk $0xffff, v33  }
0x27d: {  	v44 =	vadd.s32 v11, v32;
	v33 =	vld [tilespmem:s6+$0xF350];
	_ =	sdelay $0x4  }
0x27e: {  	[tilespmem:v44+s12+$0x0] =	vst.idx.msk $0xffff, v33  }
0x27f: {  	v45 =	vadd.s32 v12, v32;
	v33 =	vld [tilespmem:s6+$0xF980];
	_ =	sdelay $0x4  }
0x280: {  	[tilespmem:v45+s12+$0x0] =	vst.idx.msk $0xffff, v33  }
0x281: {  	v46 =	vadd.s32 v13, v32;
	v33 =	vld [tilespmem:s6+$0xF990];
	_ =	sdelay $0x4  }
0x282: {  	[tilespmem:v46+s12+$0x0] =	vst.idx.msk $0xffff, v33  }
0x283: {  	v47 =	vadd.s32 v14, v32;
	v33 =	vld [tilespmem:s6+$0xFFC0];
	_ =	sdelay $0x4  }
0x284: {  	[tilespmem:v47+s12+$0x0] =	vst.idx.msk $0xffff, v33  }
0x285: {  	v48 =	vadd.s32 v15, v32;
	v33 =	vld [tilespmem:s6+$0xFFD0];
	_ =	sdelay $0x4  }
0x286: {  	[tilespmem:v48+s12+$0x0] =	vst.idx.msk $0xffff, v33  }
0x287: {  	v49 =	vadd.s32 v16, v32;
	v33 =	vld [tilespmem:s6+$0x10600];
	_ =	sdelay $0x4  }
0x288: {  	[tilespmem:v49+s12+$0x0] =	vst.idx.msk $0xffff, v33  }
0x289: {  	v50 =	vadd.s32 v17, v32;
	v33 =	vld [tilespmem:s6+$0x10610];
	_ =	sdelay $0x4  }
0x28a: {  	[tilespmem:v50+s12+$0x0] =	vst.idx.msk $0xffff, v33  }
0x28b: {  	v51 =	vadd.s32 v18, v32;
	v33 =	vld [tilespmem:s6+$0x10C40];
	_ =	sdelay $0x4  }
0x28c: {  	[tilespmem:v51+s12+$0x0] =	vst.idx.msk $0xffff, v33  }
0x28d: {  	v52 =	vadd.s32 v19, v32;
	v33 =	vld [tilespmem:s6+$0x10C50];
	_ =	sdelay $0x4  }
0x28e: {  	[tilespmem:v52+s12+$0x0] =	vst.idx.msk $0xffff, v33  }
0x28f: {  	v53 =	vadd.s32 v20, v32;
	v33 =	vld [tilespmem:s6+$0x11280];
	_ =	sdelay $0x4  }
0x290: {  	[tilespmem:v53+s12+$0x0] =	vst.idx.msk $0xffff, v33  }
0x291: {  	v54 =	vadd.s32 v21, v32;
	v33 =	vld [tilespmem:s6+$0x11290];
	_ =	sdelay $0x4  }
0x292: {  	[tilespmem:v54+s12+$0x0] =	vst.idx.msk $0xffff, v33  }
0x293: {  	v55 =	vadd.s32 v22, v32;
	v33 =	vld [tilespmem:s6+$0x118C0];
	_ =	sdelay $0x4  }
0x294: {  	[tilespmem:v55+s12+$0x0] =	vst.idx.msk $0xffff, v33  }
0x295: {  	v56 =	vadd.s32 v23, v32;
	v33 =	vld [tilespmem:s6+$0x118D0];
	_ =	sdelay $0x4  }
0x296: {  	[tilespmem:v56+s12+$0x0] =	vst.idx.msk $0xffff, v33  }
0x297: {  	v57 =	vadd.s32 v24, v32;
	v33 =	vld [tilespmem:s6+$0x11F00];
	_ =	sdelay $0x4  }
0x298: {  	[tilespmem:v57+s12+$0x0] =	vst.idx.msk $0xffff, v33  }
0x299: {  	v58 =	vadd.s32 v25, v32;
	v33 =	vld [tilespmem:s6+$0x11F10];
	_ =	sdelay $0x4  }
0x29a: {  	[tilespmem:v58+s12+$0x0] =	vst.idx.msk $0xffff, v33  }
0x29b: {  	v59 =	vadd.s32 v26, v32;
	v33 =	vld [tilespmem:s6+$0x12540];
	_ =	sdelay $0x4  }
0x29c: {  	[tilespmem:v59+s12+$0x0] =	vst.idx.msk $0xffff, v33  }
0x29d: {  	v60 =	vadd.s32 v27, v32;
	v33 =	vld [tilespmem:s6+$0x12550];
	_ =	sdelay $0x4  }
0x29e: {  	[tilespmem:v60+s12+$0x0] =	vst.idx.msk $0xffff, v33  }
0x29f: {  	v61 =	vadd.s32 v28, v32;
	v33 =	vld [tilespmem:s6+$0x12B80];
	_ =	sdelay $0x4  }
0x2a0: {  	[tilespmem:v61+s12+$0x0] =	vst.idx.msk $0xffff, v33  }
0x2a1: {  	v62 =	vadd.s32 v29, v32;
	v33 =	vld [tilespmem:s6+$0x12B90];
	_ =	sdelay $0x4  }
0x2a2: {  	[tilespmem:v62+s12+$0x0] =	vst.idx.msk $0xffff, v33  }
0x2a3: {  	v63 =	vadd.s32 v30, v32;
	v33 =	vld [tilespmem:s6+$0x131C0];
	_ =	sdelay $0x4  }
0x2a4: {  	[tilespmem:v63+s12+$0x0] =	vst.idx.msk $0xffff, v33  }
0x2a5: {  	v32 =	vadd.s32 v31, v32;
	v33 =	vld [tilespmem:s6+$0x131D0]  }
0x2a6: {  	s7 =	sshll.u32 s7, $0x3  }
0x2a7: {  	s8 =	sand.u32 $0x70, s17;
	s6 =	sand.u32 $0x1FC00, s7  }
0x2a8: {  	s6 =	sor.u32 s8, s6  }
0x2a9: {  	s6 =	sshrl.u32 s6, $0x3  }
0x2aa: {  	s15 =	simm.s32 $0x13800;
	s7 =	sadd.s32 s2, s6;
	[tilespmem:v32+s12+$0x0] =	vst.idx.msk $0xffff, v33  }
0x2ab: {  	[hbm4b:s7+s4] =	stream.linear.scatter [tilespmem:s15], [sflag:$0x3], $0x10, $0x38;
	[tilespmem:$0x1CE00] =	vst v63  }
0x2ac: {  	s17 =	simm.s32 $0x13818;
	s8 =	sadd.s32 $0x10, s7  }
0x2ad: {  	[hbm4b:s8+s4] =	stream.linear.scatter [tilespmem:s17], [sflag:$0x3], $0x10, $0x38;
	[tilespmem:$0x1CE00] =	vst v63  }
0x2ae: {  	s18 =	simm.s32 $0x13830;
	s20 =	simm.s32 $0x13848;
	s19 =	sadd.s32 $0x20, s7  }
0x2af: {  	[hbm4b:s19+s4] =	stream.linear.scatter [tilespmem:s18], [sflag:$0x3], $0x10, $0x38;
	[tilespmem:$0x1CE00] =	vst v63  }
0x2b0: {  	s6 =	simm.s32 $0xC0;
	s21 =	sadd.s32 $0x30, s7;
	s15 =	simm.s32 $0x13860  }
0x2b1: {  	[hbm4b:s21+s4] =	stream.linear.scatter [tilespmem:s20], [sflag:$0x3], $0x10, $0x38;
	[tilespmem:$0x1CE00] =	vst v63  }
0x2b2: {  	s17 =	sadd.s32 $0x40, s7;
	s8 =	simm.s32 $0x600;
	s18 =	simm.s32 $0x13878  }
0x2b3: {  	[hbm4b:s17+s4] =	stream.linear.scatter [tilespmem:s15], [sflag:$0x3], $0x10, $0x38;
	[tilespmem:$0x1CE00] =	vst v63  }
0x2b4: {  	s19 =	sadd.s32 $0x50, s7;
	s20 =	simm.s32 $0x13890;
	s21 =	sadd.s32 $0x60, s7  }
0x2b5: {  	[hbm4b:s19+s4] =	stream.linear.scatter [tilespmem:s18], [sflag:$0x3], $0x10, $0x38;
	[tilespmem:$0x1CE00] =	vst v63  }
0x2b6: {  	s15 =	simm.s32 $0x138A8;
	s17 =	sadd.s32 $0x70, s7;
	s7 =	sadd.s32 $0x4000, s7  }
0x2b7: {  	[hbm4b:s21+s4] =	stream.linear.scatter [tilespmem:s20], [sflag:$0x3], $0x10, $0x38;
	[tilespmem:$0x1CE00] =	vst v63  }
.LBB2_9:
0x2b8: {  	[hbm4b:s17+s4] =	stream.linear.scatter [tilespmem:s15], [sflag:$0x3], $0x10, $0x38;
	[tilespmem:$0x1CE00] =	vst v63  }
0x2b9: {  	s15 =	smov.u32 s6;
	s6 =	smov.u32 s8  }
0x2ba: {  	s18 =	sadd.s32 $0x300, s8;
	s6 =	sshra.s32 s6, $0x2;
	s17 =	sadd.s32 $0x13800, s15  }
0x2bb: {  	[hbm4b:s7+s4] =	stream.linear.scatter [tilespmem:s17], [sflag:$0x3], $0x10, $0x38;
	[tilespmem:$0x1CE00] =	vst v63  }
0x2bc: {  	p0 =	sne.s32 s8, $0x25500;
	s8 =	sadd.s32 $0x13818, s15;
	s17 =	sadd.s32 $0x10, s7  }
0x2bd: {  	[hbm4b:s17+s4] =	stream.linear.scatter [tilespmem:s8], [sflag:$0x3], $0x10, $0x38;
	[tilespmem:$0x1CE00] =	vst v63  }
0x2be: {  	s8 =	sadd.s32 $0x13830, s15;
	s17 =	sadd.s32 $0x20, s7  }
0x2bf: {  	[hbm4b:s17+s4] =	stream.linear.scatter [tilespmem:s8], [sflag:$0x3], $0x10, $0x38;
	[tilespmem:$0x1CE00] =	vst v63  }
0x2c0: {  	s8 =	sadd.s32 $0x13848, s15;
	s17 =	sadd.s32 $0x30, s7  }
0x2c1: {  	[hbm4b:s17+s4] =	stream.linear.scatter [tilespmem:s8], [sflag:$0x3], $0x10, $0x38;
	[tilespmem:$0x1CE00] =	vst v63  }
0x2c2: {  	s8 =	sadd.s32 $0x13860, s15;
	s17 =	sadd.s32 $0x40, s7  }
0x2c3: {  	[hbm4b:s17+s4] =	stream.linear.scatter [tilespmem:s8], [sflag:$0x3], $0x10, $0x38;
	[tilespmem:$0x1CE00] =	vst v63  }
.Ltmp3:
0x2c4: {  	s8 =	sadd.s32 $0x13878, s15;
	s17 =	sadd.s32 $0x50, s7;
	(pc) =	sbr.rel @p0 .LBB2_9-.Ltmp3, $4  }
0x2c5: {  	[hbm4b:s17+s4] =	stream.linear.scatter [tilespmem:s8], [sflag:$0x3], $0x10, $0x38;
	[tilespmem:$0x1CE00] =	vst v63  }
0x2c6: {  	s8 =	sadd.s32 $0x13890, s15;
	s17 =	sadd.s32 $0x60, s7;
	s15 =	sadd.s32 $0x138A8, s15  }
0x2c7: {  	[hbm4b:s17+s4] =	stream.linear.scatter [tilespmem:s8], [sflag:$0x3], $0x10, $0x38;
	[tilespmem:$0x1CE00] =	vst v63  }
0x2c8: {  	s17 =	sadd.s32 $0x70, s7;
	s7 =	sadd.s32 $0x4000, s7;
	s8 =	smov.u32 s18  }
0x2c9: {  	[hbm4b:s17+s4] =	stream.linear.scatter [tilespmem:s15], [sflag:$0x3], $0x10, $0x38;
	[tilespmem:$0x1CE00] =	vst v63  }
0x2ca: {  	s8 =	sadd.s32 $0x13800, s6  }
0x2cb: {  	[hbm4b:s7+s4] =	stream.linear.scatter [tilespmem:s8], [sflag:$0x3], $0x10, $0x38;
	[tilespmem:$0x1CE00] =	vst v63  }
0x2cc: {  	s20 =	sadd.s32 $0x13818, s6;
	s21 =	sadd.s32 $0x10, s7  }
0x2cd: {  	[hbm4b:s21+s4] =	stream.linear.scatter [tilespmem:s20], [sflag:$0x3], $0x10, $0x38;
	[tilespmem:$0x1CE00] =	vst v63  }
0x2ce: {  	s15 =	sadd.s32 $0x13830, s6;
	s17 =	sadd.s32 $0x20, s7  }
0x2cf: {  	[hbm4b:s17+s4] =	stream.linear.scatter [tilespmem:s15], [sflag:$0x3], $0x10, $0x38;
	[tilespmem:$0x1CE00] =	vst v63  }
0x2d0: {  	s18 =	sadd.s32 $0x13848, s6;
	s19 =	sadd.s32 $0x30, s7  }
0x2d1: {  	[hbm4b:s19+s4] =	stream.linear.scatter [tilespmem:s18], [sflag:$0x3], $0x10, $0x38;
	[tilespmem:$0x1CE00] =	vst v63  }
0x2d2: {  	s16 =	sadd.s32 $0x1, s16;
	s20 =	sadd.s32 $0x13860, s6;
	s21 =	sadd.s32 $0x40, s7  }
0x2d3: {  	[hbm4b:s21+s4] =	stream.linear.scatter [tilespmem:s20], [sflag:$0x3], $0x10, $0x38;
	[tilespmem:$0x1CE00] =	vst v63  }
0x2d4: {  	p0 =	sne.s32 s16, $0x10;
	s15 =	sadd.s32 $0x13878, s6;
	s17 =	sadd.s32 $0x50, s7  }
0x2d5: {  	[hbm4b:s17+s4] =	stream.linear.scatter [tilespmem:s15], [sflag:$0x3], $0x10, $0x38;
	[tilespmem:$0x1CE00] =	vst v63  }
.Ltmp4:
0x2d6: {  	_ = 	snop;
	(pc) =	sbr.rel @p0 .LBB2_2-.Ltmp4, $4  }
0x2d7: {  	s18 =	sadd.s32 $0x13890, s6;
	s19 =	sadd.s32 $0x60, s7  }
0x2d8: {  	[hbm4b:s19+s4] =	stream.linear.scatter [tilespmem:s18], [sflag:$0x3], $0x10, $0x38;
	[tilespmem:$0x1CE00] =	vst v63  }
0x2d9: {  	s20 =	sadd.s32 $0x138A8, s6;
	s21 =	sadd.s32 $0x70, s7  }
0x2da: {  	[hbm4b:s21+s4] =	stream.linear.scatter [tilespmem:s20], [sflag:$0x3], $0x10, $0x38;
	[tilespmem:$0x1CE00] =	vst v63  }
0x2db: {  	_ =	swait.ge [sflag:s14], $0x6400  }
0x2dc: {  	s7 =	rddreg [dreg:$0x5]  }
0x2dd: {  	s6 =	rddreg [dreg:$0x4];
	s7 =	sadd.s32 $0x1, s7  }
0x2de: {  	p0 =	sne.s32 s7, s6  }
.Ltmp5:
0x2df: {  	_ = 	snop;
	(pc) =	sbr.rel @p0 .LBB2_1-.Ltmp5, $3  }
0x2e0: {  	_ =	sdelay $0x1  }
0x2e1: {  	[sflag:s14] =	ssyncset.done $0x0  }
0x2e2: {  	[sflag:s14] =	ssyncadd.s32 $0xFFFF9C00  }
0x2e3: {  	_ =	sfence.sel $0x180000  }
0x2e4: {  	[bflag:$0x0] =	sbarrier.arrive $0xFFFF  }
0x2e5: {  	_ =	strace $0x90000047  }
0x2e6: {  	s0 =	stileid.u32;
	[bflag:$0x2] =	sbarrier.arrive $0xFFFF  }
0x2e7: {  	p0 =	sne.s32 s0, $0x0;
	s0 =	rddreg [dreg:$0x2]  }
0x2e8: {  	s0 =	sadd.s32 @!p0 $0x100000, s0  }
0x2e9: {  	[sflag:s0] =	ssyncadd.tile.s32 @!p0 $0x1;
	_ =	shalt  }
.Lfunc_end2:
_tile_overlayer_lowered:
.L_overlay_start_2:
0x2ea: {  	(tag) =	ssettag $0x2  }
0x2eb: {  	s0 =	rddreg [dreg:$0x0];
	s2 =	stileid.u32  }
0x2ec: {  	s1 =	rddreg [dreg:$0x1];
	p0 =	sne.s32 s2, $0x0  }
0x2ed: {  	s3 =	rddreg [dreg:$0x2];
	[bflag:$0x3] =	sbarrier.arrive $0xFFFF;
	s2 =	simm.s32 @!p0 $0x1C04  }
0x2ee: {  	[timem:s3], [sflag:s2] =	dma.local @!p0 [hbm:s0], s1  }
0x2ef: {  	s0 =	simm.s32 @!p0 $0x4  }
0x2f0: {  	_ =	swait.ge @!p0 [sflag:s0], s1  }
0x2f1: {  	s1 =	ssub.s32 @!p0 $0x0, s1;
	[sflag:s0] =	ssyncset.done @!p0 $0x0  }
0x2f2: {  	[sflag:s0] =	ssyncadd.s32 @!p0 s1  }
0x2f3: {  	[bflag:$0x3] =	sbarrier.arrive $0xFFFF  }
0x2f4: {  	_ =	shalt  }

</sc_bundles>
